<compile_context>
chip_gen: v7x
topology: tpu7x:2x2x1
jax: 0.10.2.dev20260603
libtpu: 0.0.44.dev20260713+nightly
codegen_flags: <defaults>
</compile_context>

<pallas_src>
import functools

import jax
import jax.numpy as jnp
from jax import lax
from jax.experimental import pallas as pl
from jax.experimental.pallas import tpu as pltpu
from jax.experimental.pallas import tpu_sc as plsc

N = 10000
E = 320000
D = 128

NC = 2
NS = 16
NW = NC * NS
EPW = E // NW
CH = 80
NCHUNK = EPW // CH
SECTS = ((0, 40), (40, 40), (80, 45))
SMAX = 45

NPAD = 10240
RPT = NPAD // NS

_mesh = plsc.VectorSubcoreMesh(core_axis_name="c", subcore_axis_name="s")

_Z16 = functools.partial(jnp.zeros, (16,), jnp.float32)


@functools.partial(
    pl.kernel,
    out_type=jax.ShapeDtypeStruct((NC, NPAD), jnp.float32),
    mesh=_mesh,
    scratch_types=[
        pltpu.VMEM((NCHUNK, CH), jnp.int32),
        pltpu.VMEM((CH,), jnp.float32),
        pltpu.VMEM((RPT,), jnp.float32),
        pltpu.VMEM_SHARED((NPAD,), jnp.float32),
    ],
)
def _deg_partials(col_hbm, out_hbm, colv, onesv, zbuf, acc):
    core = lax.axis_index("c")
    sub = lax.axis_index("s")
    wid = core * NS + sub

    for k in range(RPT // 16):
        zbuf[pl.ds(16 * k, 16)] = _Z16()
    pltpu.sync_copy(zbuf, acc.at[pl.ds(sub * RPT, RPT)])
    for k in range(CH // 16):
        onesv[pl.ds(16 * k, 16)] = jnp.ones((16,), jnp.float32)
    pltpu.sync_copy(col_hbm.at[wid], colv)
    plsc.subcore_barrier()

    def body(j, carry):
        pltpu.sync_copy(onesv, acc.at[colv.at[j]], add=True)
        return carry

    lax.fori_loop(0, NCHUNK, body, 0)
    plsc.subcore_barrier()
    pltpu.sync_copy(acc.at[pl.ds(sub * RPT, RPT)],
                    out_hbm.at[core, pl.ds(sub * RPT, RPT)])


_BLK = 1000
_GRID = N // _BLK


def _matmul_body(x_ref, wt_ref, h_ref):
    h_ref[...] = lax.dot_general(x_ref[...], wt_ref[...],
                                 (((1,), (0,)), ((), ())),
                                 preferred_element_type=jnp.float32)


def _matmul(x, wt):
    return pl.pallas_call(
        _matmul_body,
        grid=(_GRID,),
        in_specs=[
            pl.BlockSpec((_BLK, D), lambda i: (i, 0)),
            pl.BlockSpec((D, D), lambda i: (0, 0)),
        ],
        out_specs=pl.BlockSpec((_BLK, D), lambda i: (i, 0)),
        out_shape=jax.ShapeDtypeStruct((N, D), jnp.float32),
    )(x, wt)


def _scale_body(h_ref, degp_ref, g_ref, dis_ref):
    deg = degp_ref[:, 0:1] + degp_ref[:, 1:2] + 1.0
    dis = lax.rsqrt(deg)
    g_ref[...] = h_ref[...] * dis
    dis_ref[...] = dis


def _scale(h, degp_t):
    return pl.pallas_call(
        _scale_body,
        grid=(_GRID,),
        in_specs=[
            pl.BlockSpec((_BLK, D), lambda i: (i, 0)),
            pl.BlockSpec((_BLK, 2), lambda i: (i, 0)),
        ],
        out_specs=[
            pl.BlockSpec((_BLK, D), lambda i: (i, 0)),
            pl.BlockSpec((_BLK, 1), lambda i: (i, 0)),
        ],
        out_shape=[
            jax.ShapeDtypeStruct((N, D), jnp.float32),
            jax.ShapeDtypeStruct((N, 1), jnp.float32),
        ],
    )(h, degp_t)


@functools.partial(
    pl.kernel,
    out_type=jax.ShapeDtypeStruct((NC, NPAD, D), jnp.float32),
    mesh=_mesh,
    scratch_types=[
        pltpu.VMEM((SMAX * CH,), jnp.int32),
        pltpu.VMEM((SMAX, CH), jnp.int32),
        pltpu.VMEM((CH, D), jnp.float32),
        pltpu.VMEM((CH, D), jnp.float32),
        pltpu.VMEM_SHARED((NPAD, D), jnp.float32),
        pltpu.SemaphoreType.DMA,
        pltpu.SemaphoreType.DMA,
    ],
)
def _edge_partials(g_hbm, row_hbm, col_hbm, out_hbm, rowv, colv, bufa, bufb,
                   acc, sema, semb):
    core = lax.axis_index("c")
    sub = lax.axis_index("s")
    wid = core * NS + sub

    def zbody(r, carry):
        for k in range(D // 16):
            bufa[r, pl.ds(16 * k, 16)] = _Z16()
        return carry

    lax.fori_loop(0, CH, zbody, 0)
    for k in range(RPT // CH):
        pltpu.sync_copy(bufa, acc.at[pl.ds(sub * RPT + k * CH, CH)])
    plsc.subcore_barrier()

    def ridx(j):
        return rowv.at[pl.ds(j * CH, CH)]

    for soff, slen in SECTS:
        pltpu.sync_copy(row_hbm.at[pl.ds((wid * NCHUNK + soff) * CH, slen * CH)],
                        rowv.at[pl.ds(0, slen * CH)])
        pltpu.sync_copy(col_hbm.at[wid, pl.ds(soff, slen)],
                        colv.at[pl.ds(0, slen)])
        pltpu.async_copy(g_hbm.at[ridx(0)], bufa, sema)
        pltpu.async_copy(g_hbm.at[ridx(1)], bufb, semb)

        def body(i, carry):
            j = 2 * i
            pltpu.make_async_copy(g_hbm.at[ridx(j)], bufa, sema).wait()
            pltpu.sync_copy(bufa, acc.at[colv.at[j]], add=True)
            pltpu.async_copy(g_hbm.at[ridx(j + 2)], bufa, sema)
            pltpu.make_async_copy(g_hbm.at[ridx(j + 1)], bufb, semb).wait()
            pltpu.sync_copy(bufb, acc.at[colv.at[j + 1]], add=True)
            pltpu.async_copy(g_hbm.at[ridx(j + 3)], bufb, semb)
            return carry

        npair = (slen - 3) // 2 if slen % 2 else (slen - 4) // 2
        lax.fori_loop(0, npair, body, 0)
        t = 2 * npair
        pltpu.make_async_copy(g_hbm.at[ridx(t)], bufa, sema).wait()
        pltpu.sync_copy(bufa, acc.at[colv.at[t]], add=True)
        if t + 2 < slen:
            pltpu.async_copy(g_hbm.at[ridx(t + 2)], bufa, sema)
        pltpu.make_async_copy(g_hbm.at[ridx(t + 1)], bufb, semb).wait()
        pltpu.sync_copy(bufb, acc.at[colv.at[t + 1]], add=True)
        if t + 3 < slen:
            pltpu.async_copy(g_hbm.at[ridx(t + 3)], bufb, semb)
        if t + 2 < slen:
            pltpu.make_async_copy(g_hbm.at[ridx(t + 2)], bufa, sema).wait()
            pltpu.sync_copy(bufa, acc.at[colv.at[t + 2]], add=True)
        if t + 3 < slen:
            pltpu.make_async_copy(g_hbm.at[ridx(t + 3)], bufb, semb).wait()
            pltpu.sync_copy(bufb, acc.at[colv.at[t + 3]], add=True)
    plsc.subcore_barrier()
    pltpu.sync_copy(acc.at[pl.ds(sub * RPT, RPT)],
                    out_hbm.at[core, pl.ds(sub * RPT, RPT)])


def _final_body(s0_ref, s1_ref, g_ref, dis_ref, attn_ref, b_ref, out_ref):
    s = s0_ref[0] + s1_ref[0] + g_ref[...]
    out_ref[...] = attn_ref[...] * (dis_ref[...] * s + b_ref[...])


def _final(s_padded, g, dis, attn, bias):
    return pl.pallas_call(
        _final_body,
        grid=(_GRID,),
        in_specs=[
            pl.BlockSpec((1, _BLK, D), lambda i: (0, i, 0)),
            pl.BlockSpec((1, _BLK, D), lambda i: (1, i, 0)),
            pl.BlockSpec((_BLK, D), lambda i: (i, 0)),
            pl.BlockSpec((_BLK, 1), lambda i: (i, 0)),
            pl.BlockSpec((_BLK, 1), lambda i: (i, 0)),
            pl.BlockSpec((1, D), lambda i: (0, 0)),
        ],
        out_specs=pl.BlockSpec((_BLK, D), lambda i: (i, 0)),
        out_shape=jax.ShapeDtypeStruct((N, D), jnp.float32),
    )(s_padded, s_padded, g, dis, attn, bias)


def kernel(x, edge_index, attention_weights, W, b):
    row = edge_index[0]
    col = edge_index[1].reshape(NW, NCHUNK, CH)

    degp = _deg_partials(col)
    h = _matmul(x, jnp.transpose(W))
    degp_t = jnp.transpose(degp)[:N, :]
    g, dis = _scale(h, degp_t)
    s = _edge_partials(g, row, col)
    return _final(s, g, dis,
                  attention_weights.reshape(N, 1), b.reshape(1, D))

# --- scband reference (transcript-rebuilt; emitter-appended) ---
"""Pipeline reference for scband-stfagcnlayer-72164040507790 (READ-ONLY COPY).

The authoritative reference and input builder live on the scoring server;
editing this copy changes nothing except your own understanding.
"""

import jax, jax.numpy as jnp
import numpy as np

N = 10000
E = 320000
D_IN = 128
D_OUT = 128


def setup_inputs(seed: int = 0) -> dict:
    key = jax.random.key(seed)
    k1, k2, k3, k4, k5 = jax.random.split(key, 5)
    x = jax.random.normal(k1, (N, D_IN), dtype=jnp.float32)
    edge_index = jax.random.randint(k2, (2, E), 0, N, dtype=jnp.int32)
    attention_weights = jax.random.uniform(k3, (N,), dtype=jnp.float32)
    # GCNConv linear weight (PyG convention: [out_channels, in_channels]) and bias
    W = jax.random.normal(k4, (D_OUT, D_IN), dtype=jnp.float32) / np.sqrt(D_IN)
    b = jax.random.normal(k5, (D_OUT,), dtype=jnp.float32) * 0.01
    return {"x": x, "edge_index": edge_index, "attention_weights": attention_weights, "W": W, "b": b}


def reference(x, edge_index, attention_weights, W, b):
    # Faithful GCNConv (add_self_loops=True, normalize=True, bias=True)
    n = x.shape[0]
    loop = jnp.arange(n, dtype=edge_index.dtype)
    row = jnp.concatenate([edge_index[0], loop])  # source nodes (j)
    col = jnp.concatenate([edge_index[1], loop])  # destination nodes (i)
    ones = jnp.ones(row.shape[0], dtype=x.dtype)
    deg = jax.ops.segment_sum(ones, col, num_segments=n)
    deg_inv_sqrt = jnp.where(deg > 0, deg ** -0.5, 0.0)
    norm = deg_inv_sqrt[row] * deg_inv_sqrt[col]
    h = x @ W.T  # linear transform (no bias inside lin)
    msg = h[row] * norm[:, None]  # gather + per-edge scaling
    out = jax.ops.segment_sum(msg, col, num_segments=n)  # scatter-add aggregation
    out = out + b
    # STFAGCNLayer: modulate by attention weights
    out = out * attention_weights[:, None]
    return out

if __name__ == "__main__":
    import jax
    _d = setup_inputs()
    print(jax.jit(kernel)(*tuple(_d.values())))

</pallas_src>

<mosaic_0001>
#map = affine_map<(d0, d1) -> (0, 0)>
#map1 = affine_map<(d0, d1) -> (0)>
#map2 = affine_map<(d0, d1) -> (0, 0, 0)>
module attributes {stable_mosaic.version = 14 : i64} {
  func.func @_edge_partials(%arg0: i32, %arg1: i32, %arg2: memref<10000x128xf32, #tpu.memory_space<hbm>>, %arg3: memref<320000xi32, #tpu.memory_space<hbm>>, %arg4: memref<32x125x80xi32, #tpu.memory_space<hbm>>, %arg5: memref<2x10240x128xf32, #tpu.memory_space<hbm>>, %arg6: memref<3600xi32, #tpu.memory_space<vmem>>, %arg7: memref<45x80xi32, #tpu.memory_space<vmem>>, %arg8: memref<80x128xf32, #tpu.memory_space<vmem>>, %arg9: memref<80x128xf32, #tpu.memory_space<vmem>>, %arg10: memref<10240x128xf32, #tpu.memory_space<vmem_shared>>, %arg11: memref<!tpu.dma_semaphore, #tpu.memory_space<semaphore_mem>>, %arg12: memref<!tpu.dma_semaphore, #tpu.memory_space<semaphore_mem>>) attributes {dimension_semantics = [#tpu.dimension_semantics<core_parallel>, #tpu.dimension_semantics<subcore_parallel>], iteration_bounds = array<i64: 2, 16>, scalar_prefetch = 0 : i64, scratch_operands = 7 : i64, tpu.core_type = #tpu.core_type<sc_vector_subcore>, window_params = [{transform_indices = #map}, {transform_indices = #map1}, {transform_indices = #map2}, {transform_indices = #map2}]} {
    %mul3A = arith.constant 16 : i32
    %mul3A_0 = arith.muli %arg0, %mul3A : i32
    %add3A = arith.addi %mul3A_0, %arg1 : i32
    %scan3A = arith.constant 0 : i32
    %scan3A_1 = arith.constant 0 : i32
    %scan3A_2 = arith.constant 80 : i32
    %scan3A_3 = arith.addi %scan3A_1, %scan3A_2 : i32
    %scan3A_4 = arith.constant 1 : i32
    scf.for %scan3A_197 = %scan3A_1 to %scan3A_3 step %scan3A_4  : i32 {
      %broadcast_in_dim3A = arith.constant 0.000000e+00 : f32
      %broadcast_in_dim3A_198 = vector.broadcast %broadcast_in_dim3A : f32 to vector<16xf32>
      %swap3A = arith.index_cast %scan3A_197 : i32 to index
      %swap3A_199 = arith.constant 0 : index
      %swap3A_200 = tpu.vector_load %arg8[%swap3A, %swap3A_199] {strides = array<i32>} : memref<80x128xf32, #tpu.memory_space<vmem>>, vector<1x16xf32>,
      %swap3A_201 = vector.shape_cast %swap3A_200 : vector<1x16xf32> to vector<16xf32>
      %swap3A_202 = vector.shape_cast %broadcast_in_dim3A_198 : vector<16xf32> to vector<1x16xf32>
      tpu.vector_store %arg8[%swap3A, %swap3A_199], %swap3A_202 {strides = array<i32>} : memref<80x128xf32, #tpu.memory_space<vmem>>, vector<1x16xf32>,
      %broadcast_in_dim3A_203 = arith.constant 0.000000e+00 : f32
      %broadcast_in_dim3A_204 = vector.broadcast %broadcast_in_dim3A_203 : f32 to vector<16xf32>
      %swap3A_205 = arith.index_cast %scan3A_197 : i32 to index
      %swap3A_206 = arith.constant 16 : index
      %swap3A_207 = tpu.vector_load %arg8[%swap3A_205, %swap3A_206] {strides = array<i32>} : memref<80x128xf32, #tpu.memory_space<vmem>>, vector<1x16xf32>,
      %swap3A_208 = vector.shape_cast %swap3A_207 : vector<1x16xf32> to vector<16xf32>
      %swap3A_209 = vector.shape_cast %broadcast_in_dim3A_204 : vector<16xf32> to vector<1x16xf32>
      tpu.vector_store %arg8[%swap3A_205, %swap3A_206], %swap3A_209 {strides = array<i32>} : memref<80x128xf32, #tpu.memory_space<vmem>>, vector<1x16xf32>,
      %broadcast_in_dim3A_210 = arith.constant 0.000000e+00 : f32
      %broadcast_in_dim3A_211 = vector.broadcast %broadcast_in_dim3A_210 : f32 to vector<16xf32>
      %swap3A_212 = arith.index_cast %scan3A_197 : i32 to index
      %swap3A_213 = arith.constant 32 : index
      %swap3A_214 = tpu.vector_load %arg8[%swap3A_212, %swap3A_213] {strides = array<i32>} : memref<80x128xf32, #tpu.memory_space<vmem>>, vector<1x16xf32>,
      %swap3A_215 = vector.shape_cast %swap3A_214 : vector<1x16xf32> to vector<16xf32>
      %swap3A_216 = vector.shape_cast %broadcast_in_dim3A_211 : vector<16xf32> to vector<1x16xf32>
      tpu.vector_store %arg8[%swap3A_212, %swap3A_213], %swap3A_216 {strides = array<i32>} : memref<80x128xf32, #tpu.memory_space<vmem>>, vector<1x16xf32>,
      %broadcast_in_dim3A_217 = arith.constant 0.000000e+00 : f32
      %broadcast_in_dim3A_218 = vector.broadcast %broadcast_in_dim3A_217 : f32 to vector<16xf32>
      %swap3A_219 = arith.index_cast %scan3A_197 : i32 to index
      %swap3A_220 = arith.constant 48 : index
      %swap3A_221 = tpu.vector_load %arg8[%swap3A_219, %swap3A_220] {strides = array<i32>} : memref<80x128xf32, #tpu.memory_space<vmem>>, vector<1x16xf32>,
      %swap3A_222 = vector.shape_cast %swap3A_221 : vector<1x16xf32> to vector<16xf32>
      %swap3A_223 = vector.shape_cast %broadcast_in_dim3A_218 : vector<16xf32> to vector<1x16xf32>
      tpu.vector_store %arg8[%swap3A_219, %swap3A_220], %swap3A_223 {strides = array<i32>} : memref<80x128xf32, #tpu.memory_space<vmem>>, vector<1x16xf32>,
      %broadcast_in_dim3A_224 = arith.constant 0.000000e+00 : f32
      %broadcast_in_dim3A_225 = vector.broadcast %broadcast_in_dim3A_224 : f32 to vector<16xf32>
      %swap3A_226 = arith.index_cast %scan3A_197 : i32 to index
      %swap3A_227 = arith.constant 64 : index
      %swap3A_228 = tpu.vector_load %arg8[%swap3A_226, %swap3A_227] {strides = array<i32>} : memref<80x128xf32, #tpu.memory_space<vmem>>, vector<1x16xf32>,
      %swap3A_229 = vector.shape_cast %swap3A_228 : vector<1x16xf32> to vector<16xf32>
      %swap3A_230 = vector.shape_cast %broadcast_in_dim3A_225 : vector<16xf32> to vector<1x16xf32>
      tpu.vector_store %arg8[%swap3A_226, %swap3A_227], %swap3A_230 {strides = array<i32>} : memref<80x128xf32, #tpu.memory_space<vmem>>, vector<1x16xf32>,
      %broadcast_in_dim3A_231 = arith.constant 0.000000e+00 : f32
      %broadcast_in_dim3A_232 = vector.broadcast %broadcast_in_dim3A_231 : f32 to vector<16xf32>
      %swap3A_233 = arith.index_cast %scan3A_197 : i32 to index
      %swap3A_234 = arith.constant 80 : index
      %swap3A_235 = tpu.vector_load %arg8[%swap3A_233, %swap3A_234] {strides = array<i32>} : memref<80x128xf32, #tpu.memory_space<vmem>>, vector<1x16xf32>,
      %swap3A_236 = vector.shape_cast %swap3A_235 : vector<1x16xf32> to vector<16xf32>
      %swap3A_237 = vector.shape_cast %broadcast_in_dim3A_232 : vector<16xf32> to vector<1x16xf32>
      tpu.vector_store %arg8[%swap3A_233, %swap3A_234], %swap3A_237 {strides = array<i32>} : memref<80x128xf32, #tpu.memory_space<vmem>>, vector<1x16xf32>,
      %broadcast_in_dim3A_238 = arith.constant 0.000000e+00 : f32
      %broadcast_in_dim3A_239 = vector.broadcast %broadcast_in_dim3A_238 : f32 to vector<16xf32>
      %swap3A_240 = arith.index_cast %scan3A_197 : i32 to index
      %swap3A_241 = arith.constant 96 : index
      %swap3A_242 = tpu.vector_load %arg8[%swap3A_240, %swap3A_241] {strides = array<i32>} : memref<80x128xf32, #tpu.memory_space<vmem>>, vector<1x16xf32>,
      %swap3A_243 = vector.shape_cast %swap3A_242 : vector<1x16xf32> to vector<16xf32>
      %swap3A_244 = vector.shape_cast %broadcast_in_dim3A_239 : vector<16xf32> to vector<1x16xf32>
      tpu.vector_store %arg8[%swap3A_240, %swap3A_241], %swap3A_244 {strides = array<i32>} : memref<80x128xf32, #tpu.memory_space<vmem>>, vector<1x16xf32>,
      %broadcast_in_dim3A_245 = arith.constant 0.000000e+00 : f32
      %broadcast_in_dim3A_246 = vector.broadcast %broadcast_in_dim3A_245 : f32 to vector<16xf32>
      %swap3A_247 = arith.index_cast %scan3A_197 : i32 to index
      %swap3A_248 = arith.constant 112 : index
      %swap3A_249 = tpu.vector_load %arg8[%swap3A_247, %swap3A_248] {strides = array<i32>} : memref<80x128xf32, #tpu.memory_space<vmem>>, vector<1x16xf32>,
      %swap3A_250 = vector.shape_cast %swap3A_249 : vector<1x16xf32> to vector<16xf32>
      %swap3A_251 = vector.shape_cast %broadcast_in_dim3A_246 : vector<16xf32> to vector<1x16xf32>
      tpu.vector_store %arg8[%swap3A_247, %swap3A_248], %swap3A_251 {strides = array<i32>} : memref<80x128xf32, #tpu.memory_space<vmem>>, vector<1x16xf32>,
    }
    %scan3A_5 = arith.constant 80 : i32
    %mul3A_6 = arith.constant 640 : i32
    %mul3A_7 = arith.muli %arg1, %mul3A_6 : i32
    %add3A_8 = arith.constant 0 : i32
    %add3A_9 = arith.addi %mul3A_7, %add3A_8 : i32
    "tpu.region"() ({
      %run_scoped3A_197 = tpu.sem_alloc : memref<!tpu.dma_semaphore, #tpu.memory_space<semaphore_mem>>
      %dma_start3A_198 = arith.constant 0 : i32
      %dma_start3A_199 = tpu.memref_slice %arg10[%add3A_9, %dma_start3A_198] : memref<10240x128xf32, #tpu.memory_space<vmem_shared>> -> memref<80x128xf32, #tpu.memory_space<vmem_shared>>
      %dma_start3A_200 = arith.constant 0 : i32
      %dma_start3A_201 = tpu.memref_slice %arg10[%add3A_9, %dma_start3A_200] : memref<10240x128xf32, #tpu.memory_space<vmem_shared>> -> memref<80x128xf32, #tpu.memory_space<vmem_shared>>
      tpu.enqueue_dma source(%arg8 : memref<80x128xf32, #tpu.memory_space<vmem>>) target(%dma_start3A_201 : memref<80x128xf32, #tpu.memory_space<vmem_shared>>) target_semaphore(%run_scoped3A_197 : memref<!tpu.dma_semaphore, #tpu.memory_space<semaphore_mem>>)
      %dma_wait3A_202 = arith.constant 0 : i32
      %dma_wait3A_203 = tpu.memref_slice %arg10[%add3A_9, %dma_wait3A_202] : memref<10240x128xf32, #tpu.memory_space<vmem_shared>> -> memref<80x128xf32, #tpu.memory_space<vmem_shared>>
      %dma_wait3A_204 = arith.constant 0 : i32
      %dma_wait3A_205 = tpu.memref_slice %arg10[%add3A_9, %dma_wait3A_204] : memref<10240x128xf32, #tpu.memory_space<vmem_shared>> -> memref<80x128xf32, #tpu.memory_space<vmem_shared>>
      tpu.wait_dma2 semaphore(%run_scoped3A_197 : memref<!tpu.dma_semaphore, #tpu.memory_space<semaphore_mem>>) src(%arg8 : memref<80x128xf32, #tpu.memory_space<vmem>>) dst(%dma_wait3A_205 : memref<80x128xf32, #tpu.memory_space<vmem_shared>>)
      tpu.yield
    }) : () -> ()
    %mul3A_10 = arith.constant 640 : i32
    %mul3A_11 = arith.muli %arg1, %mul3A_10 : i32
    %add3A_12 = arith.constant 80 : i32
    %add3A_13 = arith.addi %mul3A_11, %add3A_12 : i32
    "tpu.region"() ({
      %run_scoped3A_197 = tpu.sem_alloc : memref<!tpu.dma_semaphore, #tpu.memory_space<semaphore_mem>>
      %dma_start3A_198 = arith.constant 0 : i32
      %dma_start3A_199 = tpu.memref_slice %arg10[%add3A_13, %dma_start3A_198] : memref<10240x128xf32, #tpu.memory_space<vmem_shared>> -> memref<80x128xf32, #tpu.memory_space<vmem_shared>>
      %dma_start3A_200 = arith.constant 0 : i32
      %dma_start3A_201 = tpu.memref_slice %arg10[%add3A_13, %dma_start3A_200] : memref<10240x128xf32, #tpu.memory_space<vmem_shared>> -> memref<80x128xf32, #tpu.memory_space<vmem_shared>>
      tpu.enqueue_dma source(%arg8 : memref<80x128xf32, #tpu.memory_space<vmem>>) target(%dma_start3A_201 : memref<80x128xf32, #tpu.memory_space<vmem_shared>>) target_semaphore(%run_scoped3A_197 : memref<!tpu.dma_semaphore, #tpu.memory_space<semaphore_mem>>)
      %dma_wait3A_202 = arith.constant 0 : i32
      %dma_wait3A_203 = tpu.memref_slice %arg10[%add3A_13, %dma_wait3A_202] : memref<10240x128xf32, #tpu.memory_space<vmem_shared>> -> memref<80x128xf32, #tpu.memory_space<vmem_shared>>
      %dma_wait3A_204 = arith.constant 0 : i32
      %dma_wait3A_205 = tpu.memref_slice %arg10[%add3A_13, %dma_wait3A_204] : memref<10240x128xf32, #tpu.memory_space<vmem_shared>> -> memref<80x128xf32, #tpu.memory_space<vmem_shared>>
      tpu.wait_dma2 semaphore(%run_scoped3A_197 : memref<!tpu.dma_semaphore, #tpu.memory_space<semaphore_mem>>) src(%arg8 : memref<80x128xf32, #tpu.memory_space<vmem>>) dst(%dma_wait3A_205 : memref<80x128xf32, #tpu.memory_space<vmem_shared>>)
      tpu.yield
    }) : () -> ()
    %mul3A_14 = arith.constant 640 : i32
    %mul3A_15 = arith.muli %arg1, %mul3A_14 : i32
    %add3A_16 = arith.constant 160 : i32
    %add3A_17 = arith.addi %mul3A_15, %add3A_16 : i32
    "tpu.region"() ({
      %run_scoped3A_197 = tpu.sem_alloc : memref<!tpu.dma_semaphore, #tpu.memory_space<semaphore_mem>>
      %dma_start3A_198 = arith.constant 0 : i32
      %dma_start3A_199 = tpu.memref_slice %arg10[%add3A_17, %dma_start3A_198] : memref<10240x128xf32, #tpu.memory_space<vmem_shared>> -> memref<80x128xf32, #tpu.memory_space<vmem_shared>>
      %dma_start3A_200 = arith.constant 0 : i32
      %dma_start3A_201 = tpu.memref_slice %arg10[%add3A_17, %dma_start3A_200] : memref<10240x128xf32, #tpu.memory_space<vmem_shared>> -> memref<80x128xf32, #tpu.memory_space<vmem_shared>>
      tpu.enqueue_dma source(%arg8 : memref<80x128xf32, #tpu.memory_space<vmem>>) target(%dma_start3A_201 : memref<80x128xf32, #tpu.memory_space<vmem_shared>>) target_semaphore(%run_scoped3A_197 : memref<!tpu.dma_semaphore, #tpu.memory_space<semaphore_mem>>)
      %dma_wait3A_202 = arith.constant 0 : i32
      %dma_wait3A_203 = tpu.memref_slice %arg10[%add3A_17, %dma_wait3A_202] : memref<10240x128xf32, #tpu.memory_space<vmem_shared>> -> memref<80x128xf32, #tpu.memory_space<vmem_shared>>
      %dma_wait3A_204 = arith.constant 0 : i32
      %dma_wait3A_205 = tpu.memref_slice %arg10[%add3A_17, %dma_wait3A_204] : memref<10240x128xf32, #tpu.memory_space<vmem_shared>> -> memref<80x128xf32, #tpu.memory_space<vmem_shared>>
      tpu.wait_dma2 semaphore(%run_scoped3A_197 : memref<!tpu.dma_semaphore, #tpu.memory_space<semaphore_mem>>) src(%arg8 : memref<80x128xf32, #tpu.memory_space<vmem>>) dst(%dma_wait3A_205 : memref<80x128xf32, #tpu.memory_space<vmem_shared>>)
      tpu.yield
    }) : () -> ()
    %mul3A_18 = arith.constant 640 : i32
    %mul3A_19 = arith.muli %arg1, %mul3A_18 : i32
    %add3A_20 = arith.constant 240 : i32
    %add3A_21 = arith.addi %mul3A_19, %add3A_20 : i32
    "tpu.region"() ({
      %run_scoped3A_197 = tpu.sem_alloc : memref<!tpu.dma_semaphore, #tpu.memory_space<semaphore_mem>>
      %dma_start3A_198 = arith.constant 0 : i32
      %dma_start3A_199 = tpu.memref_slice %arg10[%add3A_21, %dma_start3A_198] : memref<10240x128xf32, #tpu.memory_space<vmem_shared>> -> memref<80x128xf32, #tpu.memory_space<vmem_shared>>
      %dma_start3A_200 = arith.constant 0 : i32
      %dma_start3A_201 = tpu.memref_slice %arg10[%add3A_21, %dma_start3A_200] : memref<10240x128xf32, #tpu.memory_space<vmem_shared>> -> memref<80x128xf32, #tpu.memory_space<vmem_shared>>
      tpu.enqueue_dma source(%arg8 : memref<80x128xf32, #tpu.memory_space<vmem>>) target(%dma_start3A_201 : memref<80x128xf32, #tpu.memory_space<vmem_shared>>) target_semaphore(%run_scoped3A_197 : memref<!tpu.dma_semaphore, #tpu.memory_space<semaphore_mem>>)
      %dma_wait3A_202 = arith.constant 0 : i32
      %dma_wait3A_203 = tpu.memref_slice %arg10[%add3A_21, %dma_wait3A_202] : memref<10240x128xf32, #tpu.memory_space<vmem_shared>> -> memref<80x128xf32, #tpu.memory_space<vmem_shared>>
      %dma_wait3A_204 = arith.constant 0 : i32
      %dma_wait3A_205 = tpu.memref_slice %arg10[%add3A_21, %dma_wait3A_204] : memref<10240x128xf32, #tpu.memory_space<vmem_shared>> -> memref<80x128xf32, #tpu.memory_space<vmem_shared>>
      tpu.wait_dma2 semaphore(%run_scoped3A_197 : memref<!tpu.dma_semaphore, #tpu.memory_space<semaphore_mem>>) src(%arg8 : memref<80x128xf32, #tpu.memory_space<vmem>>) dst(%dma_wait3A_205 : memref<80x128xf32, #tpu.memory_space<vmem_shared>>)
      tpu.yield
    }) : () -> ()
    %mul3A_22 = arith.constant 640 : i32
    %mul3A_23 = arith.muli %arg1, %mul3A_22 : i32
    %add3A_24 = arith.constant 320 : i32
    %add3A_25 = arith.addi %mul3A_23, %add3A_24 : i32
    "tpu.region"() ({
      %run_scoped3A_197 = tpu.sem_alloc : memref<!tpu.dma_semaphore, #tpu.memory_space<semaphore_mem>>
      %dma_start3A_198 = arith.constant 0 : i32
      %dma_start3A_199 = tpu.memref_slice %arg10[%add3A_25, %dma_start3A_198] : memref<10240x128xf32, #tpu.memory_space<vmem_shared>> -> memref<80x128xf32, #tpu.memory_space<vmem_shared>>
      %dma_start3A_200 = arith.constant 0 : i32
      %dma_start3A_201 = tpu.memref_slice %arg10[%add3A_25, %dma_start3A_200] : memref<10240x128xf32, #tpu.memory_space<vmem_shared>> -> memref<80x128xf32, #tpu.memory_space<vmem_shared>>
      tpu.enqueue_dma source(%arg8 : memref<80x128xf32, #tpu.memory_space<vmem>>) target(%dma_start3A_201 : memref<80x128xf32, #tpu.memory_space<vmem_shared>>) target_semaphore(%run_scoped3A_197 : memref<!tpu.dma_semaphore, #tpu.memory_space<semaphore_mem>>)
      %dma_wait3A_202 = arith.constant 0 : i32
      %dma_wait3A_203 = tpu.memref_slice %arg10[%add3A_25, %dma_wait3A_202] : memref<10240x128xf32, #tpu.memory_space<vmem_shared>> -> memref<80x128xf32, #tpu.memory_space<vmem_shared>>
      %dma_wait3A_204 = arith.constant 0 : i32
      %dma_wait3A_205 = tpu.memref_slice %arg10[%add3A_25, %dma_wait3A_204] : memref<10240x128xf32, #tpu.memory_space<vmem_shared>> -> memref<80x128xf32, #tpu.memory_space<vmem_shared>>
      tpu.wait_dma2 semaphore(%run_scoped3A_197 : memref<!tpu.dma_semaphore, #tpu.memory_space<semaphore_mem>>) src(%arg8 : memref<80x128xf32, #tpu.memory_space<vmem>>) dst(%dma_wait3A_205 : memref<80x128xf32, #tpu.memory_space<vmem_shared>>)
      tpu.yield
    }) : () -> ()
    %mul3A_26 = arith.constant 640 : i32
    %mul3A_27 = arith.muli %arg1, %mul3A_26 : i32
    %add3A_28 = arith.constant 400 : i32
    %add3A_29 = arith.addi %mul3A_27, %add3A_28 : i32
    "tpu.region"() ({
      %run_scoped3A_197 = tpu.sem_alloc : memref<!tpu.dma_semaphore, #tpu.memory_space<semaphore_mem>>
      %dma_start3A_198 = arith.constant 0 : i32
      %dma_start3A_199 = tpu.memref_slice %arg10[%add3A_29, %dma_start3A_198] : memref<10240x128xf32, #tpu.memory_space<vmem_shared>> -> memref<80x128xf32, #tpu.memory_space<vmem_shared>>
      %dma_start3A_200 = arith.constant 0 : i32
      %dma_start3A_201 = tpu.memref_slice %arg10[%add3A_29, %dma_start3A_200] : memref<10240x128xf32, #tpu.memory_space<vmem_shared>> -> memref<80x128xf32, #tpu.memory_space<vmem_shared>>
      tpu.enqueue_dma source(%arg8 : memref<80x128xf32, #tpu.memory_space<vmem>>) target(%dma_start3A_201 : memref<80x128xf32, #tpu.memory_space<vmem_shared>>) target_semaphore(%run_scoped3A_197 : memref<!tpu.dma_semaphore, #tpu.memory_space<semaphore_mem>>)
      %dma_wait3A_202 = arith.constant 0 : i32
      %dma_wait3A_203 = tpu.memref_slice %arg10[%add3A_29, %dma_wait3A_202] : memref<10240x128xf32, #tpu.memory_space<vmem_shared>> -> memref<80x128xf32, #tpu.memory_space<vmem_shared>>
      %dma_wait3A_204 = arith.constant 0 : i32
      %dma_wait3A_205 = tpu.memref_slice %arg10[%add3A_29, %dma_wait3A_204] : memref<10240x128xf32, #tpu.memory_space<vmem_shared>> -> memref<80x128xf32, #tpu.memory_space<vmem_shared>>
      tpu.wait_dma2 semaphore(%run_scoped3A_197 : memref<!tpu.dma_semaphore, #tpu.memory_space<semaphore_mem>>) src(%arg8 : memref<80x128xf32, #tpu.memory_space<vmem>>) dst(%dma_wait3A_205 : memref<80x128xf32, #tpu.memory_space<vmem_shared>>)
      tpu.yield
    }) : () -> ()
    %mul3A_30 = arith.constant 640 : i32
    %mul3A_31 = arith.muli %arg1, %mul3A_30 : i32
    %add3A_32 = arith.constant 480 : i32
    %add3A_33 = arith.addi %mul3A_31, %add3A_32 : i32
    "tpu.region"() ({
      %run_scoped3A_197 = tpu.sem_alloc : memref<!tpu.dma_semaphore, #tpu.memory_space<semaphore_mem>>
      %dma_start3A_198 = arith.constant 0 : i32
      %dma_start3A_199 = tpu.memref_slice %arg10[%add3A_33, %dma_start3A_198] : memref<10240x128xf32, #tpu.memory_space<vmem_shared>> -> memref<80x128xf32, #tpu.memory_space<vmem_shared>>
      %dma_start3A_200 = arith.constant 0 : i32
      %dma_start3A_201 = tpu.memref_slice %arg10[%add3A_33, %dma_start3A_200] : memref<10240x128xf32, #tpu.memory_space<vmem_shared>> -> memref<80x128xf32, #tpu.memory_space<vmem_shared>>
      tpu.enqueue_dma source(%arg8 : memref<80x128xf32, #tpu.memory_space<vmem>>) target(%dma_start3A_201 : memref<80x128xf32, #tpu.memory_space<vmem_shared>>) target_semaphore(%run_scoped3A_197 : memref<!tpu.dma_semaphore, #tpu.memory_space<semaphore_mem>>)
      %dma_wait3A_202 = arith.constant 0 : i32
      %dma_wait3A_203 = tpu.memref_slice %arg10[%add3A_33, %dma_wait3A_202] : memref<10240x128xf32, #tpu.memory_space<vmem_shared>> -> memref<80x128xf32, #tpu.memory_space<vmem_shared>>
      %dma_wait3A_204 = arith.constant 0 : i32
      %dma_wait3A_205 = tpu.memref_slice %arg10[%add3A_33, %dma_wait3A_204] : memref<10240x128xf32, #tpu.memory_space<vmem_shared>> -> memref<80x128xf32, #tpu.memory_space<vmem_shared>>
      tpu.wait_dma2 semaphore(%run_scoped3A_197 : memref<!tpu.dma_semaphore, #tpu.memory_space<semaphore_mem>>) src(%arg8 : memref<80x128xf32, #tpu.memory_space<vmem>>) dst(%dma_wait3A_205 : memref<80x128xf32, #tpu.memory_space<vmem_shared>>)
      tpu.yield
    }) : () -> ()
    %mul3A_34 = arith.constant 640 : i32
    %mul3A_35 = arith.muli %arg1, %mul3A_34 : i32
    %add3A_36 = arith.constant 560 : i32
    %add3A_37 = arith.addi %mul3A_35, %add3A_36 : i32
    "tpu.region"() ({
      %run_scoped3A_197 = tpu.sem_alloc : memref<!tpu.dma_semaphore, #tpu.memory_space<semaphore_mem>>
      %dma_start3A_198 = arith.constant 0 : i32
      %dma_start3A_199 = tpu.memref_slice %arg10[%add3A_37, %dma_start3A_198] : memref<10240x128xf32, #tpu.memory_space<vmem_shared>> -> memref<80x128xf32, #tpu.memory_space<vmem_shared>>
      %dma_start3A_200 = arith.constant 0 : i32
      %dma_start3A_201 = tpu.memref_slice %arg10[%add3A_37, %dma_start3A_200] : memref<10240x128xf32, #tpu.memory_space<vmem_shared>> -> memref<80x128xf32, #tpu.memory_space<vmem_shared>>
      tpu.enqueue_dma source(%arg8 : memref<80x128xf32, #tpu.memory_space<vmem>>) target(%dma_start3A_201 : memref<80x128xf32, #tpu.memory_space<vmem_shared>>) target_semaphore(%run_scoped3A_197 : memref<!tpu.dma_semaphore, #tpu.memory_space<semaphore_mem>>)
      %dma_wait3A_202 = arith.constant 0 : i32
      %dma_wait3A_203 = tpu.memref_slice %arg10[%add3A_37, %dma_wait3A_202] : memref<10240x128xf32, #tpu.memory_space<vmem_shared>> -> memref<80x128xf32, #tpu.memory_space<vmem_shared>>
      %dma_wait3A_204 = arith.constant 0 : i32
      %dma_wait3A_205 = tpu.memref_slice %arg10[%add3A_37, %dma_wait3A_204] : memref<10240x128xf32, #tpu.memory_space<vmem_shared>> -> memref<80x128xf32, #tpu.memory_space<vmem_shared>>
      tpu.wait_dma2 semaphore(%run_scoped3A_197 : memref<!tpu.dma_semaphore, #tpu.memory_space<semaphore_mem>>) src(%arg8 : memref<80x128xf32, #tpu.memory_space<vmem>>) dst(%dma_wait3A_205 : memref<80x128xf32, #tpu.memory_space<vmem_shared>>)
      tpu.yield
    }) : () -> ()
    %barrier3A = arith.constant 0 : index
    tpu.barrier barrier_id(%barrier3A)
    %mul3A_38 = arith.constant 125 : i32
    %mul3A_39 = arith.muli %add3A, %mul3A_38 : i32
    %add3A_40 = arith.constant 0 : i32
    %add3A_41 = arith.addi %mul3A_39, %add3A_40 : i32
    %mul3A_42 = arith.constant 80 : i32
    %mul3A_43 = arith.muli %add3A_41, %mul3A_42 : i32
    "tpu.region"() ({
      %run_scoped3A_197 = tpu.sem_alloc : memref<!tpu.dma_semaphore, #tpu.memory_space<semaphore_mem>>
      %dma_start3A_198 = arith.constant 0 : i32
      %dma_start3A_199 = tpu.memref_slice %arg6[%dma_start3A_198] : memref<3600xi32, #tpu.memory_space<vmem>> -> memref<3200xi32, #tpu.memory_space<vmem>>
      %dma_start3A_200 = tpu.memref_slice %arg3[%mul3A_43] : memref<320000xi32, #tpu.memory_space<hbm>> -> memref<3200xi32, #tpu.memory_space<hbm>>
      %dma_start3A_201 = arith.constant 0 : i32
      %dma_start3A_202 = tpu.memref_slice %arg6[%dma_start3A_201] : memref<3600xi32, #tpu.memory_space<vmem>> -> memref<3200xi32, #tpu.memory_space<vmem>>
      %dma_start3A_203 = tpu.memref_slice %arg3[%mul3A_43] : memref<320000xi32, #tpu.memory_space<hbm>> -> memref<3200xi32, #tpu.memory_space<hbm>>
      tpu.enqueue_dma source(%dma_start3A_203 : memref<3200xi32, #tpu.memory_space<hbm>>) target(%dma_start3A_202 : memref<3200xi32, #tpu.memory_space<vmem>>) target_semaphore(%run_scoped3A_197 : memref<!tpu.dma_semaphore, #tpu.memory_space<semaphore_mem>>)
      %dma_wait3A_204 = arith.constant 0 : i32
      %dma_wait3A_205 = tpu.memref_slice %arg6[%dma_wait3A_204] : memref<3600xi32, #tpu.memory_space<vmem>> -> memref<3200xi32, #tpu.memory_space<vmem>>
      %dma_wait3A_206 = tpu.memref_slice %arg3[%mul3A_43] : memref<320000xi32, #tpu.memory_space<hbm>> -> memref<3200xi32, #tpu.memory_space<hbm>>
      %dma_wait3A_207 = arith.constant 0 : i32
      %dma_wait3A_208 = tpu.memref_slice %arg6[%dma_wait3A_207] : memref<3600xi32, #tpu.memory_space<vmem>> -> memref<3200xi32, #tpu.memory_space<vmem>>
      %dma_wait3A_209 = tpu.memref_slice %arg3[%mul3A_43] : memref<320000xi32, #tpu.memory_space<hbm>> -> memref<3200xi32, #tpu.memory_space<hbm>>
      tpu.wait_dma2 semaphore(%run_scoped3A_197 : memref<!tpu.dma_semaphore, #tpu.memory_space<semaphore_mem>>) src(%dma_wait3A_209 : memref<3200xi32, #tpu.memory_space<hbm>>) dst(%dma_wait3A_208 : memref<3200xi32, #tpu.memory_space<vmem>>)
      tpu.yield
    }) : () -> ()
    "tpu.region"() ({
      %run_scoped3A_197 = tpu.sem_alloc : memref<!tpu.dma_semaphore, #tpu.memory_space<semaphore_mem>>
      %dma_start3A_198 = arith.constant 0 : i32
      %dma_start3A_199 = arith.constant 0 : i32
      %dma_start3A_200 = tpu.memref_slice %arg7[%dma_start3A_198, %dma_start3A_199] : memref<45x80xi32, #tpu.memory_space<vmem>> -> memref<40x80xi32, #tpu.memory_space<vmem>>
      %dma_start3A_201 = arith.constant 0 : i32
      %dma_start3A_202 = arith.constant 0 : i32
      %dma_start3A_203 = tpu.memref_slice %arg4[%add3A, %dma_start3A_201, %dma_start3A_202] : memref<32x125x80xi32, #tpu.memory_space<hbm>> -> memref<1x40x80xi32, #tpu.memory_space<hbm>>
      %dma_start3A_204 = tpu.memref_squeeze %dma_start3A_203 : memref<1x40x80xi32, #tpu.memory_space<hbm>> -> memref<40x80xi32, #tpu.memory_space<hbm>>
      %dma_start3A_205 = arith.constant 0 : i32
      %dma_start3A_206 = arith.constant 0 : i32
      %dma_start3A_207 = tpu.memref_slice %arg7[%dma_start3A_205, %dma_start3A_206] : memref<45x80xi32, #tpu.memory_space<vmem>> -> memref<40x80xi32, #tpu.memory_space<vmem>>
      %dma_start3A_208 = arith.constant 0 : i32
      %dma_start3A_209 = arith.constant 0 : i32
      %dma_start3A_210 = tpu.memref_slice %arg4[%add3A, %dma_start3A_208, %dma_start3A_209] : memref<32x125x80xi32, #tpu.memory_space<hbm>> -> memref<1x40x80xi32, #tpu.memory_space<hbm>>
      %dma_start3A_211 = tpu.memref_squeeze %dma_start3A_210 : memref<1x40x80xi32, #tpu.memory_space<hbm>> -> memref<40x80xi32, #tpu.memory_space<hbm>>
      tpu.enqueue_dma source(%dma_start3A_211 : memref<40x80xi32, #tpu.memory_space<hbm>>) target(%dma_start3A_207 : memref<40x80xi32, #tpu.memory_space<vmem>>) target_semaphore(%run_scoped3A_197 : memref<!tpu.dma_semaphore, #tpu.memory_space<semaphore_mem>>)
      %dma_wait3A_212 = arith.constant 0 : i32
      %dma_wait3A_213 = arith.constant 0 : i32
      %dma_wait3A_214 = tpu.memref_slice %arg7[%dma_wait3A_212, %dma_wait3A_213] : memref<45x80xi32, #tpu.memory_space<vmem>> -> memref<40x80xi32, #tpu.memory_space<vmem>>
      %dma_wait3A_215 = arith.constant 0 : i32
      %dma_wait3A_216 = arith.constant 0 : i32
      %dma_wait3A_217 = tpu.memref_slice %arg4[%add3A, %dma_wait3A_215, %dma_wait3A_216] : memref<32x125x80xi32, #tpu.memory_space<hbm>> -> memref<1x40x80xi32, #tpu.memory_space<hbm>>
      %dma_wait3A_218 = tpu.memref_squeeze %dma_wait3A_217 : memref<1x40x80xi32, #tpu.memory_space<hbm>> -> memref<40x80xi32, #tpu.memory_space<hbm>>
      %dma_wait3A_219 = arith.constant 0 : i32
      %dma_wait3A_220 = arith.constant 0 : i32
      %dma_wait3A_221 = tpu.memref_slice %arg7[%dma_wait3A_219, %dma_wait3A_220] : memref<45x80xi32, #tpu.memory_space<vmem>> -> memref<40x80xi32, #tpu.memory_space<vmem>>
      %dma_wait3A_222 = arith.constant 0 : i32
      %dma_wait3A_223 = arith.constant 0 : i32
      %dma_wait3A_224 = tpu.memref_slice %arg4[%add3A, %dma_wait3A_222, %dma_wait3A_223] : memref<32x125x80xi32, #tpu.memory_space<hbm>> -> memref<1x40x80xi32, #tpu.memory_space<hbm>>
      %dma_wait3A_225 = tpu.memref_squeeze %dma_wait3A_224 : memref<1x40x80xi32, #tpu.memory_space<hbm>> -> memref<40x80xi32, #tpu.memory_space<hbm>>
      tpu.wait_dma2 semaphore(%run_scoped3A_197 : memref<!tpu.dma_semaphore, #tpu.memory_space<semaphore_mem>>) src(%dma_wait3A_225 : memref<40x80xi32, #tpu.memory_space<hbm>>) dst(%dma_wait3A_221 : memref<40x80xi32, #tpu.memory_space<vmem>>)
      tpu.yield
    }) : () -> ()
    %dma_start3A = arith.constant 0 : i32
    %dma_start3A_44 = tpu.memref_slice %arg6[%dma_start3A] : memref<3600xi32, #tpu.memory_space<vmem>> -> memref<80xi32, #tpu.memory_space<vmem>>
    %dma_start3A_45 = arith.constant 0 : i32
    %dma_start3A_46 = arith.constant 0 : i32
    %dma_start3A_47 = tpu.memref_slice %arg2[%dma_start3A_45, %dma_start3A_46] : memref<10000x128xf32, #tpu.memory_space<hbm>> -> memref<10000x128xf32, #tpu.memory_space<hbm>>
    tpu.enqueue_indirect_dma source(%dma_start3A_47 : memref<10000x128xf32, #tpu.memory_space<hbm>>) target(%arg8 : memref<80x128xf32, #tpu.memory_space<vmem>>) offsets(%dma_start3A_44 : memref<80xi32, #tpu.memory_space<vmem>>) semaphore(%arg11 : memref<!tpu.dma_semaphore, #tpu.memory_space<semaphore_mem>>)
    %dma_start3A_48 = arith.constant 80 : i32
    %dma_start3A_49 = tpu.memref_slice %arg6[%dma_start3A_48] : memref<3600xi32, #tpu.memory_space<vmem>> -> memref<80xi32, #tpu.memory_space<vmem>>
    %dma_start3A_50 = arith.constant 0 : i32
    %dma_start3A_51 = arith.constant 0 : i32
    %dma_start3A_52 = tpu.memref_slice %arg2[%dma_start3A_50, %dma_start3A_51] : memref<10000x128xf32, #tpu.memory_space<hbm>> -> memref<10000x128xf32, #tpu.memory_space<hbm>>
    tpu.enqueue_indirect_dma source(%dma_start3A_52 : memref<10000x128xf32, #tpu.memory_space<hbm>>) target(%arg9 : memref<80x128xf32, #tpu.memory_space<vmem>>) offsets(%dma_start3A_49 : memref<80xi32, #tpu.memory_space<vmem>>) semaphore(%arg12 : memref<!tpu.dma_semaphore, #tpu.memory_space<semaphore_mem>>)
    %scan3A_53 = arith.constant 0 : i32
    %scan3A_54 = arith.constant 0 : i32
    %scan3A_55 = arith.constant 18 : i32
    %scan3A_56 = arith.addi %scan3A_54, %scan3A_55 : i32
    %scan3A_57 = arith.constant 1 : i32
    scf.for %scan3A_197 = %scan3A_54 to %scan3A_56 step %scan3A_57  : i32 {
      %mul3A_198 = arith.constant 2 : i32
      %mul3A_199 = arith.muli %mul3A_198, %scan3A_197 : i32
      %mul3A_200 = arith.constant 80 : i32
      %mul3A_201 = arith.muli %mul3A_199, %mul3A_200 : i32
      %dma_wait3A_202 = tpu.memref_slice %arg6[%mul3A_201] : memref<3600xi32, #tpu.memory_space<vmem>> -> memref<80xi32, #tpu.memory_space<vmem>>
      %dma_wait3A_203 = arith.constant 0 : i32
      %dma_wait3A_204 = arith.constant 0 : i32
      %dma_wait3A_205 = tpu.memref_slice %arg2[%dma_wait3A_203, %dma_wait3A_204] : memref<10000x128xf32, #tpu.memory_space<hbm>> -> memref<10000x128xf32, #tpu.memory_space<hbm>>
      tpu.wait_indirect_dma semaphore(%arg11 : memref<!tpu.dma_semaphore, #tpu.memory_space<semaphore_mem>>) src(%dma_wait3A_205 : memref<10000x128xf32, #tpu.memory_space<hbm>>) dst(%arg8 : memref<80x128xf32, #tpu.memory_space<vmem>>)
      "tpu.region"() ({
        %run_scoped3A_232 = tpu.sem_alloc : memref<!tpu.dma_semaphore, #tpu.memory_space<semaphore_mem>>
        %dma_start3A_233 = arith.constant 0 : i32
        %dma_start3A_234 = tpu.memref_slice %arg7[%mul3A_199, %dma_start3A_233] : memref<45x80xi32, #tpu.memory_space<vmem>> -> memref<1x80xi32, #tpu.memory_space<vmem>>
        %dma_start3A_235 = tpu.memref_squeeze %dma_start3A_234 : memref<1x80xi32, #tpu.memory_space<vmem>> -> memref<80xi32, #tpu.memory_space<vmem>>
        %dma_start3A_236 = arith.constant 0 : i32
        %dma_start3A_237 = arith.constant 0 : i32
        %dma_start3A_238 = tpu.memref_slice %arg10[%dma_start3A_236, %dma_start3A_237] : memref<10240x128xf32, #tpu.memory_space<vmem_shared>> -> memref<10240x128xf32, #tpu.memory_space<vmem_shared>>
        tpu.enqueue_indirect_dma source(%arg8 : memref<80x128xf32, #tpu.memory_space<vmem>>) target(%dma_start3A_238 : memref<10240x128xf32, #tpu.memory_space<vmem_shared>>) offsets(%dma_start3A_235 : memref<80xi32, #tpu.memory_space<vmem>>) semaphore(%run_scoped3A_232 : memref<!tpu.dma_semaphore, #tpu.memory_space<semaphore_mem>>) {add = true}
        %dma_wait3A_239 = arith.constant 0 : i32
        %dma_wait3A_240 = tpu.memref_slice %arg7[%mul3A_199, %dma_wait3A_239] : memref<45x80xi32, #tpu.memory_space<vmem>> -> memref<1x80xi32, #tpu.memory_space<vmem>>
        %dma_wait3A_241 = tpu.memref_squeeze %dma_wait3A_240 : memref<1x80xi32, #tpu.memory_space<vmem>> -> memref<80xi32, #tpu.memory_space<vmem>>
        %dma_wait3A_242 = arith.constant 0 : i32
        %dma_wait3A_243 = arith.constant 0 : i32
        %dma_wait3A_244 = tpu.memref_slice %arg10[%dma_wait3A_242, %dma_wait3A_243] : memref<10240x128xf32, #tpu.memory_space<vmem_shared>> -> memref<10240x128xf32, #tpu.memory_space<vmem_shared>>
        tpu.wait_indirect_dma semaphore(%run_scoped3A_232 : memref<!tpu.dma_semaphore, #tpu.memory_space<semaphore_mem>>) src(%arg8 : memref<80x128xf32, #tpu.memory_space<vmem>>) dst(%dma_wait3A_244 : memref<10240x128xf32, #tpu.memory_space<vmem_shared>>)
        tpu.yield
      }) : () -> ()
      %add3A_206 = arith.constant 2 : i32
      %add3A_207 = arith.addi %mul3A_199, %add3A_206 : i32
      %mul3A_208 = arith.constant 80 : i32
      %mul3A_209 = arith.muli %add3A_207, %mul3A_208 : i32
      %dma_start3A_210 = tpu.memref_slice %arg6[%mul3A_209] : memref<3600xi32, #tpu.memory_space<vmem>> -> memref<80xi32, #tpu.memory_space<vmem>>
      %dma_start3A_211 = arith.constant 0 : i32
      %dma_start3A_212 = arith.constant 0 : i32
      %dma_start3A_213 = tpu.memref_slice %arg2[%dma_start3A_211, %dma_start3A_212] : memref<10000x128xf32, #tpu.memory_space<hbm>> -> memref<10000x128xf32, #tpu.memory_space<hbm>>
      tpu.enqueue_indirect_dma source(%dma_start3A_213 : memref<10000x128xf32, #tpu.memory_space<hbm>>) target(%arg8 : memref<80x128xf32, #tpu.memory_space<vmem>>) offsets(%dma_start3A_210 : memref<80xi32, #tpu.memory_space<vmem>>) semaphore(%arg11 : memref<!tpu.dma_semaphore, #tpu.memory_space<semaphore_mem>>)
      %add3A_214 = arith.constant 1 : i32
      %add3A_215 = arith.addi %mul3A_199, %add3A_214 : i32
      %mul3A_216 = arith.constant 80 : i32
      %mul3A_217 = arith.muli %add3A_215, %mul3A_216 : i32
      %dma_wait3A_218 = tpu.memref_slice %arg6[%mul3A_217] : memref<3600xi32, #tpu.memory_space<vmem>> -> memref<80xi32, #tpu.memory_space<vmem>>
      %dma_wait3A_219 = arith.constant 0 : i32
      %dma_wait3A_220 = arith.constant 0 : i32
      %dma_wait3A_221 = tpu.memref_slice %arg2[%dma_wait3A_219, %dma_wait3A_220] : memref<10000x128xf32, #tpu.memory_space<hbm>> -> memref<10000x128xf32, #tpu.memory_space<hbm>>
      tpu.wait_indirect_dma semaphore(%arg12 : memref<!tpu.dma_semaphore, #tpu.memory_space<semaphore_mem>>) src(%dma_wait3A_221 : memref<10000x128xf32, #tpu.memory_space<hbm>>) dst(%arg9 : memref<80x128xf32, #tpu.memory_space<vmem>>)
      %add3A_222 = arith.constant 1 : i32
      %add3A_223 = arith.addi %mul3A_199, %add3A_222 : i32
      "tpu.region"() ({
        %run_scoped3A_232 = tpu.sem_alloc : memref<!tpu.dma_semaphore, #tpu.memory_space<semaphore_mem>>
        %dma_start3A_233 = arith.constant 0 : i32
        %dma_start3A_234 = tpu.memref_slice %arg7[%add3A_223, %dma_start3A_233] : memref<45x80xi32, #tpu.memory_space<vmem>> -> memref<1x80xi32, #tpu.memory_space<vmem>>
        %dma_start3A_235 = tpu.memref_squeeze %dma_start3A_234 : memref<1x80xi32, #tpu.memory_space<vmem>> -> memref<80xi32, #tpu.memory_space<vmem>>
        %dma_start3A_236 = arith.constant 0 : i32
        %dma_start3A_237 = arith.constant 0 : i32
        %dma_start3A_238 = tpu.memref_slice %arg10[%dma_start3A_236, %dma_start3A_237] : memref<10240x128xf32, #tpu.memory_space<vmem_shared>> -> memref<10240x128xf32, #tpu.memory_space<vmem_shared>>
        tpu.enqueue_indirect_dma source(%arg9 : memref<80x128xf32, #tpu.memory_space<vmem>>) target(%dma_start3A_238 : memref<10240x128xf32, #tpu.memory_space<vmem_shared>>) offsets(%dma_start3A_235 : memref<80xi32, #tpu.memory_space<vmem>>) semaphore(%run_scoped3A_232 : memref<!tpu.dma_semaphore, #tpu.memory_space<semaphore_mem>>) {add = true}
        %dma_wait3A_239 = arith.constant 0 : i32
        %dma_wait3A_240 = tpu.memref_slice %arg7[%add3A_223, %dma_wait3A_239] : memref<45x80xi32, #tpu.memory_space<vmem>> -> memref<1x80xi32, #tpu.memory_space<vmem>>
        %dma_wait3A_241 = tpu.memref_squeeze %dma_wait3A_240 : memref<1x80xi32, #tpu.memory_space<vmem>> -> memref<80xi32, #tpu.memory_space<vmem>>
        %dma_wait3A_242 = arith.constant 0 : i32
        %dma_wait3A_243 = arith.constant 0 : i32
        %dma_wait3A_244 = tpu.memref_slice %arg10[%dma_wait3A_242, %dma_wait3A_243] : memref<10240x128xf32, #tpu.memory_space<vmem_shared>> -> memref<10240x128xf32, #tpu.memory_space<vmem_shared>>
        tpu.wait_indirect_dma semaphore(%run_scoped3A_232 : memref<!tpu.dma_semaphore, #tpu.memory_space<semaphore_mem>>) src(%arg9 : memref<80x128xf32, #tpu.memory_space<vmem>>) dst(%dma_wait3A_244 : memref<10240x128xf32, #tpu.memory_space<vmem_shared>>)
        tpu.yield
      }) : () -> ()
      %add3A_224 = arith.constant 3 : i32
      %add3A_225 = arith.addi %mul3A_199, %add3A_224 : i32
      %mul3A_226 = arith.constant 80 : i32
      %mul3A_227 = arith.muli %add3A_225, %mul3A_226 : i32
      %dma_start3A_228 = tpu.memref_slice %arg6[%mul3A_227] : memref<3600xi32, #tpu.memory_space<vmem>> -> memref<80xi32, #tpu.memory_space<vmem>>
      %dma_start3A_229 = arith.constant 0 : i32
      %dma_start3A_230 = arith.constant 0 : i32
      %dma_start3A_231 = tpu.memref_slice %arg2[%dma_start3A_229, %dma_start3A_230] : memref<10000x128xf32, #tpu.memory_space<hbm>> -> memref<10000x128xf32, #tpu.memory_space<hbm>>
      tpu.enqueue_indirect_dma source(%dma_start3A_231 : memref<10000x128xf32, #tpu.memory_space<hbm>>) target(%arg9 : memref<80x128xf32, #tpu.memory_space<vmem>>) offsets(%dma_start3A_228 : memref<80xi32, #tpu.memory_space<vmem>>) semaphore(%arg12 : memref<!tpu.dma_semaphore, #tpu.memory_space<semaphore_mem>>)
    }
    %scan3A_58 = arith.constant 18 : i32
    %dma_wait3A = arith.constant 2880 : i32
    %dma_wait3A_59 = tpu.memref_slice %arg6[%dma_wait3A] : memref<3600xi32, #tpu.memory_space<vmem>> -> memref<80xi32, #tpu.memory_space<vmem>>
    %dma_wait3A_60 = arith.constant 0 : i32
    %dma_wait3A_61 = arith.constant 0 : i32
    %dma_wait3A_62 = tpu.memref_slice %arg2[%dma_wait3A_60, %dma_wait3A_61] : memref<10000x128xf32, #tpu.memory_space<hbm>> -> memref<10000x128xf32, #tpu.memory_space<hbm>>
    tpu.wait_indirect_dma semaphore(%arg11 : memref<!tpu.dma_semaphore, #tpu.memory_space<semaphore_mem>>) src(%dma_wait3A_62 : memref<10000x128xf32, #tpu.memory_space<hbm>>) dst(%arg8 : memref<80x128xf32, #tpu.memory_space<vmem>>)
    %run_scoped3A = arith.constant 36 : i32
    "tpu.region"() ({
      %run_scoped3A_197 = tpu.sem_alloc : memref<!tpu.dma_semaphore, #tpu.memory_space<semaphore_mem>>
      %dma_start3A_198 = arith.constant 0 : i32
      %dma_start3A_199 = tpu.memref_slice %arg7[%run_scoped3A, %dma_start3A_198] : memref<45x80xi32, #tpu.memory_space<vmem>> -> memref<1x80xi32, #tpu.memory_space<vmem>>
      %dma_start3A_200 = tpu.memref_squeeze %dma_start3A_199 : memref<1x80xi32, #tpu.memory_space<vmem>> -> memref<80xi32, #tpu.memory_space<vmem>>
      %dma_start3A_201 = arith.constant 0 : i32
      %dma_start3A_202 = arith.constant 0 : i32
      %dma_start3A_203 = tpu.memref_slice %arg10[%dma_start3A_201, %dma_start3A_202] : memref<10240x128xf32, #tpu.memory_space<vmem_shared>> -> memref<10240x128xf32, #tpu.memory_space<vmem_shared>>
      tpu.enqueue_indirect_dma source(%arg8 : memref<80x128xf32, #tpu.memory_space<vmem>>) target(%dma_start3A_203 : memref<10240x128xf32, #tpu.memory_space<vmem_shared>>) offsets(%dma_start3A_200 : memref<80xi32, #tpu.memory_space<vmem>>) semaphore(%run_scoped3A_197 : memref<!tpu.dma_semaphore, #tpu.memory_space<semaphore_mem>>) {add = true}
      %dma_wait3A_204 = arith.constant 0 : i32
      %dma_wait3A_205 = tpu.memref_slice %arg7[%run_scoped3A, %dma_wait3A_204] : memref<45x80xi32, #tpu.memory_space<vmem>> -> memref<1x80xi32, #tpu.memory_space<vmem>>
      %dma_wait3A_206 = tpu.memref_squeeze %dma_wait3A_205 : memref<1x80xi32, #tpu.memory_space<vmem>> -> memref<80xi32, #tpu.memory_space<vmem>>
      %dma_wait3A_207 = arith.constant 0 : i32
      %dma_wait3A_208 = arith.constant 0 : i32
      %dma_wait3A_209 = tpu.memref_slice %arg10[%dma_wait3A_207, %dma_wait3A_208] : memref<10240x128xf32, #tpu.memory_space<vmem_shared>> -> memref<10240x128xf32, #tpu.memory_space<vmem_shared>>
      tpu.wait_indirect_dma semaphore(%run_scoped3A_197 : memref<!tpu.dma_semaphore, #tpu.memory_space<semaphore_mem>>) src(%arg8 : memref<80x128xf32, #tpu.memory_space<vmem>>) dst(%dma_wait3A_209 : memref<10240x128xf32, #tpu.memory_space<vmem_shared>>)
      tpu.yield
    }) : () -> ()
    %dma_start3A_63 = arith.constant 3040 : i32
    %dma_start3A_64 = tpu.memref_slice %arg6[%dma_start3A_63] : memref<3600xi32, #tpu.memory_space<vmem>> -> memref<80xi32, #tpu.memory_space<vmem>>
    %dma_start3A_65 = arith.constant 0 : i32
    %dma_start3A_66 = arith.constant 0 : i32
    %dma_start3A_67 = tpu.memref_slice %arg2[%dma_start3A_65, %dma_start3A_66] : memref<10000x128xf32, #tpu.memory_space<hbm>> -> memref<10000x128xf32, #tpu.memory_space<hbm>>
    tpu.enqueue_indirect_dma source(%dma_start3A_67 : memref<10000x128xf32, #tpu.memory_space<hbm>>) target(%arg8 : memref<80x128xf32, #tpu.memory_space<vmem>>) offsets(%dma_start3A_64 : memref<80xi32, #tpu.memory_space<vmem>>) semaphore(%arg11 : memref<!tpu.dma_semaphore, #tpu.memory_space<semaphore_mem>>)
    %dma_wait3A_68 = arith.constant 2960 : i32
    %dma_wait3A_69 = tpu.memref_slice %arg6[%dma_wait3A_68] : memref<3600xi32, #tpu.memory_space<vmem>> -> memref<80xi32, #tpu.memory_space<vmem>>
    %dma_wait3A_70 = arith.constant 0 : i32
    %dma_wait3A_71 = arith.constant 0 : i32
    %dma_wait3A_72 = tpu.memref_slice %arg2[%dma_wait3A_70, %dma_wait3A_71] : memref<10000x128xf32, #tpu.memory_space<hbm>> -> memref<10000x128xf32, #tpu.memory_space<hbm>>
    tpu.wait_indirect_dma semaphore(%arg12 : memref<!tpu.dma_semaphore, #tpu.memory_space<semaphore_mem>>) src(%dma_wait3A_72 : memref<10000x128xf32, #tpu.memory_space<hbm>>) dst(%arg9 : memref<80x128xf32, #tpu.memory_space<vmem>>)
    %run_scoped3A_73 = arith.constant 37 : i32
    "tpu.region"() ({
      %run_scoped3A_197 = tpu.sem_alloc : memref<!tpu.dma_semaphore, #tpu.memory_space<semaphore_mem>>
      %dma_start3A_198 = arith.constant 0 : i32
      %dma_start3A_199 = tpu.memref_slice %arg7[%run_scoped3A_73, %dma_start3A_198] : memref<45x80xi32, #tpu.memory_space<vmem>> -> memref<1x80xi32, #tpu.memory_space<vmem>>
      %dma_start3A_200 = tpu.memref_squeeze %dma_start3A_199 : memref<1x80xi32, #tpu.memory_space<vmem>> -> memref<80xi32, #tpu.memory_space<vmem>>
      %dma_start3A_201 = arith.constant 0 : i32
      %dma_start3A_202 = arith.constant 0 : i32
      %dma_start3A_203 = tpu.memref_slice %arg10[%dma_start3A_201, %dma_start3A_202] : memref<10240x128xf32, #tpu.memory_space<vmem_shared>> -> memref<10240x128xf32, #tpu.memory_space<vmem_shared>>
      tpu.enqueue_indirect_dma source(%arg9 : memref<80x128xf32, #tpu.memory_space<vmem>>) target(%dma_start3A_203 : memref<10240x128xf32, #tpu.memory_space<vmem_shared>>) offsets(%dma_start3A_200 : memref<80xi32, #tpu.memory_space<vmem>>) semaphore(%run_scoped3A_197 : memref<!tpu.dma_semaphore, #tpu.memory_space<semaphore_mem>>) {add = true}
      %dma_wait3A_204 = arith.constant 0 : i32
      %dma_wait3A_205 = tpu.memref_slice %arg7[%run_scoped3A_73, %dma_wait3A_204] : memref<45x80xi32, #tpu.memory_space<vmem>> -> memref<1x80xi32, #tpu.memory_space<vmem>>
      %dma_wait3A_206 = tpu.memref_squeeze %dma_wait3A_205 : memref<1x80xi32, #tpu.memory_space<vmem>> -> memref<80xi32, #tpu.memory_space<vmem>>
      %dma_wait3A_207 = arith.constant 0 : i32
      %dma_wait3A_208 = arith.constant 0 : i32
      %dma_wait3A_209 = tpu.memref_slice %arg10[%dma_wait3A_207, %dma_wait3A_208] : memref<10240x128xf32, #tpu.memory_space<vmem_shared>> -> memref<10240x128xf32, #tpu.memory_space<vmem_shared>>
      tpu.wait_indirect_dma semaphore(%run_scoped3A_197 : memref<!tpu.dma_semaphore, #tpu.memory_space<semaphore_mem>>) src(%arg9 : memref<80x128xf32, #tpu.memory_space<vmem>>) dst(%dma_wait3A_209 : memref<10240x128xf32, #tpu.memory_space<vmem_shared>>)
      tpu.yield
    }) : () -> ()
    %dma_start3A_74 = arith.constant 3120 : i32
    %dma_start3A_75 = tpu.memref_slice %arg6[%dma_start3A_74] : memref<3600xi32, #tpu.memory_space<vmem>> -> memref<80xi32, #tpu.memory_space<vmem>>
    %dma_start3A_76 = arith.constant 0 : i32
    %dma_start3A_77 = arith.constant 0 : i32
    %dma_start3A_78 = tpu.memref_slice %arg2[%dma_start3A_76, %dma_start3A_77] : memref<10000x128xf32, #tpu.memory_space<hbm>> -> memref<10000x128xf32, #tpu.memory_space<hbm>>
    tpu.enqueue_indirect_dma source(%dma_start3A_78 : memref<10000x128xf32, #tpu.memory_space<hbm>>) target(%arg9 : memref<80x128xf32, #tpu.memory_space<vmem>>) offsets(%dma_start3A_75 : memref<80xi32, #tpu.memory_space<vmem>>) semaphore(%arg12 : memref<!tpu.dma_semaphore, #tpu.memory_space<semaphore_mem>>)
    %dma_wait3A_79 = arith.constant 3040 : i32
    %dma_wait3A_80 = tpu.memref_slice %arg6[%dma_wait3A_79] : memref<3600xi32, #tpu.memory_space<vmem>> -> memref<80xi32, #tpu.memory_space<vmem>>
    %dma_wait3A_81 = arith.constant 0 : i32
    %dma_wait3A_82 = arith.constant 0 : i32
    %dma_wait3A_83 = tpu.memref_slice %arg2[%dma_wait3A_81, %dma_wait3A_82] : memref<10000x128xf32, #tpu.memory_space<hbm>> -> memref<10000x128xf32, #tpu.memory_space<hbm>>
    tpu.wait_indirect_dma semaphore(%arg11 : memref<!tpu.dma_semaphore, #tpu.memory_space<semaphore_mem>>) src(%dma_wait3A_83 : memref<10000x128xf32, #tpu.memory_space<hbm>>) dst(%arg8 : memref<80x128xf32, #tpu.memory_space<vmem>>)
    %run_scoped3A_84 = arith.constant 38 : i32
    "tpu.region"() ({
      %run_scoped3A_197 = tpu.sem_alloc : memref<!tpu.dma_semaphore, #tpu.memory_space<semaphore_mem>>
      %dma_start3A_198 = arith.constant 0 : i32
      %dma_start3A_199 = tpu.memref_slice %arg7[%run_scoped3A_84, %dma_start3A_198] : memref<45x80xi32, #tpu.memory_space<vmem>> -> memref<1x80xi32, #tpu.memory_space<vmem>>
      %dma_start3A_200 = tpu.memref_squeeze %dma_start3A_199 : memref<1x80xi32, #tpu.memory_space<vmem>> -> memref<80xi32, #tpu.memory_space<vmem>>
      %dma_start3A_201 = arith.constant 0 : i32
      %dma_start3A_202 = arith.constant 0 : i32
      %dma_start3A_203 = tpu.memref_slice %arg10[%dma_start3A_201, %dma_start3A_202] : memref<10240x128xf32, #tpu.memory_space<vmem_shared>> -> memref<10240x128xf32, #tpu.memory_space<vmem_shared>>
      tpu.enqueue_indirect_dma source(%arg8 : memref<80x128xf32, #tpu.memory_space<vmem>>) target(%dma_start3A_203 : memref<10240x128xf32, #tpu.memory_space<vmem_shared>>) offsets(%dma_start3A_200 : memref<80xi32, #tpu.memory_space<vmem>>) semaphore(%run_scoped3A_197 : memref<!tpu.dma_semaphore, #tpu.memory_space<semaphore_mem>>) {add = true}
      %dma_wait3A_204 = arith.constant 0 : i32
      %dma_wait3A_205 = tpu.memref_slice %arg7[%run_scoped3A_84, %dma_wait3A_204] : memref<45x80xi32, #tpu.memory_space<vmem>> -> memref<1x80xi32, #tpu.memory_space<vmem>>
      %dma_wait3A_206 = tpu.memref_squeeze %dma_wait3A_205 : memref<1x80xi32, #tpu.memory_space<vmem>> -> memref<80xi32, #tpu.memory_space<vmem>>
      %dma_wait3A_207 = arith.constant 0 : i32
      %dma_wait3A_208 = arith.constant 0 : i32
      %dma_wait3A_209 = tpu.memref_slice %arg10[%dma_wait3A_207, %dma_wait3A_208] : memref<10240x128xf32, #tpu.memory_space<vmem_shared>> -> memref<10240x128xf32, #tpu.memory_space<vmem_shared>>
      tpu.wait_indirect_dma semaphore(%run_scoped3A_197 : memref<!tpu.dma_semaphore, #tpu.memory_space<semaphore_mem>>) src(%arg8 : memref<80x128xf32, #tpu.memory_space<vmem>>) dst(%dma_wait3A_209 : memref<10240x128xf32, #tpu.memory_space<vmem_shared>>)
      tpu.yield
    }) : () -> ()
    %dma_wait3A_85 = arith.constant 3120 : i32
    %dma_wait3A_86 = tpu.memref_slice %arg6[%dma_wait3A_85] : memref<3600xi32, #tpu.memory_space<vmem>> -> memref<80xi32, #tpu.memory_space<vmem>>
    %dma_wait3A_87 = arith.constant 0 : i32
    %dma_wait3A_88 = arith.constant 0 : i32
    %dma_wait3A_89 = tpu.memref_slice %arg2[%dma_wait3A_87, %dma_wait3A_88] : memref<10000x128xf32, #tpu.memory_space<hbm>> -> memref<10000x128xf32, #tpu.memory_space<hbm>>
    tpu.wait_indirect_dma semaphore(%arg12 : memref<!tpu.dma_semaphore, #tpu.memory_space<semaphore_mem>>) src(%dma_wait3A_89 : memref<10000x128xf32, #tpu.memory_space<hbm>>) dst(%arg9 : memref<80x128xf32, #tpu.memory_space<vmem>>)
    %run_scoped3A_90 = arith.constant 39 : i32
    "tpu.region"() ({
      %run_scoped3A_197 = tpu.sem_alloc : memref<!tpu.dma_semaphore, #tpu.memory_space<semaphore_mem>>
      %dma_start3A_198 = arith.constant 0 : i32
      %dma_start3A_199 = tpu.memref_slice %arg7[%run_scoped3A_90, %dma_start3A_198] : memref<45x80xi32, #tpu.memory_space<vmem>> -> memref<1x80xi32, #tpu.memory_space<vmem>>
      %dma_start3A_200 = tpu.memref_squeeze %dma_start3A_199 : memref<1x80xi32, #tpu.memory_space<vmem>> -> memref<80xi32, #tpu.memory_space<vmem>>
      %dma_start3A_201 = arith.constant 0 : i32
      %dma_start3A_202 = arith.constant 0 : i32
      %dma_start3A_203 = tpu.memref_slice %arg10[%dma_start3A_201, %dma_start3A_202] : memref<10240x128xf32, #tpu.memory_space<vmem_shared>> -> memref<10240x128xf32, #tpu.memory_space<vmem_shared>>
      tpu.enqueue_indirect_dma source(%arg9 : memref<80x128xf32, #tpu.memory_space<vmem>>) target(%dma_start3A_203 : memref<10240x128xf32, #tpu.memory_space<vmem_shared>>) offsets(%dma_start3A_200 : memref<80xi32, #tpu.memory_space<vmem>>) semaphore(%run_scoped3A_197 : memref<!tpu.dma_semaphore, #tpu.memory_space<semaphore_mem>>) {add = true}
      %dma_wait3A_204 = arith.constant 0 : i32
      %dma_wait3A_205 = tpu.memref_slice %arg7[%run_scoped3A_90, %dma_wait3A_204] : memref<45x80xi32, #tpu.memory_space<vmem>> -> memref<1x80xi32, #tpu.memory_space<vmem>>
      %dma_wait3A_206 = tpu.memref_squeeze %dma_wait3A_205 : memref<1x80xi32, #tpu.memory_space<vmem>> -> memref<80xi32, #tpu.memory_space<vmem>>
      %dma_wait3A_207 = arith.constant 0 : i32
      %dma_wait3A_208 = arith.constant 0 : i32
      %dma_wait3A_209 = tpu.memref_slice %arg10[%dma_wait3A_207, %dma_wait3A_208] : memref<10240x128xf32, #tpu.memory_space<vmem_shared>> -> memref<10240x128xf32, #tpu.memory_space<vmem_shared>>
      tpu.wait_indirect_dma semaphore(%run_scoped3A_197 : memref<!tpu.dma_semaphore, #tpu.memory_space<semaphore_mem>>) src(%arg9 : memref<80x128xf32, #tpu.memory_space<vmem>>) dst(%dma_wait3A_209 : memref<10240x128xf32, #tpu.memory_space<vmem_shared>>)
      tpu.yield
    }) : () -> ()
    %mul3A_91 = arith.constant 125 : i32
    %mul3A_92 = arith.muli %add3A, %mul3A_91 : i32
    %add3A_93 = arith.constant 40 : i32
    %add3A_94 = arith.addi %mul3A_92, %add3A_93 : i32
    %mul3A_95 = arith.constant 80 : i32
    %mul3A_96 = arith.muli %add3A_94, %mul3A_95 : i32
    "tpu.region"() ({
      %run_scoped3A_197 = tpu.sem_alloc : memref<!tpu.dma_semaphore, #tpu.memory_space<semaphore_mem>>
      %dma_start3A_198 = arith.constant 0 : i32
      %dma_start3A_199 = tpu.memref_slice %arg6[%dma_start3A_198] : memref<3600xi32, #tpu.memory_space<vmem>> -> memref<3200xi32, #tpu.memory_space<vmem>>
      %dma_start3A_200 = tpu.memref_slice %arg3[%mul3A_96] : memref<320000xi32, #tpu.memory_space<hbm>> -> memref<3200xi32, #tpu.memory_space<hbm>>
      %dma_start3A_201 = arith.constant 0 : i32
      %dma_start3A_202 = tpu.memref_slice %arg6[%dma_start3A_201] : memref<3600xi32, #tpu.memory_space<vmem>> -> memref<3200xi32, #tpu.memory_space<vmem>>
      %dma_start3A_203 = tpu.memref_slice %arg3[%mul3A_96] : memref<320000xi32, #tpu.memory_space<hbm>> -> memref<3200xi32, #tpu.memory_space<hbm>>
      tpu.enqueue_dma source(%dma_start3A_203 : memref<3200xi32, #tpu.memory_space<hbm>>) target(%dma_start3A_202 : memref<3200xi32, #tpu.memory_space<vmem>>) target_semaphore(%run_scoped3A_197 : memref<!tpu.dma_semaphore, #tpu.memory_space<semaphore_mem>>)
      %dma_wait3A_204 = arith.constant 0 : i32
      %dma_wait3A_205 = tpu.memref_slice %arg6[%dma_wait3A_204] : memref<3600xi32, #tpu.memory_space<vmem>> -> memref<3200xi32, #tpu.memory_space<vmem>>
      %dma_wait3A_206 = tpu.memref_slice %arg3[%mul3A_96] : memref<320000xi32, #tpu.memory_space<hbm>> -> memref<3200xi32, #tpu.memory_space<hbm>>
      %dma_wait3A_207 = arith.constant 0 : i32
      %dma_wait3A_208 = tpu.memref_slice %arg6[%dma_wait3A_207] : memref<3600xi32, #tpu.memory_space<vmem>> -> memref<3200xi32, #tpu.memory_space<vmem>>
      %dma_wait3A_209 = tpu.memref_slice %arg3[%mul3A_96] : memref<320000xi32, #tpu.memory_space<hbm>> -> memref<3200xi32, #tpu.memory_space<hbm>>
      tpu.wait_dma2 semaphore(%run_scoped3A_197 : memref<!tpu.dma_semaphore, #tpu.memory_space<semaphore_mem>>) src(%dma_wait3A_209 : memref<3200xi32, #tpu.memory_space<hbm>>) dst(%dma_wait3A_208 : memref<3200xi32, #tpu.memory_space<vmem>>)
      tpu.yield
    }) : () -> ()
    "tpu.region"() ({
      %run_scoped3A_197 = tpu.sem_alloc : memref<!tpu.dma_semaphore, #tpu.memory_space<semaphore_mem>>
      %dma_start3A_198 = arith.constant 0 : i32
      %dma_start3A_199 = arith.constant 0 : i32
      %dma_start3A_200 = tpu.memref_slice %arg7[%dma_start3A_198, %dma_start3A_199] : memref<45x80xi32, #tpu.memory_space<vmem>> -> memref<40x80xi32, #tpu.memory_space<vmem>>
      %dma_start3A_201 = arith.constant 40 : i32
      %dma_start3A_202 = arith.constant 0 : i32
      %dma_start3A_203 = tpu.memref_slice %arg4[%add3A, %dma_start3A_201, %dma_start3A_202] : memref<32x125x80xi32, #tpu.memory_space<hbm>> -> memref<1x40x80xi32, #tpu.memory_space<hbm>>
      %dma_start3A_204 = tpu.memref_squeeze %dma_start3A_203 : memref<1x40x80xi32, #tpu.memory_space<hbm>> -> memref<40x80xi32, #tpu.memory_space<hbm>>
      %dma_start3A_205 = arith.constant 0 : i32
      %dma_start3A_206 = arith.constant 0 : i32
      %dma_start3A_207 = tpu.memref_slice %arg7[%dma_start3A_205, %dma_start3A_206] : memref<45x80xi32, #tpu.memory_space<vmem>> -> memref<40x80xi32, #tpu.memory_space<vmem>>
      %dma_start3A_208 = arith.constant 40 : i32
      %dma_start3A_209 = arith.constant 0 : i32
      %dma_start3A_210 = tpu.memref_slice %arg4[%add3A, %dma_start3A_208, %dma_start3A_209] : memref<32x125x80xi32, #tpu.memory_space<hbm>> -> memref<1x40x80xi32, #tpu.memory_space<hbm>>
      %dma_start3A_211 = tpu.memref_squeeze %dma_start3A_210 : memref<1x40x80xi32, #tpu.memory_space<hbm>> -> memref<40x80xi32, #tpu.memory_space<hbm>>
      tpu.enqueue_dma source(%dma_start3A_211 : memref<40x80xi32, #tpu.memory_space<hbm>>) target(%dma_start3A_207 : memref<40x80xi32, #tpu.memory_space<vmem>>) target_semaphore(%run_scoped3A_197 : memref<!tpu.dma_semaphore, #tpu.memory_space<semaphore_mem>>)
      %dma_wait3A_212 = arith.constant 0 : i32
      %dma_wait3A_213 = arith.constant 0 : i32
      %dma_wait3A_214 = tpu.memref_slice %arg7[%dma_wait3A_212, %dma_wait3A_213] : memref<45x80xi32, #tpu.memory_space<vmem>> -> memref<40x80xi32, #tpu.memory_space<vmem>>
      %dma_wait3A_215 = arith.constant 40 : i32
      %dma_wait3A_216 = arith.constant 0 : i32
      %dma_wait3A_217 = tpu.memref_slice %arg4[%add3A, %dma_wait3A_215, %dma_wait3A_216] : memref<32x125x80xi32, #tpu.memory_space<hbm>> -> memref<1x40x80xi32, #tpu.memory_space<hbm>>
      %dma_wait3A_218 = tpu.memref_squeeze %dma_wait3A_217 : memref<1x40x80xi32, #tpu.memory_space<hbm>> -> memref<40x80xi32, #tpu.memory_space<hbm>>
      %dma_wait3A_219 = arith.constant 0 : i32
      %dma_wait3A_220 = arith.constant 0 : i32
      %dma_wait3A_221 = tpu.memref_slice %arg7[%dma_wait3A_219, %dma_wait3A_220] : memref<45x80xi32, #tpu.memory_space<vmem>> -> memref<40x80xi32, #tpu.memory_space<vmem>>
      %dma_wait3A_222 = arith.constant 40 : i32
      %dma_wait3A_223 = arith.constant 0 : i32
      %dma_wait3A_224 = tpu.memref_slice %arg4[%add3A, %dma_wait3A_222, %dma_wait3A_223] : memref<32x125x80xi32, #tpu.memory_space<hbm>> -> memref<1x40x80xi32, #tpu.memory_space<hbm>>
      %dma_wait3A_225 = tpu.memref_squeeze %dma_wait3A_224 : memref<1x40x80xi32, #tpu.memory_space<hbm>> -> memref<40x80xi32, #tpu.memory_space<hbm>>
      tpu.wait_dma2 semaphore(%run_scoped3A_197 : memref<!tpu.dma_semaphore, #tpu.memory_space<semaphore_mem>>) src(%dma_wait3A_225 : memref<40x80xi32, #tpu.memory_space<hbm>>) dst(%dma_wait3A_221 : memref<40x80xi32, #tpu.memory_space<vmem>>)
      tpu.yield
    }) : () -> ()
    %dma_start3A_97 = arith.constant 0 : i32
    %dma_start3A_98 = tpu.memref_slice %arg6[%dma_start3A_97] : memref<3600xi32, #tpu.memory_space<vmem>> -> memref<80xi32, #tpu.memory_space<vmem>>
    %dma_start3A_99 = arith.constant 0 : i32
    %dma_start3A_100 = arith.constant 0 : i32
    %dma_start3A_101 = tpu.memref_slice %arg2[%dma_start3A_99, %dma_start3A_100] : memref<10000x128xf32, #tpu.memory_space<hbm>> -> memref<10000x128xf32, #tpu.memory_space<hbm>>
    tpu.enqueue_indirect_dma source(%dma_start3A_101 : memref<10000x128xf32, #tpu.memory_space<hbm>>) target(%arg8 : memref<80x128xf32, #tpu.memory_space<vmem>>) offsets(%dma_start3A_98 : memref<80xi32, #tpu.memory_space<vmem>>) semaphore(%arg11 : memref<!tpu.dma_semaphore, #tpu.memory_space<semaphore_mem>>)
    %dma_start3A_102 = arith.constant 80 : i32
    %dma_start3A_103 = tpu.memref_slice %arg6[%dma_start3A_102] : memref<3600xi32, #tpu.memory_space<vmem>> -> memref<80xi32, #tpu.memory_space<vmem>>
    %dma_start3A_104 = arith.constant 0 : i32
    %dma_start3A_105 = arith.constant 0 : i32
    %dma_start3A_106 = tpu.memref_slice %arg2[%dma_start3A_104, %dma_start3A_105] : memref<10000x128xf32, #tpu.memory_space<hbm>> -> memref<10000x128xf32, #tpu.memory_space<hbm>>
    tpu.enqueue_indirect_dma source(%dma_start3A_106 : memref<10000x128xf32, #tpu.memory_space<hbm>>) target(%arg9 : memref<80x128xf32, #tpu.memory_space<vmem>>) offsets(%dma_start3A_103 : memref<80xi32, #tpu.memory_space<vmem>>) semaphore(%arg12 : memref<!tpu.dma_semaphore, #tpu.memory_space<semaphore_mem>>)
    %scan3A_107 = arith.constant 0 : i32
    %scan3A_108 = arith.constant 0 : i32
    %scan3A_109 = arith.constant 18 : i32
    %scan3A_110 = arith.addi %scan3A_108, %scan3A_109 : i32
    %scan3A_111 = arith.constant 1 : i32
    scf.for %scan3A_197 = %scan3A_108 to %scan3A_110 step %scan3A_111  : i32 {
      %mul3A_198 = arith.constant 2 : i32
      %mul3A_199 = arith.muli %mul3A_198, %scan3A_197 : i32
      %mul3A_200 = arith.constant 80 : i32
      %mul3A_201 = arith.muli %mul3A_199, %mul3A_200 : i32
      %dma_wait3A_202 = tpu.memref_slice %arg6[%mul3A_201] : memref<3600xi32, #tpu.memory_space<vmem>> -> memref<80xi32, #tpu.memory_space<vmem>>
      %dma_wait3A_203 = arith.constant 0 : i32
      %dma_wait3A_204 = arith.constant 0 : i32
      %dma_wait3A_205 = tpu.memref_slice %arg2[%dma_wait3A_203, %dma_wait3A_204] : memref<10000x128xf32, #tpu.memory_space<hbm>> -> memref<10000x128xf32, #tpu.memory_space<hbm>>
      tpu.wait_indirect_dma semaphore(%arg11 : memref<!tpu.dma_semaphore, #tpu.memory_space<semaphore_mem>>) src(%dma_wait3A_205 : memref<10000x128xf32, #tpu.memory_space<hbm>>) dst(%arg8 : memref<80x128xf32, #tpu.memory_space<vmem>>)
      "tpu.region"() ({
        %run_scoped3A_232 = tpu.sem_alloc : memref<!tpu.dma_semaphore, #tpu.memory_space<semaphore_mem>>
        %dma_start3A_233 = arith.constant 0 : i32
        %dma_start3A_234 = tpu.memref_slice %arg7[%mul3A_199, %dma_start3A_233] : memref<45x80xi32, #tpu.memory_space<vmem>> -> memref<1x80xi32, #tpu.memory_space<vmem>>
        %dma_start3A_235 = tpu.memref_squeeze %dma_start3A_234 : memref<1x80xi32, #tpu.memory_space<vmem>> -> memref<80xi32, #tpu.memory_space<vmem>>
        %dma_start3A_236 = arith.constant 0 : i32
        %dma_start3A_237 = arith.constant 0 : i32
        %dma_start3A_238 = tpu.memref_slice %arg10[%dma_start3A_236, %dma_start3A_237] : memref<10240x128xf32, #tpu.memory_space<vmem_shared>> -> memref<10240x128xf32, #tpu.memory_space<vmem_shared>>
        tpu.enqueue_indirect_dma source(%arg8 : memref<80x128xf32, #tpu.memory_space<vmem>>) target(%dma_start3A_238 : memref<10240x128xf32, #tpu.memory_space<vmem_shared>>) offsets(%dma_start3A_235 : memref<80xi32, #tpu.memory_space<vmem>>) semaphore(%run_scoped3A_232 : memref<!tpu.dma_semaphore, #tpu.memory_space<semaphore_mem>>) {add = true}
        %dma_wait3A_239 = arith.constant 0 : i32
        %dma_wait3A_240 = tpu.memref_slice %arg7[%mul3A_199, %dma_wait3A_239] : memref<45x80xi32, #tpu.memory_space<vmem>> -> memref<1x80xi32, #tpu.memory_space<vmem>>
        %dma_wait3A_241 = tpu.memref_squeeze %dma_wait3A_240 : memref<1x80xi32, #tpu.memory_space<vmem>> -> memref<80xi32, #tpu.memory_space<vmem>>
        %dma_wait3A_242 = arith.constant 0 : i32
        %dma_wait3A_243 = arith.constant 0 : i32
        %dma_wait3A_244 = tpu.memref_slice %arg10[%dma_wait3A_242, %dma_wait3A_243] : memref<10240x128xf32, #tpu.memory_space<vmem_shared>> -> memref<10240x128xf32, #tpu.memory_space<vmem_shared>>
        tpu.wait_indirect_dma semaphore(%run_scoped3A_232 : memref<!tpu.dma_semaphore, #tpu.memory_space<semaphore_mem>>) src(%arg8 : memref<80x128xf32, #tpu.memory_space<vmem>>) dst(%dma_wait3A_244 : memref<10240x128xf32, #tpu.memory_space<vmem_shared>>)
        tpu.yield
      }) : () -> ()
      %add3A_206 = arith.constant 2 : i32
      %add3A_207 = arith.addi %mul3A_199, %add3A_206 : i32
      %mul3A_208 = arith.constant 80 : i32
      %mul3A_209 = arith.muli %add3A_207, %mul3A_208 : i32
      %dma_start3A_210 = tpu.memref_slice %arg6[%mul3A_209] : memref<3600xi32, #tpu.memory_space<vmem>> -> memref<80xi32, #tpu.memory_space<vmem>>
      %dma_start3A_211 = arith.constant 0 : i32
      %dma_start3A_212 = arith.constant 0 : i32
      %dma_start3A_213 = tpu.memref_slice %arg2[%dma_start3A_211, %dma_start3A_212] : memref<10000x128xf32, #tpu.memory_space<hbm>> -> memref<10000x128xf32, #tpu.memory_space<hbm>>
      tpu.enqueue_indirect_dma source(%dma_start3A_213 : memref<10000x128xf32, #tpu.memory_space<hbm>>) target(%arg8 : memref<80x128xf32, #tpu.memory_space<vmem>>) offsets(%dma_start3A_210 : memref<80xi32, #tpu.memory_space<vmem>>) semaphore(%arg11 : memref<!tpu.dma_semaphore, #tpu.memory_space<semaphore_mem>>)
      %add3A_214 = arith.constant 1 : i32
      %add3A_215 = arith.addi %mul3A_199, %add3A_214 : i32
      %mul3A_216 = arith.constant 80 : i32
      %mul3A_217 = arith.muli %add3A_215, %mul3A_216 : i32
      %dma_wait3A_218 = tpu.memref_slice %arg6[%mul3A_217] : memref<3600xi32, #tpu.memory_space<vmem>> -> memref<80xi32, #tpu.memory_space<vmem>>
      %dma_wait3A_219 = arith.constant 0 : i32
      %dma_wait3A_220 = arith.constant 0 : i32
      %dma_wait3A_221 = tpu.memref_slice %arg2[%dma_wait3A_219, %dma_wait3A_220] : memref<10000x128xf32, #tpu.memory_space<hbm>> -> memref<10000x128xf32, #tpu.memory_space<hbm>>
      tpu.wait_indirect_dma semaphore(%arg12 : memref<!tpu.dma_semaphore, #tpu.memory_space<semaphore_mem>>) src(%dma_wait3A_221 : memref<10000x128xf32, #tpu.memory_space<hbm>>) dst(%arg9 : memref<80x128xf32, #tpu.memory_space<vmem>>)
      %add3A_222 = arith.constant 1 : i32
      %add3A_223 = arith.addi %mul3A_199, %add3A_222 : i32
      "tpu.region"() ({
        %run_scoped3A_232 = tpu.sem_alloc : memref<!tpu.dma_semaphore, #tpu.memory_space<semaphore_mem>>
        %dma_start3A_233 = arith.constant 0 : i32
        %dma_start3A_234 = tpu.memref_slice %arg7[%add3A_223, %dma_start3A_233] : memref<45x80xi32, #tpu.memory_space<vmem>> -> memref<1x80xi32, #tpu.memory_space<vmem>>
        %dma_start3A_235 = tpu.memref_squeeze %dma_start3A_234 : memref<1x80xi32, #tpu.memory_space<vmem>> -> memref<80xi32, #tpu.memory_space<vmem>>
        %dma_start3A_236 = arith.constant 0 : i32
        %dma_start3A_237 = arith.constant 0 : i32
        %dma_start3A_238 = tpu.memref_slice %arg10[%dma_start3A_236, %dma_start3A_237] : memref<10240x128xf32, #tpu.memory_space<vmem_shared>> -> memref<10240x128xf32, #tpu.memory_space<vmem_shared>>
        tpu.enqueue_indirect_dma source(%arg9 : memref<80x128xf32, #tpu.memory_space<vmem>>) target(%dma_start3A_238 : memref<10240x128xf32, #tpu.memory_space<vmem_shared>>) offsets(%dma_start3A_235 : memref<80xi32, #tpu.memory_space<vmem>>) semaphore(%run_scoped3A_232 : memref<!tpu.dma_semaphore, #tpu.memory_space<semaphore_mem>>) {add = true}
        %dma_wait3A_239 = arith.constant 0 : i32
        %dma_wait3A_240 = tpu.memref_slice %arg7[%add3A_223, %dma_wait3A_239] : memref<45x80xi32, #tpu.memory_space<vmem>> -> memref<1x80xi32, #tpu.memory_space<vmem>>
        %dma_wait3A_241 = tpu.memref_squeeze %dma_wait3A_240 : memref<1x80xi32, #tpu.memory_space<vmem>> -> memref<80xi32, #tpu.memory_space<vmem>>
        %dma_wait3A_242 = arith.constant 0 : i32
        %dma_wait3A_243 = arith.constant 0 : i32
        %dma_wait3A_244 = tpu.memref_slice %arg10[%dma_wait3A_242, %dma_wait3A_243] : memref<10240x128xf32, #tpu.memory_space<vmem_shared>> -> memref<10240x128xf32, #tpu.memory_space<vmem_shared>>
        tpu.wait_indirect_dma semaphore(%run_scoped3A_232 : memref<!tpu.dma_semaphore, #tpu.memory_space<semaphore_mem>>) src(%arg9 : memref<80x128xf32, #tpu.memory_space<vmem>>) dst(%dma_wait3A_244 : memref<10240x128xf32, #tpu.memory_space<vmem_shared>>)
        tpu.yield
      }) : () -> ()
      %add3A_224 = arith.constant 3 : i32
      %add3A_225 = arith.addi %mul3A_199, %add3A_224 : i32
      %mul3A_226 = arith.constant 80 : i32
      %mul3A_227 = arith.muli %add3A_225, %mul3A_226 : i32
      %dma_start3A_228 = tpu.memref_slice %arg6[%mul3A_227] : memref<3600xi32, #tpu.memory_space<vmem>> -> memref<80xi32, #tpu.memory_space<vmem>>
      %dma_start3A_229 = arith.constant 0 : i32
      %dma_start3A_230 = arith.constant 0 : i32
      %dma_start3A_231 = tpu.memref_slice %arg2[%dma_start3A_229, %dma_start3A_230] : memref<10000x128xf32, #tpu.memory_space<hbm>> -> memref<10000x128xf32, #tpu.memory_space<hbm>>
      tpu.enqueue_indirect_dma source(%dma_start3A_231 : memref<10000x128xf32, #tpu.memory_space<hbm>>) target(%arg9 : memref<80x128xf32, #tpu.memory_space<vmem>>) offsets(%dma_start3A_228 : memref<80xi32, #tpu.memory_space<vmem>>) semaphore(%arg12 : memref<!tpu.dma_semaphore, #tpu.memory_space<semaphore_mem>>)
    }
    %scan3A_112 = arith.constant 18 : i32
    %dma_wait3A_113 = arith.constant 2880 : i32
    %dma_wait3A_114 = tpu.memref_slice %arg6[%dma_wait3A_113] : memref<3600xi32, #tpu.memory_space<vmem>> -> memref<80xi32, #tpu.memory_space<vmem>>
    %dma_wait3A_115 = arith.constant 0 : i32
    %dma_wait3A_116 = arith.constant 0 : i32
    %dma_wait3A_117 = tpu.memref_slice %arg2[%dma_wait3A_115, %dma_wait3A_116] : memref<10000x128xf32, #tpu.memory_space<hbm>> -> memref<10000x128xf32, #tpu.memory_space<hbm>>
    tpu.wait_indirect_dma semaphore(%arg11 : memref<!tpu.dma_semaphore, #tpu.memory_space<semaphore_mem>>) src(%dma_wait3A_117 : memref<10000x128xf32, #tpu.memory_space<hbm>>) dst(%arg8 : memref<80x128xf32, #tpu.memory_space<vmem>>)
    %run_scoped3A_118 = arith.constant 36 : i32
    "tpu.region"() ({
      %run_scoped3A_197 = tpu.sem_alloc : memref<!tpu.dma_semaphore, #tpu.memory_space<semaphore_mem>>
      %dma_start3A_198 = arith.constant 0 : i32
      %dma_start3A_199 = tpu.memref_slice %arg7[%run_scoped3A_118, %dma_start3A_198] : memref<45x80xi32, #tpu.memory_space<vmem>> -> memref<1x80xi32, #tpu.memory_space<vmem>>
      %dma_start3A_200 = tpu.memref_squeeze %dma_start3A_199 : memref<1x80xi32, #tpu.memory_space<vmem>> -> memref<80xi32, #tpu.memory_space<vmem>>
      %dma_start3A_201 = arith.constant 0 : i32
      %dma_start3A_202 = arith.constant 0 : i32
      %dma_start3A_203 = tpu.memref_slice %arg10[%dma_start3A_201, %dma_start3A_202] : memref<10240x128xf32, #tpu.memory_space<vmem_shared>> -> memref<10240x128xf32, #tpu.memory_space<vmem_shared>>
      tpu.enqueue_indirect_dma source(%arg8 : memref<80x128xf32, #tpu.memory_space<vmem>>) target(%dma_start3A_203 : memref<10240x128xf32, #tpu.memory_space<vmem_shared>>) offsets(%dma_start3A_200 : memref<80xi32, #tpu.memory_space<vmem>>) semaphore(%run_scoped3A_197 : memref<!tpu.dma_semaphore, #tpu.memory_space<semaphore_mem>>) {add = true}
      %dma_wait3A_204 = arith.constant 0 : i32
      %dma_wait3A_205 = tpu.memref_slice %arg7[%run_scoped3A_118, %dma_wait3A_204] : memref<45x80xi32, #tpu.memory_space<vmem>> -> memref<1x80xi32, #tpu.memory_space<vmem>>
      %dma_wait3A_206 = tpu.memref_squeeze %dma_wait3A_205 : memref<1x80xi32, #tpu.memory_space<vmem>> -> memref<80xi32, #tpu.memory_space<vmem>>
      %dma_wait3A_207 = arith.constant 0 : i32
      %dma_wait3A_208 = arith.constant 0 : i32
      %dma_wait3A_209 = tpu.memref_slice %arg10[%dma_wait3A_207, %dma_wait3A_208] : memref<10240x128xf32, #tpu.memory_space<vmem_shared>> -> memref<10240x128xf32, #tpu.memory_space<vmem_shared>>
      tpu.wait_indirect_dma semaphore(%run_scoped3A_197 : memref<!tpu.dma_semaphore, #tpu.memory_space<semaphore_mem>>) src(%arg8 : memref<80x128xf32, #tpu.memory_space<vmem>>) dst(%dma_wait3A_209 : memref<10240x128xf32, #tpu.memory_space<vmem_shared>>)
      tpu.yield
    }) : () -> ()
    %dma_start3A_119 = arith.constant 3040 : i32
    %dma_start3A_120 = tpu.memref_slice %arg6[%dma_start3A_119] : memref<3600xi32, #tpu.memory_space<vmem>> -> memref<80xi32, #tpu.memory_space<vmem>>
    %dma_start3A_121 = arith.constant 0 : i32
    %dma_start3A_122 = arith.constant 0 : i32
    %dma_start3A_123 = tpu.memref_slice %arg2[%dma_start3A_121, %dma_start3A_122] : memref<10000x128xf32, #tpu.memory_space<hbm>> -> memref<10000x128xf32, #tpu.memory_space<hbm>>
    tpu.enqueue_indirect_dma source(%dma_start3A_123 : memref<10000x128xf32, #tpu.memory_space<hbm>>) target(%arg8 : memref<80x128xf32, #tpu.memory_space<vmem>>) offsets(%dma_start3A_120 : memref<80xi32, #tpu.memory_space<vmem>>) semaphore(%arg11 : memref<!tpu.dma_semaphore, #tpu.memory_space<semaphore_mem>>)
    %dma_wait3A_124 = arith.constant 2960 : i32
    %dma_wait3A_125 = tpu.memref_slice %arg6[%dma_wait3A_124] : memref<3600xi32, #tpu.memory_space<vmem>> -> memref<80xi32, #tpu.memory_space<vmem>>
    %dma_wait3A_126 = arith.constant 0 : i32
    %dma_wait3A_127 = arith.constant 0 : i32
    %dma_wait3A_128 = tpu.memref_slice %arg2[%dma_wait3A_126, %dma_wait3A_127] : memref<10000x128xf32, #tpu.memory_space<hbm>> -> memref<10000x128xf32, #tpu.memory_space<hbm>>
    tpu.wait_indirect_dma semaphore(%arg12 : memref<!tpu.dma_semaphore, #tpu.memory_space<semaphore_mem>>) src(%dma_wait3A_128 : memref<10000x128xf32, #tpu.memory_space<hbm>>) dst(%arg9 : memref<80x128xf32, #tpu.memory_space<vmem>>)
    %run_scoped3A_129 = arith.constant 37 : i32
    "tpu.region"() ({
      %run_scoped3A_197 = tpu.sem_alloc : memref<!tpu.dma_semaphore, #tpu.memory_space<semaphore_mem>>
      %dma_start3A_198 = arith.constant 0 : i32
      %dma_start3A_199 = tpu.memref_slice %arg7[%run_scoped3A_129, %dma_start3A_198] : memref<45x80xi32, #tpu.memory_space<vmem>> -> memref<1x80xi32, #tpu.memory_space<vmem>>
      %dma_start3A_200 = tpu.memref_squeeze %dma_start3A_199 : memref<1x80xi32, #tpu.memory_space<vmem>> -> memref<80xi32, #tpu.memory_space<vmem>>
      %dma_start3A_201 = arith.constant 0 : i32
      %dma_start3A_202 = arith.constant 0 : i32
      %dma_start3A_203 = tpu.memref_slice %arg10[%dma_start3A_201, %dma_start3A_202] : memref<10240x128xf32, #tpu.memory_space<vmem_shared>> -> memref<10240x128xf32, #tpu.memory_space<vmem_shared>>
      tpu.enqueue_indirect_dma source(%arg9 : memref<80x128xf32, #tpu.memory_space<vmem>>) target(%dma_start3A_203 : memref<10240x128xf32, #tpu.memory_space<vmem_shared>>) offsets(%dma_start3A_200 : memref<80xi32, #tpu.memory_space<vmem>>) semaphore(%run_scoped3A_197 : memref<!tpu.dma_semaphore, #tpu.memory_space<semaphore_mem>>) {add = true}
      %dma_wait3A_204 = arith.constant 0 : i32
      %dma_wait3A_205 = tpu.memref_slice %arg7[%run_scoped3A_129, %dma_wait3A_204] : memref<45x80xi32, #tpu.memory_space<vmem>> -> memref<1x80xi32, #tpu.memory_space<vmem>>
      %dma_wait3A_206 = tpu.memref_squeeze %dma_wait3A_205 : memref<1x80xi32, #tpu.memory_space<vmem>> -> memref<80xi32, #tpu.memory_space<vmem>>
      %dma_wait3A_207 = arith.constant 0 : i32
      %dma_wait3A_208 = arith.constant 0 : i32
      %dma_wait3A_209 = tpu.memref_slice %arg10[%dma_wait3A_207, %dma_wait3A_208] : memref<10240x128xf32, #tpu.memory_space<vmem_shared>> -> memref<10240x128xf32, #tpu.memory_space<vmem_shared>>
      tpu.wait_indirect_dma semaphore(%run_scoped3A_197 : memref<!tpu.dma_semaphore, #tpu.memory_space<semaphore_mem>>) src(%arg9 : memref<80x128xf32, #tpu.memory_space<vmem>>) dst(%dma_wait3A_209 : memref<10240x128xf32, #tpu.memory_space<vmem_shared>>)
      tpu.yield
    }) : () -> ()
    %dma_start3A_130 = arith.constant 3120 : i32
    %dma_start3A_131 = tpu.memref_slice %arg6[%dma_start3A_130] : memref<3600xi32, #tpu.memory_space<vmem>> -> memref<80xi32, #tpu.memory_space<vmem>>
    %dma_start3A_132 = arith.constant 0 : i32
    %dma_start3A_133 = arith.constant 0 : i32
    %dma_start3A_134 = tpu.memref_slice %arg2[%dma_start3A_132, %dma_start3A_133] : memref<10000x128xf32, #tpu.memory_space<hbm>> -> memref<10000x128xf32, #tpu.memory_space<hbm>>
    tpu.enqueue_indirect_dma source(%dma_start3A_134 : memref<10000x128xf32, #tpu.memory_space<hbm>>) target(%arg9 : memref<80x128xf32, #tpu.memory_space<vmem>>) offsets(%dma_start3A_131 : memref<80xi32, #tpu.memory_space<vmem>>) semaphore(%arg12 : memref<!tpu.dma_semaphore, #tpu.memory_space<semaphore_mem>>)
    %dma_wait3A_135 = arith.constant 3040 : i32
    %dma_wait3A_136 = tpu.memref_slice %arg6[%dma_wait3A_135] : memref<3600xi32, #tpu.memory_space<vmem>> -> memref<80xi32, #tpu.memory_space<vmem>>
    %dma_wait3A_137 = arith.constant 0 : i32
    %dma_wait3A_138 = arith.constant 0 : i32
    %dma_wait3A_139 = tpu.memref_slice %arg2[%dma_wait3A_137, %dma_wait3A_138] : memref<10000x128xf32, #tpu.memory_space<hbm>> -> memref<10000x128xf32, #tpu.memory_space<hbm>>
    tpu.wait_indirect_dma semaphore(%arg11 : memref<!tpu.dma_semaphore, #tpu.memory_space<semaphore_mem>>) src(%dma_wait3A_139 : memref<10000x128xf32, #tpu.memory_space<hbm>>) dst(%arg8 : memref<80x128xf32, #tpu.memory_space<vmem>>)
    %run_scoped3A_140 = arith.constant 38 : i32
    "tpu.region"() ({
      %run_scoped3A_197 = tpu.sem_alloc : memref<!tpu.dma_semaphore, #tpu.memory_space<semaphore_mem>>
      %dma_start3A_198 = arith.constant 0 : i32
      %dma_start3A_199 = tpu.memref_slice %arg7[%run_scoped3A_140, %dma_start3A_198] : memref<45x80xi32, #tpu.memory_space<vmem>> -> memref<1x80xi32, #tpu.memory_space<vmem>>
      %dma_start3A_200 = tpu.memref_squeeze %dma_start3A_199 : memref<1x80xi32, #tpu.memory_space<vmem>> -> memref<80xi32, #tpu.memory_space<vmem>>
      %dma_start3A_201 = arith.constant 0 : i32
      %dma_start3A_202 = arith.constant 0 : i32
      %dma_start3A_203 = tpu.memref_slice %arg10[%dma_start3A_201, %dma_start3A_202] : memref<10240x128xf32, #tpu.memory_space<vmem_shared>> -> memref<10240x128xf32, #tpu.memory_space<vmem_shared>>
      tpu.enqueue_indirect_dma source(%arg8 : memref<80x128xf32, #tpu.memory_space<vmem>>) target(%dma_start3A_203 : memref<10240x128xf32, #tpu.memory_space<vmem_shared>>) offsets(%dma_start3A_200 : memref<80xi32, #tpu.memory_space<vmem>>) semaphore(%run_scoped3A_197 : memref<!tpu.dma_semaphore, #tpu.memory_space<semaphore_mem>>) {add = true}
      %dma_wait3A_204 = arith.constant 0 : i32
      %dma_wait3A_205 = tpu.memref_slice %arg7[%run_scoped3A_140, %dma_wait3A_204] : memref<45x80xi32, #tpu.memory_space<vmem>> -> memref<1x80xi32, #tpu.memory_space<vmem>>
      %dma_wait3A_206 = tpu.memref_squeeze %dma_wait3A_205 : memref<1x80xi32, #tpu.memory_space<vmem>> -> memref<80xi32, #tpu.memory_space<vmem>>
      %dma_wait3A_207 = arith.constant 0 : i32
      %dma_wait3A_208 = arith.constant 0 : i32
      %dma_wait3A_209 = tpu.memref_slice %arg10[%dma_wait3A_207, %dma_wait3A_208] : memref<10240x128xf32, #tpu.memory_space<vmem_shared>> -> memref<10240x128xf32, #tpu.memory_space<vmem_shared>>
      tpu.wait_indirect_dma semaphore(%run_scoped3A_197 : memref<!tpu.dma_semaphore, #tpu.memory_space<semaphore_mem>>) src(%arg8 : memref<80x128xf32, #tpu.memory_space<vmem>>) dst(%dma_wait3A_209 : memref<10240x128xf32, #tpu.memory_space<vmem_shared>>)
      tpu.yield
    }) : () -> ()
    %dma_wait3A_141 = arith.constant 3120 : i32
    %dma_wait3A_142 = tpu.memref_slice %arg6[%dma_wait3A_141] : memref<3600xi32, #tpu.memory_space<vmem>> -> memref<80xi32, #tpu.memory_space<vmem>>
    %dma_wait3A_143 = arith.constant 0 : i32
    %dma_wait3A_144 = arith.constant 0 : i32
    %dma_wait3A_145 = tpu.memref_slice %arg2[%dma_wait3A_143, %dma_wait3A_144] : memref<10000x128xf32, #tpu.memory_space<hbm>> -> memref<10000x128xf32, #tpu.memory_space<hbm>>
    tpu.wait_indirect_dma semaphore(%arg12 : memref<!tpu.dma_semaphore, #tpu.memory_space<semaphore_mem>>) src(%dma_wait3A_145 : memref<10000x128xf32, #tpu.memory_space<hbm>>) dst(%arg9 : memref<80x128xf32, #tpu.memory_space<vmem>>)
    %run_scoped3A_146 = arith.constant 39 : i32
    "tpu.region"() ({
      %run_scoped3A_197 = tpu.sem_alloc : memref<!tpu.dma_semaphore, #tpu.memory_space<semaphore_mem>>
      %dma_start3A_198 = arith.constant 0 : i32
      %dma_start3A_199 = tpu.memref_slice %arg7[%run_scoped3A_146, %dma_start3A_198] : memref<45x80xi32, #tpu.memory_space<vmem>> -> memref<1x80xi32, #tpu.memory_space<vmem>>
      %dma_start3A_200 = tpu.memref_squeeze %dma_start3A_199 : memref<1x80xi32, #tpu.memory_space<vmem>> -> memref<80xi32, #tpu.memory_space<vmem>>
      %dma_start3A_201 = arith.constant 0 : i32
      %dma_start3A_202 = arith.constant 0 : i32
      %dma_start3A_203 = tpu.memref_slice %arg10[%dma_start3A_201, %dma_start3A_202] : memref<10240x128xf32, #tpu.memory_space<vmem_shared>> -> memref<10240x128xf32, #tpu.memory_space<vmem_shared>>
      tpu.enqueue_indirect_dma source(%arg9 : memref<80x128xf32, #tpu.memory_space<vmem>>) target(%dma_start3A_203 : memref<10240x128xf32, #tpu.memory_space<vmem_shared>>) offsets(%dma_start3A_200 : memref<80xi32, #tpu.memory_space<vmem>>) semaphore(%run_scoped3A_197 : memref<!tpu.dma_semaphore, #tpu.memory_space<semaphore_mem>>) {add = true}
      %dma_wait3A_204 = arith.constant 0 : i32
      %dma_wait3A_205 = tpu.memref_slice %arg7[%run_scoped3A_146, %dma_wait3A_204] : memref<45x80xi32, #tpu.memory_space<vmem>> -> memref<1x80xi32, #tpu.memory_space<vmem>>
      %dma_wait3A_206 = tpu.memref_squeeze %dma_wait3A_205 : memref<1x80xi32, #tpu.memory_space<vmem>> -> memref<80xi32, #tpu.memory_space<vmem>>
      %dma_wait3A_207 = arith.constant 0 : i32
      %dma_wait3A_208 = arith.constant 0 : i32
      %dma_wait3A_209 = tpu.memref_slice %arg10[%dma_wait3A_207, %dma_wait3A_208] : memref<10240x128xf32, #tpu.memory_space<vmem_shared>> -> memref<10240x128xf32, #tpu.memory_space<vmem_shared>>
      tpu.wait_indirect_dma semaphore(%run_scoped3A_197 : memref<!tpu.dma_semaphore, #tpu.memory_space<semaphore_mem>>) src(%arg9 : memref<80x128xf32, #tpu.memory_space<vmem>>) dst(%dma_wait3A_209 : memref<10240x128xf32, #tpu.memory_space<vmem_shared>>)
      tpu.yield
    }) : () -> ()
    %mul3A_147 = arith.constant 125 : i32
    %mul3A_148 = arith.muli %add3A, %mul3A_147 : i32
    %add3A_149 = arith.constant 80 : i32
    %add3A_150 = arith.addi %mul3A_148, %add3A_149 : i32
    %mul3A_151 = arith.constant 80 : i32
    %mul3A_152 = arith.muli %add3A_150, %mul3A_151 : i32
    "tpu.region"() ({
      %run_scoped3A_197 = tpu.sem_alloc : memref<!tpu.dma_semaphore, #tpu.memory_space<semaphore_mem>>
      %dma_start3A_198 = arith.constant 0 : i32
      %dma_start3A_199 = tpu.memref_slice %arg6[%dma_start3A_198] : memref<3600xi32, #tpu.memory_space<vmem>> -> memref<3600xi32, #tpu.memory_space<vmem>>
      %dma_start3A_200 = tpu.memref_slice %arg3[%mul3A_152] : memref<320000xi32, #tpu.memory_space<hbm>> -> memref<3600xi32, #tpu.memory_space<hbm>>
      %dma_start3A_201 = arith.constant 0 : i32
      %dma_start3A_202 = tpu.memref_slice %arg6[%dma_start3A_201] : memref<3600xi32, #tpu.memory_space<vmem>> -> memref<3600xi32, #tpu.memory_space<vmem>>
      %dma_start3A_203 = tpu.memref_slice %arg3[%mul3A_152] : memref<320000xi32, #tpu.memory_space<hbm>> -> memref<3600xi32, #tpu.memory_space<hbm>>
      tpu.enqueue_dma source(%dma_start3A_203 : memref<3600xi32, #tpu.memory_space<hbm>>) target(%dma_start3A_202 : memref<3600xi32, #tpu.memory_space<vmem>>) target_semaphore(%run_scoped3A_197 : memref<!tpu.dma_semaphore, #tpu.memory_space<semaphore_mem>>)
      %dma_wait3A_204 = arith.constant 0 : i32
      %dma_wait3A_205 = tpu.memref_slice %arg6[%dma_wait3A_204] : memref<3600xi32, #tpu.memory_space<vmem>> -> memref<3600xi32, #tpu.memory_space<vmem>>
      %dma_wait3A_206 = tpu.memref_slice %arg3[%mul3A_152] : memref<320000xi32, #tpu.memory_space<hbm>> -> memref<3600xi32, #tpu.memory_space<hbm>>
      %dma_wait3A_207 = arith.constant 0 : i32
      %dma_wait3A_208 = tpu.memref_slice %arg6[%dma_wait3A_207] : memref<3600xi32, #tpu.memory_space<vmem>> -> memref<3600xi32, #tpu.memory_space<vmem>>
      %dma_wait3A_209 = tpu.memref_slice %arg3[%mul3A_152] : memref<320000xi32, #tpu.memory_space<hbm>> -> memref<3600xi32, #tpu.memory_space<hbm>>
      tpu.wait_dma2 semaphore(%run_scoped3A_197 : memref<!tpu.dma_semaphore, #tpu.memory_space<semaphore_mem>>) src(%dma_wait3A_209 : memref<3600xi32, #tpu.memory_space<hbm>>) dst(%dma_wait3A_208 : memref<3600xi32, #tpu.memory_space<vmem>>)
      tpu.yield
    }) : () -> ()
    "tpu.region"() ({
      %run_scoped3A_197 = tpu.sem_alloc : memref<!tpu.dma_semaphore, #tpu.memory_space<semaphore_mem>>
      %dma_start3A_198 = arith.constant 0 : i32
      %dma_start3A_199 = arith.constant 0 : i32
      %dma_start3A_200 = tpu.memref_slice %arg7[%dma_start3A_198, %dma_start3A_199] : memref<45x80xi32, #tpu.memory_space<vmem>> -> memref<45x80xi32, #tpu.memory_space<vmem>>
      %dma_start3A_201 = arith.constant 80 : i32
      %dma_start3A_202 = arith.constant 0 : i32
      %dma_start3A_203 = tpu.memref_slice %arg4[%add3A, %dma_start3A_201, %dma_start3A_202] : memref<32x125x80xi32, #tpu.memory_space<hbm>> -> memref<1x45x80xi32, #tpu.memory_space<hbm>>
      %dma_start3A_204 = tpu.memref_squeeze %dma_start3A_203 : memref<1x45x80xi32, #tpu.memory_space<hbm>> -> memref<45x80xi32, #tpu.memory_space<hbm>>
      %dma_start3A_205 = arith.constant 0 : i32
      %dma_start3A_206 = arith.constant 0 : i32
      %dma_start3A_207 = tpu.memref_slice %arg7[%dma_start3A_205, %dma_start3A_206] : memref<45x80xi32, #tpu.memory_space<vmem>> -> memref<45x80xi32, #tpu.memory_space<vmem>>
      %dma_start3A_208 = arith.constant 80 : i32
      %dma_start3A_209 = arith.constant 0 : i32
      %dma_start3A_210 = tpu.memref_slice %arg4[%add3A, %dma_start3A_208, %dma_start3A_209] : memref<32x125x80xi32, #tpu.memory_space<hbm>> -> memref<1x45x80xi32, #tpu.memory_space<hbm>>
      %dma_start3A_211 = tpu.memref_squeeze %dma_start3A_210 : memref<1x45x80xi32, #tpu.memory_space<hbm>> -> memref<45x80xi32, #tpu.memory_space<hbm>>
      tpu.enqueue_dma source(%dma_start3A_211 : memref<45x80xi32, #tpu.memory_space<hbm>>) target(%dma_start3A_207 : memref<45x80xi32, #tpu.memory_space<vmem>>) target_semaphore(%run_scoped3A_197 : memref<!tpu.dma_semaphore, #tpu.memory_space<semaphore_mem>>)
      %dma_wait3A_212 = arith.constant 0 : i32
      %dma_wait3A_213 = arith.constant 0 : i32
      %dma_wait3A_214 = tpu.memref_slice %arg7[%dma_wait3A_212, %dma_wait3A_213] : memref<45x80xi32, #tpu.memory_space<vmem>> -> memref<45x80xi32, #tpu.memory_space<vmem>>
      %dma_wait3A_215 = arith.constant 80 : i32
      %dma_wait3A_216 = arith.constant 0 : i32
      %dma_wait3A_217 = tpu.memref_slice %arg4[%add3A, %dma_wait3A_215, %dma_wait3A_216] : memref<32x125x80xi32, #tpu.memory_space<hbm>> -> memref<1x45x80xi32, #tpu.memory_space<hbm>>
      %dma_wait3A_218 = tpu.memref_squeeze %dma_wait3A_217 : memref<1x45x80xi32, #tpu.memory_space<hbm>> -> memref<45x80xi32, #tpu.memory_space<hbm>>
      %dma_wait3A_219 = arith.constant 0 : i32
      %dma_wait3A_220 = arith.constant 0 : i32
      %dma_wait3A_221 = tpu.memref_slice %arg7[%dma_wait3A_219, %dma_wait3A_220] : memref<45x80xi32, #tpu.memory_space<vmem>> -> memref<45x80xi32, #tpu.memory_space<vmem>>
      %dma_wait3A_222 = arith.constant 80 : i32
      %dma_wait3A_223 = arith.constant 0 : i32
      %dma_wait3A_224 = tpu.memref_slice %arg4[%add3A, %dma_wait3A_222, %dma_wait3A_223] : memref<32x125x80xi32, #tpu.memory_space<hbm>> -> memref<1x45x80xi32, #tpu.memory_space<hbm>>
      %dma_wait3A_225 = tpu.memref_squeeze %dma_wait3A_224 : memref<1x45x80xi32, #tpu.memory_space<hbm>> -> memref<45x80xi32, #tpu.memory_space<hbm>>
      tpu.wait_dma2 semaphore(%run_scoped3A_197 : memref<!tpu.dma_semaphore, #tpu.memory_space<semaphore_mem>>) src(%dma_wait3A_225 : memref<45x80xi32, #tpu.memory_space<hbm>>) dst(%dma_wait3A_221 : memref<45x80xi32, #tpu.memory_space<vmem>>)
      tpu.yield
    }) : () -> ()
    %dma_start3A_153 = arith.constant 0 : i32
    %dma_start3A_154 = tpu.memref_slice %arg6[%dma_start3A_153] : memref<3600xi32, #tpu.memory_space<vmem>> -> memref<80xi32, #tpu.memory_space<vmem>>
    %dma_start3A_155 = arith.constant 0 : i32
    %dma_start3A_156 = arith.constant 0 : i32
    %dma_start3A_157 = tpu.memref_slice %arg2[%dma_start3A_155, %dma_start3A_156] : memref<10000x128xf32, #tpu.memory_space<hbm>> -> memref<10000x128xf32, #tpu.memory_space<hbm>>
    tpu.enqueue_indirect_dma source(%dma_start3A_157 : memref<10000x128xf32, #tpu.memory_space<hbm>>) target(%arg8 : memref<80x128xf32, #tpu.memory_space<vmem>>) offsets(%dma_start3A_154 : memref<80xi32, #tpu.memory_space<vmem>>) semaphore(%arg11 : memref<!tpu.dma_semaphore, #tpu.memory_space<semaphore_mem>>)
    %dma_start3A_158 = arith.constant 80 : i32
    %dma_start3A_159 = tpu.memref_slice %arg6[%dma_start3A_158] : memref<3600xi32, #tpu.memory_space<vmem>> -> memref<80xi32, #tpu.memory_space<vmem>>
    %dma_start3A_160 = arith.constant 0 : i32
    %dma_start3A_161 = arith.constant 0 : i32
    %dma_start3A_162 = tpu.memref_slice %arg2[%dma_start3A_160, %dma_start3A_161] : memref<10000x128xf32, #tpu.memory_space<hbm>> -> memref<10000x128xf32, #tpu.memory_space<hbm>>
    tpu.enqueue_indirect_dma source(%dma_start3A_162 : memref<10000x128xf32, #tpu.memory_space<hbm>>) target(%arg9 : memref<80x128xf32, #tpu.memory_space<vmem>>) offsets(%dma_start3A_159 : memref<80xi32, #tpu.memory_space<vmem>>) semaphore(%arg12 : memref<!tpu.dma_semaphore, #tpu.memory_space<semaphore_mem>>)
    %scan3A_163 = arith.constant 0 : i32
    %scan3A_164 = arith.constant 0 : i32
    %scan3A_165 = arith.constant 21 : i32
    %scan3A_166 = arith.addi %scan3A_164, %scan3A_165 : i32
    %scan3A_167 = arith.constant 1 : i32
    scf.for %scan3A_197 = %scan3A_164 to %scan3A_166 step %scan3A_167  : i32 {
      %mul3A_198 = arith.constant 2 : i32
      %mul3A_199 = arith.muli %mul3A_198, %scan3A_197 : i32
      %mul3A_200 = arith.constant 80 : i32
      %mul3A_201 = arith.muli %mul3A_199, %mul3A_200 : i32
      %dma_wait3A_202 = tpu.memref_slice %arg6[%mul3A_201] : memref<3600xi32, #tpu.memory_space<vmem>> -> memref<80xi32, #tpu.memory_space<vmem>>
      %dma_wait3A_203 = arith.constant 0 : i32
      %dma_wait3A_204 = arith.constant 0 : i32
      %dma_wait3A_205 = tpu.memref_slice %arg2[%dma_wait3A_203, %dma_wait3A_204] : memref<10000x128xf32, #tpu.memory_space<hbm>> -> memref<10000x128xf32, #tpu.memory_space<hbm>>
      tpu.wait_indirect_dma semaphore(%arg11 : memref<!tpu.dma_semaphore, #tpu.memory_space<semaphore_mem>>) src(%dma_wait3A_205 : memref<10000x128xf32, #tpu.memory_space<hbm>>) dst(%arg8 : memref<80x128xf32, #tpu.memory_space<vmem>>)
      "tpu.region"() ({
        %run_scoped3A_232 = tpu.sem_alloc : memref<!tpu.dma_semaphore, #tpu.memory_space<semaphore_mem>>
        %dma_start3A_233 = arith.constant 0 : i32
        %dma_start3A_234 = tpu.memref_slice %arg7[%mul3A_199, %dma_start3A_233] : memref<45x80xi32, #tpu.memory_space<vmem>> -> memref<1x80xi32, #tpu.memory_space<vmem>>
        %dma_start3A_235 = tpu.memref_squeeze %dma_start3A_234 : memref<1x80xi32, #tpu.memory_space<vmem>> -> memref<80xi32, #tpu.memory_space<vmem>>
        %dma_start3A_236 = arith.constant 0 : i32
        %dma_start3A_237 = arith.constant 0 : i32
        %dma_start3A_238 = tpu.memref_slice %arg10[%dma_start3A_236, %dma_start3A_237] : memref<10240x128xf32, #tpu.memory_space<vmem_shared>> -> memref<10240x128xf32, #tpu.memory_space<vmem_shared>>
        tpu.enqueue_indirect_dma source(%arg8 : memref<80x128xf32, #tpu.memory_space<vmem>>) target(%dma_start3A_238 : memref<10240x128xf32, #tpu.memory_space<vmem_shared>>) offsets(%dma_start3A_235 : memref<80xi32, #tpu.memory_space<vmem>>) semaphore(%run_scoped3A_232 : memref<!tpu.dma_semaphore, #tpu.memory_space<semaphore_mem>>) {add = true}
        %dma_wait3A_239 = arith.constant 0 : i32
        %dma_wait3A_240 = tpu.memref_slice %arg7[%mul3A_199, %dma_wait3A_239] : memref<45x80xi32, #tpu.memory_space<vmem>> -> memref<1x80xi32, #tpu.memory_space<vmem>>
        %dma_wait3A_241 = tpu.memref_squeeze %dma_wait3A_240 : memref<1x80xi32, #tpu.memory_space<vmem>> -> memref<80xi32, #tpu.memory_space<vmem>>
        %dma_wait3A_242 = arith.constant 0 : i32
        %dma_wait3A_243 = arith.constant 0 : i32
        %dma_wait3A_244 = tpu.memref_slice %arg10[%dma_wait3A_242, %dma_wait3A_243] : memref<10240x128xf32, #tpu.memory_space<vmem_shared>> -> memref<10240x128xf32, #tpu.memory_space<vmem_shared>>
        tpu.wait_indirect_dma semaphore(%run_scoped3A_232 : memref<!tpu.dma_semaphore, #tpu.memory_space<semaphore_mem>>) src(%arg8 : memref<80x128xf32, #tpu.memory_space<vmem>>) dst(%dma_wait3A_244 : memref<10240x128xf32, #tpu.memory_space<vmem_shared>>)
        tpu.yield
      }) : () -> ()
      %add3A_206 = arith.constant 2 : i32
      %add3A_207 = arith.addi %mul3A_199, %add3A_206 : i32
      %mul3A_208 = arith.constant 80 : i32
      %mul3A_209 = arith.muli %add3A_207, %mul3A_208 : i32
      %dma_start3A_210 = tpu.memref_slice %arg6[%mul3A_209] : memref<3600xi32, #tpu.memory_space<vmem>> -> memref<80xi32, #tpu.memory_space<vmem>>
      %dma_start3A_211 = arith.constant 0 : i32
      %dma_start3A_212 = arith.constant 0 : i32
      %dma_start3A_213 = tpu.memref_slice %arg2[%dma_start3A_211, %dma_start3A_212] : memref<10000x128xf32, #tpu.memory_space<hbm>> -> memref<10000x128xf32, #tpu.memory_space<hbm>>
      tpu.enqueue_indirect_dma source(%dma_start3A_213 : memref<10000x128xf32, #tpu.memory_space<hbm>>) target(%arg8 : memref<80x128xf32, #tpu.memory_space<vmem>>) offsets(%dma_start3A_210 : memref<80xi32, #tpu.memory_space<vmem>>) semaphore(%arg11 : memref<!tpu.dma_semaphore, #tpu.memory_space<semaphore_mem>>)
      %add3A_214 = arith.constant 1 : i32
      %add3A_215 = arith.addi %mul3A_199, %add3A_214 : i32
      %mul3A_216 = arith.constant 80 : i32
      %mul3A_217 = arith.muli %add3A_215, %mul3A_216 : i32
      %dma_wait3A_218 = tpu.memref_slice %arg6[%mul3A_217] : memref<3600xi32, #tpu.memory_space<vmem>> -> memref<80xi32, #tpu.memory_space<vmem>>
      %dma_wait3A_219 = arith.constant 0 : i32
      %dma_wait3A_220 = arith.constant 0 : i32
      %dma_wait3A_221 = tpu.memref_slice %arg2[%dma_wait3A_219, %dma_wait3A_220] : memref<10000x128xf32, #tpu.memory_space<hbm>> -> memref<10000x128xf32, #tpu.memory_space<hbm>>
      tpu.wait_indirect_dma semaphore(%arg12 : memref<!tpu.dma_semaphore, #tpu.memory_space<semaphore_mem>>) src(%dma_wait3A_221 : memref<10000x128xf32, #tpu.memory_space<hbm>>) dst(%arg9 : memref<80x128xf32, #tpu.memory_space<vmem>>)
      %add3A_222 = arith.constant 1 : i32
      %add3A_223 = arith.addi %mul3A_199, %add3A_222 : i32
      "tpu.region"() ({
        %run_scoped3A_232 = tpu.sem_alloc : memref<!tpu.dma_semaphore, #tpu.memory_space<semaphore_mem>>
        %dma_start3A_233 = arith.constant 0 : i32
        %dma_start3A_234 = tpu.memref_slice %arg7[%add3A_223, %dma_start3A_233] : memref<45x80xi32, #tpu.memory_space<vmem>> -> memref<1x80xi32, #tpu.memory_space<vmem>>
        %dma_start3A_235 = tpu.memref_squeeze %dma_start3A_234 : memref<1x80xi32, #tpu.memory_space<vmem>> -> memref<80xi32, #tpu.memory_space<vmem>>
        %dma_start3A_236 = arith.constant 0 : i32
        %dma_start3A_237 = arith.constant 0 : i32
        %dma_start3A_238 = tpu.memref_slice %arg10[%dma_start3A_236, %dma_start3A_237] : memref<10240x128xf32, #tpu.memory_space<vmem_shared>> -> memref<10240x128xf32, #tpu.memory_space<vmem_shared>>
        tpu.enqueue_indirect_dma source(%arg9 : memref<80x128xf32, #tpu.memory_space<vmem>>) target(%dma_start3A_238 : memref<10240x128xf32, #tpu.memory_space<vmem_shared>>) offsets(%dma_start3A_235 : memref<80xi32, #tpu.memory_space<vmem>>) semaphore(%run_scoped3A_232 : memref<!tpu.dma_semaphore, #tpu.memory_space<semaphore_mem>>) {add = true}
        %dma_wait3A_239 = arith.constant 0 : i32
        %dma_wait3A_240 = tpu.memref_slice %arg7[%add3A_223, %dma_wait3A_239] : memref<45x80xi32, #tpu.memory_space<vmem>> -> memref<1x80xi32, #tpu.memory_space<vmem>>
        %dma_wait3A_241 = tpu.memref_squeeze %dma_wait3A_240 : memref<1x80xi32, #tpu.memory_space<vmem>> -> memref<80xi32, #tpu.memory_space<vmem>>
        %dma_wait3A_242 = arith.constant 0 : i32
        %dma_wait3A_243 = arith.constant 0 : i32
        %dma_wait3A_244 = tpu.memref_slice %arg10[%dma_wait3A_242, %dma_wait3A_243] : memref<10240x128xf32, #tpu.memory_space<vmem_shared>> -> memref<10240x128xf32, #tpu.memory_space<vmem_shared>>
        tpu.wait_indirect_dma semaphore(%run_scoped3A_232 : memref<!tpu.dma_semaphore, #tpu.memory_space<semaphore_mem>>) src(%arg9 : memref<80x128xf32, #tpu.memory_space<vmem>>) dst(%dma_wait3A_244 : memref<10240x128xf32, #tpu.memory_space<vmem_shared>>)
        tpu.yield
      }) : () -> ()
      %add3A_224 = arith.constant 3 : i32
      %add3A_225 = arith.addi %mul3A_199, %add3A_224 : i32
      %mul3A_226 = arith.constant 80 : i32
      %mul3A_227 = arith.muli %add3A_225, %mul3A_226 : i32
      %dma_start3A_228 = tpu.memref_slice %arg6[%mul3A_227] : memref<3600xi32, #tpu.memory_space<vmem>> -> memref<80xi32, #tpu.memory_space<vmem>>
      %dma_start3A_229 = arith.constant 0 : i32
      %dma_start3A_230 = arith.constant 0 : i32
      %dma_start3A_231 = tpu.memref_slice %arg2[%dma_start3A_229, %dma_start3A_230] : memref<10000x128xf32, #tpu.memory_space<hbm>> -> memref<10000x128xf32, #tpu.memory_space<hbm>>
      tpu.enqueue_indirect_dma source(%dma_start3A_231 : memref<10000x128xf32, #tpu.memory_space<hbm>>) target(%arg9 : memref<80x128xf32, #tpu.memory_space<vmem>>) offsets(%dma_start3A_228 : memref<80xi32, #tpu.memory_space<vmem>>) semaphore(%arg12 : memref<!tpu.dma_semaphore, #tpu.memory_space<semaphore_mem>>)
    }
    %scan3A_168 = arith.constant 21 : i32
    %dma_wait3A_169 = arith.constant 3360 : i32
    %dma_wait3A_170 = tpu.memref_slice %arg6[%dma_wait3A_169] : memref<3600xi32, #tpu.memory_space<vmem>> -> memref<80xi32, #tpu.memory_space<vmem>>
    %dma_wait3A_171 = arith.constant 0 : i32
    %dma_wait3A_172 = arith.constant 0 : i32
    %dma_wait3A_173 = tpu.memref_slice %arg2[%dma_wait3A_171, %dma_wait3A_172] : memref<10000x128xf32, #tpu.memory_space<hbm>> -> memref<10000x128xf32, #tpu.memory_space<hbm>>
    tpu.wait_indirect_dma semaphore(%arg11 : memref<!tpu.dma_semaphore, #tpu.memory_space<semaphore_mem>>) src(%dma_wait3A_173 : memref<10000x128xf32, #tpu.memory_space<hbm>>) dst(%arg8 : memref<80x128xf32, #tpu.memory_space<vmem>>)
    %run_scoped3A_174 = arith.constant 42 : i32
    "tpu.region"() ({
      %run_scoped3A_197 = tpu.sem_alloc : memref<!tpu.dma_semaphore, #tpu.memory_space<semaphore_mem>>
      %dma_start3A_198 = arith.constant 0 : i32
      %dma_start3A_199 = tpu.memref_slice %arg7[%run_scoped3A_174, %dma_start3A_198] : memref<45x80xi32, #tpu.memory_space<vmem>> -> memref<1x80xi32, #tpu.memory_space<vmem>>
      %dma_start3A_200 = tpu.memref_squeeze %dma_start3A_199 : memref<1x80xi32, #tpu.memory_space<vmem>> -> memref<80xi32, #tpu.memory_space<vmem>>
      %dma_start3A_201 = arith.constant 0 : i32
      %dma_start3A_202 = arith.constant 0 : i32
      %dma_start3A_203 = tpu.memref_slice %arg10[%dma_start3A_201, %dma_start3A_202] : memref<10240x128xf32, #tpu.memory_space<vmem_shared>> -> memref<10240x128xf32, #tpu.memory_space<vmem_shared>>
      tpu.enqueue_indirect_dma source(%arg8 : memref<80x128xf32, #tpu.memory_space<vmem>>) target(%dma_start3A_203 : memref<10240x128xf32, #tpu.memory_space<vmem_shared>>) offsets(%dma_start3A_200 : memref<80xi32, #tpu.memory_space<vmem>>) semaphore(%run_scoped3A_197 : memref<!tpu.dma_semaphore, #tpu.memory_space<semaphore_mem>>) {add = true}
      %dma_wait3A_204 = arith.constant 0 : i32
      %dma_wait3A_205 = tpu.memref_slice %arg7[%run_scoped3A_174, %dma_wait3A_204] : memref<45x80xi32, #tpu.memory_space<vmem>> -> memref<1x80xi32, #tpu.memory_space<vmem>>
      %dma_wait3A_206 = tpu.memref_squeeze %dma_wait3A_205 : memref<1x80xi32, #tpu.memory_space<vmem>> -> memref<80xi32, #tpu.memory_space<vmem>>
      %dma_wait3A_207 = arith.constant 0 : i32
      %dma_wait3A_208 = arith.constant 0 : i32
      %dma_wait3A_209 = tpu.memref_slice %arg10[%dma_wait3A_207, %dma_wait3A_208] : memref<10240x128xf32, #tpu.memory_space<vmem_shared>> -> memref<10240x128xf32, #tpu.memory_space<vmem_shared>>
      tpu.wait_indirect_dma semaphore(%run_scoped3A_197 : memref<!tpu.dma_semaphore, #tpu.memory_space<semaphore_mem>>) src(%arg8 : memref<80x128xf32, #tpu.memory_space<vmem>>) dst(%dma_wait3A_209 : memref<10240x128xf32, #tpu.memory_space<vmem_shared>>)
      tpu.yield
    }) : () -> ()
    %dma_start3A_175 = arith.constant 3520 : i32
    %dma_start3A_176 = tpu.memref_slice %arg6[%dma_start3A_175] : memref<3600xi32, #tpu.memory_space<vmem>> -> memref<80xi32, #tpu.memory_space<vmem>>
    %dma_start3A_177 = arith.constant 0 : i32
    %dma_start3A_178 = arith.constant 0 : i32
    %dma_start3A_179 = tpu.memref_slice %arg2[%dma_start3A_177, %dma_start3A_178] : memref<10000x128xf32, #tpu.memory_space<hbm>> -> memref<10000x128xf32, #tpu.memory_space<hbm>>
    tpu.enqueue_indirect_dma source(%dma_start3A_179 : memref<10000x128xf32, #tpu.memory_space<hbm>>) target(%arg8 : memref<80x128xf32, #tpu.memory_space<vmem>>) offsets(%dma_start3A_176 : memref<80xi32, #tpu.memory_space<vmem>>) semaphore(%arg11 : memref<!tpu.dma_semaphore, #tpu.memory_space<semaphore_mem>>)
    %dma_wait3A_180 = arith.constant 3440 : i32
    %dma_wait3A_181 = tpu.memref_slice %arg6[%dma_wait3A_180] : memref<3600xi32, #tpu.memory_space<vmem>> -> memref<80xi32, #tpu.memory_space<vmem>>
    %dma_wait3A_182 = arith.constant 0 : i32
    %dma_wait3A_183 = arith.constant 0 : i32
    %dma_wait3A_184 = tpu.memref_slice %arg2[%dma_wait3A_182, %dma_wait3A_183] : memref<10000x128xf32, #tpu.memory_space<hbm>> -> memref<10000x128xf32, #tpu.memory_space<hbm>>
    tpu.wait_indirect_dma semaphore(%arg12 : memref<!tpu.dma_semaphore, #tpu.memory_space<semaphore_mem>>) src(%dma_wait3A_184 : memref<10000x128xf32, #tpu.memory_space<hbm>>) dst(%arg9 : memref<80x128xf32, #tpu.memory_space<vmem>>)
    %run_scoped3A_185 = arith.constant 43 : i32
    "tpu.region"() ({
      %run_scoped3A_197 = tpu.sem_alloc : memref<!tpu.dma_semaphore, #tpu.memory_space<semaphore_mem>>
      %dma_start3A_198 = arith.constant 0 : i32
      %dma_start3A_199 = tpu.memref_slice %arg7[%run_scoped3A_185, %dma_start3A_198] : memref<45x80xi32, #tpu.memory_space<vmem>> -> memref<1x80xi32, #tpu.memory_space<vmem>>
      %dma_start3A_200 = tpu.memref_squeeze %dma_start3A_199 : memref<1x80xi32, #tpu.memory_space<vmem>> -> memref<80xi32, #tpu.memory_space<vmem>>
      %dma_start3A_201 = arith.constant 0 : i32
      %dma_start3A_202 = arith.constant 0 : i32
      %dma_start3A_203 = tpu.memref_slice %arg10[%dma_start3A_201, %dma_start3A_202] : memref<10240x128xf32, #tpu.memory_space<vmem_shared>> -> memref<10240x128xf32, #tpu.memory_space<vmem_shared>>
      tpu.enqueue_indirect_dma source(%arg9 : memref<80x128xf32, #tpu.memory_space<vmem>>) target(%dma_start3A_203 : memref<10240x128xf32, #tpu.memory_space<vmem_shared>>) offsets(%dma_start3A_200 : memref<80xi32, #tpu.memory_space<vmem>>) semaphore(%run_scoped3A_197 : memref<!tpu.dma_semaphore, #tpu.memory_space<semaphore_mem>>) {add = true}
      %dma_wait3A_204 = arith.constant 0 : i32
      %dma_wait3A_205 = tpu.memref_slice %arg7[%run_scoped3A_185, %dma_wait3A_204] : memref<45x80xi32, #tpu.memory_space<vmem>> -> memref<1x80xi32, #tpu.memory_space<vmem>>
      %dma_wait3A_206 = tpu.memref_squeeze %dma_wait3A_205 : memref<1x80xi32, #tpu.memory_space<vmem>> -> memref<80xi32, #tpu.memory_space<vmem>>
      %dma_wait3A_207 = arith.constant 0 : i32
      %dma_wait3A_208 = arith.constant 0 : i32
      %dma_wait3A_209 = tpu.memref_slice %arg10[%dma_wait3A_207, %dma_wait3A_208] : memref<10240x128xf32, #tpu.memory_space<vmem_shared>> -> memref<10240x128xf32, #tpu.memory_space<vmem_shared>>
      tpu.wait_indirect_dma semaphore(%run_scoped3A_197 : memref<!tpu.dma_semaphore, #tpu.memory_space<semaphore_mem>>) src(%arg9 : memref<80x128xf32, #tpu.memory_space<vmem>>) dst(%dma_wait3A_209 : memref<10240x128xf32, #tpu.memory_space<vmem_shared>>)
      tpu.yield
    }) : () -> ()
    %dma_wait3A_186 = arith.constant 3520 : i32
    %dma_wait3A_187 = tpu.memref_slice %arg6[%dma_wait3A_186] : memref<3600xi32, #tpu.memory_space<vmem>> -> memref<80xi32, #tpu.memory_space<vmem>>
    %dma_wait3A_188 = arith.constant 0 : i32
    %dma_wait3A_189 = arith.constant 0 : i32
    %dma_wait3A_190 = tpu.memref_slice %arg2[%dma_wait3A_188, %dma_wait3A_189] : memref<10000x128xf32, #tpu.memory_space<hbm>> -> memref<10000x128xf32, #tpu.memory_space<hbm>>
    tpu.wait_indirect_dma semaphore(%arg11 : memref<!tpu.dma_semaphore, #tpu.memory_space<semaphore_mem>>) src(%dma_wait3A_190 : memref<10000x128xf32, #tpu.memory_space<hbm>>) dst(%arg8 : memref<80x128xf32, #tpu.memory_space<vmem>>)
    %run_scoped3A_191 = arith.constant 44 : i32
    "tpu.region"() ({
      %run_scoped3A_197 = tpu.sem_alloc : memref<!tpu.dma_semaphore, #tpu.memory_space<semaphore_mem>>
      %dma_start3A_198 = arith.constant 0 : i32
      %dma_start3A_199 = tpu.memref_slice %arg7[%run_scoped3A_191, %dma_start3A_198] : memref<45x80xi32, #tpu.memory_space<vmem>> -> memref<1x80xi32, #tpu.memory_space<vmem>>
      %dma_start3A_200 = tpu.memref_squeeze %dma_start3A_199 : memref<1x80xi32, #tpu.memory_space<vmem>> -> memref<80xi32, #tpu.memory_space<vmem>>
      %dma_start3A_201 = arith.constant 0 : i32
      %dma_start3A_202 = arith.constant 0 : i32
      %dma_start3A_203 = tpu.memref_slice %arg10[%dma_start3A_201, %dma_start3A_202] : memref<10240x128xf32, #tpu.memory_space<vmem_shared>> -> memref<10240x128xf32, #tpu.memory_space<vmem_shared>>
      tpu.enqueue_indirect_dma source(%arg8 : memref<80x128xf32, #tpu.memory_space<vmem>>) target(%dma_start3A_203 : memref<10240x128xf32, #tpu.memory_space<vmem_shared>>) offsets(%dma_start3A_200 : memref<80xi32, #tpu.memory_space<vmem>>) semaphore(%run_scoped3A_197 : memref<!tpu.dma_semaphore, #tpu.memory_space<semaphore_mem>>) {add = true}
      %dma_wait3A_204 = arith.constant 0 : i32
      %dma_wait3A_205 = tpu.memref_slice %arg7[%run_scoped3A_191, %dma_wait3A_204] : memref<45x80xi32, #tpu.memory_space<vmem>> -> memref<1x80xi32, #tpu.memory_space<vmem>>
      %dma_wait3A_206 = tpu.memref_squeeze %dma_wait3A_205 : memref<1x80xi32, #tpu.memory_space<vmem>> -> memref<80xi32, #tpu.memory_space<vmem>>
      %dma_wait3A_207 = arith.constant 0 : i32
      %dma_wait3A_208 = arith.constant 0 : i32
      %dma_wait3A_209 = tpu.memref_slice %arg10[%dma_wait3A_207, %dma_wait3A_208] : memref<10240x128xf32, #tpu.memory_space<vmem_shared>> -> memref<10240x128xf32, #tpu.memory_space<vmem_shared>>
      tpu.wait_indirect_dma semaphore(%run_scoped3A_197 : memref<!tpu.dma_semaphore, #tpu.memory_space<semaphore_mem>>) src(%arg8 : memref<80x128xf32, #tpu.memory_space<vmem>>) dst(%dma_wait3A_209 : memref<10240x128xf32, #tpu.memory_space<vmem_shared>>)
      tpu.yield
    }) : () -> ()
    %barrier3A_192 = arith.constant 0 : index
    tpu.barrier barrier_id(%barrier3A_192)
    %mul3A_193 = arith.constant 640 : i32
    %mul3A_194 = arith.muli %arg1, %mul3A_193 : i32
    %mul3A_195 = arith.constant 640 : i32
    %mul3A_196 = arith.muli %arg1, %mul3A_195 : i32
    "tpu.region"() ({
      %run_scoped3A_197 = tpu.sem_alloc : memref<!tpu.dma_semaphore, #tpu.memory_space<semaphore_mem>>
      %dma_start3A_198 = arith.constant 0 : i32
      %dma_start3A_199 = tpu.memref_slice %arg5[%arg0, %mul3A_196, %dma_start3A_198] : memref<2x10240x128xf32, #tpu.memory_space<hbm>> -> memref<1x640x128xf32, #tpu.memory_space<hbm>>
      %dma_start3A_200 = tpu.memref_squeeze %dma_start3A_199 : memref<1x640x128xf32, #tpu.memory_space<hbm>> -> memref<640x128xf32, #tpu.memory_space<hbm>>
      %dma_start3A_201 = arith.constant 0 : i32
      %dma_start3A_202 = tpu.memref_slice %arg10[%mul3A_194, %dma_start3A_201] : memref<10240x128xf32, #tpu.memory_space<vmem_shared>> -> memref<640x128xf32, #tpu.memory_space<vmem_shared>>
      tpu.enqueue_dma source(%dma_start3A_202 : memref<640x128xf32, #tpu.memory_space<vmem_shared>>) target(%dma_start3A_200 : memref<640x128xf32, #tpu.memory_space<hbm>>) target_semaphore(%run_scoped3A_197 : memref<!tpu.dma_semaphore, #tpu.memory_space<semaphore_mem>>)
      %dma_wait3A_203 = arith.constant 0 : i32
      %dma_wait3A_204 = tpu.memref_slice %arg5[%arg0, %mul3A_196, %dma_wait3A_203] : memref<2x10240x128xf32, #tpu.memory_space<hbm>> -> memref<1x640x128xf32, #tpu.memory_space<hbm>>
      %dma_wait3A_205 = tpu.memref_squeeze %dma_wait3A_204 : memref<1x640x128xf32, #tpu.memory_space<hbm>> -> memref<640x128xf32, #tpu.memory_space<hbm>>
      %dma_wait3A_206 = arith.constant 0 : i32
      %dma_wait3A_207 = tpu.memref_slice %arg10[%mul3A_194, %dma_wait3A_206] : memref<10240x128xf32, #tpu.memory_space<vmem_shared>> -> memref<640x128xf32, #tpu.memory_space<vmem_shared>>
      tpu.wait_dma2 semaphore(%run_scoped3A_197 : memref<!tpu.dma_semaphore, #tpu.memory_space<semaphore_mem>>) src(%dma_wait3A_207 : memref<640x128xf32, #tpu.memory_space<vmem_shared>>) dst(%dma_wait3A_205 : memref<640x128xf32, #tpu.memory_space<hbm>>)
      tpu.yield
    }) : () -> ()
    return
  }
}

#map = affine_map<(d0, d1) -> (0, 0, 0)>
#map1 = affine_map<(d0, d1) -> (0, 0)>
module attributes {stable_mosaic.version = 14 : i64} {
  func.func @_deg_partials(%arg0: i32, %arg1: i32, %arg2: memref<32x125x80xi32, #tpu.memory_space<hbm>>, %arg3: memref<2x10240xf32, #tpu.memory_space<hbm>>, %arg4: memref<125x80xi32, #tpu.memory_space<vmem>>, %arg5: memref<80xf32, #tpu.memory_space<vmem>>, %arg6: memref<640xf32, #tpu.memory_space<vmem>>, %arg7: memref<10240xf32, #tpu.memory_space<vmem_shared>>) attributes {dimension_semantics = [#tpu.dimension_semantics<core_parallel>, #tpu.dimension_semantics<subcore_parallel>], iteration_bounds = array<i64: 2, 16>, scalar_prefetch = 0 : i64, scratch_operands = 4 : i64, tpu.core_type = #tpu.core_type<sc_vector_subcore>, window_params = [{transform_indices = #map}, {transform_indices = #map1}]} {
    %mul3A = arith.constant 16 : i32
    %mul3A_0 = arith.muli %arg0, %mul3A : i32
    %add3A = arith.addi %mul3A_0, %arg1 : i32
    %broadcast_in_dim3A = arith.constant 0.000000e+00 : f32
    %broadcast_in_dim3A_1 = vector.broadcast %broadcast_in_dim3A : f32 to vector<16xf32>
    %swap3A = arith.constant 0 : index
    %swap3A_2 = tpu.vector_load %arg6[%swap3A] {strides = array<i32>} : memref<640xf32, #tpu.memory_space<vmem>>, vector<16xf32>,
    %swap3A_3 = vector.shape_cast %swap3A_2 : vector<16xf32> to vector<16xf32>
    %swap3A_4 = vector.shape_cast %broadcast_in_dim3A_1 : vector<16xf32> to vector<16xf32>
    tpu.vector_store %arg6[%swap3A], %swap3A_4 {strides = array<i32>} : memref<640xf32, #tpu.memory_space<vmem>>, vector<16xf32>,
    %broadcast_in_dim3A_5 = arith.constant 0.000000e+00 : f32
    %broadcast_in_dim3A_6 = vector.broadcast %broadcast_in_dim3A_5 : f32 to vector<16xf32>
    %swap3A_7 = arith.constant 16 : index
    %swap3A_8 = tpu.vector_load %arg6[%swap3A_7] {strides = array<i32>} : memref<640xf32, #tpu.memory_space<vmem>>, vector<16xf32>,
    %swap3A_9 = vector.shape_cast %swap3A_8 : vector<16xf32> to vector<16xf32>
    %swap3A_10 = vector.shape_cast %broadcast_in_dim3A_6 : vector<16xf32> to vector<16xf32>
    tpu.vector_store %arg6[%swap3A_7], %swap3A_10 {strides = array<i32>} : memref<640xf32, #tpu.memory_space<vmem>>, vector<16xf32>,
    %broadcast_in_dim3A_11 = arith.constant 0.000000e+00 : f32
    %broadcast_in_dim3A_12 = vector.broadcast %broadcast_in_dim3A_11 : f32 to vector<16xf32>
    %swap3A_13 = arith.constant 32 : index
    %swap3A_14 = tpu.vector_load %arg6[%swap3A_13] {strides = array<i32>} : memref<640xf32, #tpu.memory_space<vmem>>, vector<16xf32>,
    %swap3A_15 = vector.shape_cast %swap3A_14 : vector<16xf32> to vector<16xf32>
    %swap3A_16 = vector.shape_cast %broadcast_in_dim3A_12 : vector<16xf32> to vector<16xf32>
    tpu.vector_store %arg6[%swap3A_13], %swap3A_16 {strides = array<i32>} : memref<640xf32, #tpu.memory_space<vmem>>, vector<16xf32>,
    %broadcast_in_dim3A_17 = arith.constant 0.000000e+00 : f32
    %broadcast_in_dim3A_18 = vector.broadcast %broadcast_in_dim3A_17 : f32 to vector<16xf32>
    %swap3A_19 = arith.constant 48 : index
    %swap3A_20 = tpu.vector_load %arg6[%swap3A_19] {strides = array<i32>} : memref<640xf32, #tpu.memory_space<vmem>>, vector<16xf32>,
    %swap3A_21 = vector.shape_cast %swap3A_20 : vector<16xf32> to vector<16xf32>
    %swap3A_22 = vector.shape_cast %broadcast_in_dim3A_18 : vector<16xf32> to vector<16xf32>
    tpu.vector_store %arg6[%swap3A_19], %swap3A_22 {strides = array<i32>} : memref<640xf32, #tpu.memory_space<vmem>>, vector<16xf32>,
    %broadcast_in_dim3A_23 = arith.constant 0.000000e+00 : f32
    %broadcast_in_dim3A_24 = vector.broadcast %broadcast_in_dim3A_23 : f32 to vector<16xf32>
    %swap3A_25 = arith.constant 64 : index
    %swap3A_26 = tpu.vector_load %arg6[%swap3A_25] {strides = array<i32>} : memref<640xf32, #tpu.memory_space<vmem>>, vector<16xf32>,
    %swap3A_27 = vector.shape_cast %swap3A_26 : vector<16xf32> to vector<16xf32>
    %swap3A_28 = vector.shape_cast %broadcast_in_dim3A_24 : vector<16xf32> to vector<16xf32>
    tpu.vector_store %arg6[%swap3A_25], %swap3A_28 {strides = array<i32>} : memref<640xf32, #tpu.memory_space<vmem>>, vector<16xf32>,
    %broadcast_in_dim3A_29 = arith.constant 0.000000e+00 : f32
    %broadcast_in_dim3A_30 = vector.broadcast %broadcast_in_dim3A_29 : f32 to vector<16xf32>
    %swap3A_31 = arith.constant 80 : index
    %swap3A_32 = tpu.vector_load %arg6[%swap3A_31] {strides = array<i32>} : memref<640xf32, #tpu.memory_space<vmem>>, vector<16xf32>,
    %swap3A_33 = vector.shape_cast %swap3A_32 : vector<16xf32> to vector<16xf32>
    %swap3A_34 = vector.shape_cast %broadcast_in_dim3A_30 : vector<16xf32> to vector<16xf32>
    tpu.vector_store %arg6[%swap3A_31], %swap3A_34 {strides = array<i32>} : memref<640xf32, #tpu.memory_space<vmem>>, vector<16xf32>,
    %broadcast_in_dim3A_35 = arith.constant 0.000000e+00 : f32
    %broadcast_in_dim3A_36 = vector.broadcast %broadcast_in_dim3A_35 : f32 to vector<16xf32>
    %swap3A_37 = arith.constant 96 : index
    %swap3A_38 = tpu.vector_load %arg6[%swap3A_37] {strides = array<i32>} : memref<640xf32, #tpu.memory_space<vmem>>, vector<16xf32>,
    %swap3A_39 = vector.shape_cast %swap3A_38 : vector<16xf32> to vector<16xf32>
    %swap3A_40 = vector.shape_cast %broadcast_in_dim3A_36 : vector<16xf32> to vector<16xf32>
    tpu.vector_store %arg6[%swap3A_37], %swap3A_40 {strides = array<i32>} : memref<640xf32, #tpu.memory_space<vmem>>, vector<16xf32>,
    %broadcast_in_dim3A_41 = arith.constant 0.000000e+00 : f32
    %broadcast_in_dim3A_42 = vector.broadcast %broadcast_in_dim3A_41 : f32 to vector<16xf32>
    %swap3A_43 = arith.constant 112 : index
    %swap3A_44 = tpu.vector_load %arg6[%swap3A_43] {strides = array<i32>} : memref<640xf32, #tpu.memory_space<vmem>>, vector<16xf32>,
    %swap3A_45 = vector.shape_cast %swap3A_44 : vector<16xf32> to vector<16xf32>
    %swap3A_46 = vector.shape_cast %broadcast_in_dim3A_42 : vector<16xf32> to vector<16xf32>
    tpu.vector_store %arg6[%swap3A_43], %swap3A_46 {strides = array<i32>} : memref<640xf32, #tpu.memory_space<vmem>>, vector<16xf32>,
    %broadcast_in_dim3A_47 = arith.constant 0.000000e+00 : f32
    %broadcast_in_dim3A_48 = vector.broadcast %broadcast_in_dim3A_47 : f32 to vector<16xf32>
    %swap3A_49 = arith.constant 128 : index
    %swap3A_50 = tpu.vector_load %arg6[%swap3A_49] {strides = array<i32>} : memref<640xf32, #tpu.memory_space<vmem>>, vector<16xf32>,
    %swap3A_51 = vector.shape_cast %swap3A_50 : vector<16xf32> to vector<16xf32>
    %swap3A_52 = vector.shape_cast %broadcast_in_dim3A_48 : vector<16xf32> to vector<16xf32>
    tpu.vector_store %arg6[%swap3A_49], %swap3A_52 {strides = array<i32>} : memref<640xf32, #tpu.memory_space<vmem>>, vector<16xf32>,
    %broadcast_in_dim3A_53 = arith.constant 0.000000e+00 : f32
    %broadcast_in_dim3A_54 = vector.broadcast %broadcast_in_dim3A_53 : f32 to vector<16xf32>
    %swap3A_55 = arith.constant 144 : index
    %swap3A_56 = tpu.vector_load %arg6[%swap3A_55] {strides = array<i32>} : memref<640xf32, #tpu.memory_space<vmem>>, vector<16xf32>,
    %swap3A_57 = vector.shape_cast %swap3A_56 : vector<16xf32> to vector<16xf32>
    %swap3A_58 = vector.shape_cast %broadcast_in_dim3A_54 : vector<16xf32> to vector<16xf32>
    tpu.vector_store %arg6[%swap3A_55], %swap3A_58 {strides = array<i32>} : memref<640xf32, #tpu.memory_space<vmem>>, vector<16xf32>,
    %broadcast_in_dim3A_59 = arith.constant 0.000000e+00 : f32
    %broadcast_in_dim3A_60 = vector.broadcast %broadcast_in_dim3A_59 : f32 to vector<16xf32>
    %swap3A_61 = arith.constant 160 : index
    %swap3A_62 = tpu.vector_load %arg6[%swap3A_61] {strides = array<i32>} : memref<640xf32, #tpu.memory_space<vmem>>, vector<16xf32>,
    %swap3A_63 = vector.shape_cast %swap3A_62 : vector<16xf32> to vector<16xf32>
    %swap3A_64 = vector.shape_cast %broadcast_in_dim3A_60 : vector<16xf32> to vector<16xf32>
    tpu.vector_store %arg6[%swap3A_61], %swap3A_64 {strides = array<i32>} : memref<640xf32, #tpu.memory_space<vmem>>, vector<16xf32>,
    %broadcast_in_dim3A_65 = arith.constant 0.000000e+00 : f32
    %broadcast_in_dim3A_66 = vector.broadcast %broadcast_in_dim3A_65 : f32 to vector<16xf32>
    %swap3A_67 = arith.constant 176 : index
    %swap3A_68 = tpu.vector_load %arg6[%swap3A_67] {strides = array<i32>} : memref<640xf32, #tpu.memory_space<vmem>>, vector<16xf32>,
    %swap3A_69 = vector.shape_cast %swap3A_68 : vector<16xf32> to vector<16xf32>
    %swap3A_70 = vector.shape_cast %broadcast_in_dim3A_66 : vector<16xf32> to vector<16xf32>
    tpu.vector_store %arg6[%swap3A_67], %swap3A_70 {strides = array<i32>} : memref<640xf32, #tpu.memory_space<vmem>>, vector<16xf32>,
    %broadcast_in_dim3A_71 = arith.constant 0.000000e+00 : f32
    %broadcast_in_dim3A_72 = vector.broadcast %broadcast_in_dim3A_71 : f32 to vector<16xf32>
    %swap3A_73 = arith.constant 192 : index
    %swap3A_74 = tpu.vector_load %arg6[%swap3A_73] {strides = array<i32>} : memref<640xf32, #tpu.memory_space<vmem>>, vector<16xf32>,
    %swap3A_75 = vector.shape_cast %swap3A_74 : vector<16xf32> to vector<16xf32>
    %swap3A_76 = vector.shape_cast %broadcast_in_dim3A_72 : vector<16xf32> to vector<16xf32>
    tpu.vector_store %arg6[%swap3A_73], %swap3A_76 {strides = array<i32>} : memref<640xf32, #tpu.memory_space<vmem>>, vector<16xf32>,
    %broadcast_in_dim3A_77 = arith.constant 0.000000e+00 : f32
    %broadcast_in_dim3A_78 = vector.broadcast %broadcast_in_dim3A_77 : f32 to vector<16xf32>
    %swap3A_79 = arith.constant 208 : index
    %swap3A_80 = tpu.vector_load %arg6[%swap3A_79] {strides = array<i32>} : memref<640xf32, #tpu.memory_space<vmem>>, vector<16xf32>,
    %swap3A_81 = vector.shape_cast %swap3A_80 : vector<16xf32> to vector<16xf32>
    %swap3A_82 = vector.shape_cast %broadcast_in_dim3A_78 : vector<16xf32> to vector<16xf32>
    tpu.vector_store %arg6[%swap3A_79], %swap3A_82 {strides = array<i32>} : memref<640xf32, #tpu.memory_space<vmem>>, vector<16xf32>,
    %broadcast_in_dim3A_83 = arith.constant 0.000000e+00 : f32
    %broadcast_in_dim3A_84 = vector.broadcast %broadcast_in_dim3A_83 : f32 to vector<16xf32>
    %swap3A_85 = arith.constant 224 : index
    %swap3A_86 = tpu.vector_load %arg6[%swap3A_85] {strides = array<i32>} : memref<640xf32, #tpu.memory_space<vmem>>, vector<16xf32>,
    %swap3A_87 = vector.shape_cast %swap3A_86 : vector<16xf32> to vector<16xf32>
    %swap3A_88 = vector.shape_cast %broadcast_in_dim3A_84 : vector<16xf32> to vector<16xf32>
    tpu.vector_store %arg6[%swap3A_85], %swap3A_88 {strides = array<i32>} : memref<640xf32, #tpu.memory_space<vmem>>, vector<16xf32>,
    %broadcast_in_dim3A_89 = arith.constant 0.000000e+00 : f32
    %broadcast_in_dim3A_90 = vector.broadcast %broadcast_in_dim3A_89 : f32 to vector<16xf32>
    %swap3A_91 = arith.constant 240 : index
    %swap3A_92 = tpu.vector_load %arg6[%swap3A_91] {strides = array<i32>} : memref<640xf32, #tpu.memory_space<vmem>>, vector<16xf32>,
    %swap3A_93 = vector.shape_cast %swap3A_92 : vector<16xf32> to vector<16xf32>
    %swap3A_94 = vector.shape_cast %broadcast_in_dim3A_90 : vector<16xf32> to vector<16xf32>
    tpu.vector_store %arg6[%swap3A_91], %swap3A_94 {strides = array<i32>} : memref<640xf32, #tpu.memory_space<vmem>>, vector<16xf32>,
    %broadcast_in_dim3A_95 = arith.constant 0.000000e+00 : f32
    %broadcast_in_dim3A_96 = vector.broadcast %broadcast_in_dim3A_95 : f32 to vector<16xf32>
    %swap3A_97 = arith.constant 256 : index
    %swap3A_98 = tpu.vector_load %arg6[%swap3A_97] {strides = array<i32>} : memref<640xf32, #tpu.memory_space<vmem>>, vector<16xf32>,
    %swap3A_99 = vector.shape_cast %swap3A_98 : vector<16xf32> to vector<16xf32>
    %swap3A_100 = vector.shape_cast %broadcast_in_dim3A_96 : vector<16xf32> to vector<16xf32>
    tpu.vector_store %arg6[%swap3A_97], %swap3A_100 {strides = array<i32>} : memref<640xf32, #tpu.memory_space<vmem>>, vector<16xf32>,
    %broadcast_in_dim3A_101 = arith.constant 0.000000e+00 : f32
    %broadcast_in_dim3A_102 = vector.broadcast %broadcast_in_dim3A_101 : f32 to vector<16xf32>
    %swap3A_103 = arith.constant 272 : index
    %swap3A_104 = tpu.vector_load %arg6[%swap3A_103] {strides = array<i32>} : memref<640xf32, #tpu.memory_space<vmem>>, vector<16xf32>,
    %swap3A_105 = vector.shape_cast %swap3A_104 : vector<16xf32> to vector<16xf32>
    %swap3A_106 = vector.shape_cast %broadcast_in_dim3A_102 : vector<16xf32> to vector<16xf32>
    tpu.vector_store %arg6[%swap3A_103], %swap3A_106 {strides = array<i32>} : memref<640xf32, #tpu.memory_space<vmem>>, vector<16xf32>,
    %broadcast_in_dim3A_107 = arith.constant 0.000000e+00 : f32
    %broadcast_in_dim3A_108 = vector.broadcast %broadcast_in_dim3A_107 : f32 to vector<16xf32>
    %swap3A_109 = arith.constant 288 : index
    %swap3A_110 = tpu.vector_load %arg6[%swap3A_109] {strides = array<i32>} : memref<640xf32, #tpu.memory_space<vmem>>, vector<16xf32>,
    %swap3A_111 = vector.shape_cast %swap3A_110 : vector<16xf32> to vector<16xf32>
    %swap3A_112 = vector.shape_cast %broadcast_in_dim3A_108 : vector<16xf32> to vector<16xf32>
    tpu.vector_store %arg6[%swap3A_109], %swap3A_112 {strides = array<i32>} : memref<640xf32, #tpu.memory_space<vmem>>, vector<16xf32>,
    %broadcast_in_dim3A_113 = arith.constant 0.000000e+00 : f32
    %broadcast_in_dim3A_114 = vector.broadcast %broadcast_in_dim3A_113 : f32 to vector<16xf32>
    %swap3A_115 = arith.constant 304 : index
    %swap3A_116 = tpu.vector_load %arg6[%swap3A_115] {strides = array<i32>} : memref<640xf32, #tpu.memory_space<vmem>>, vector<16xf32>,
    %swap3A_117 = vector.shape_cast %swap3A_116 : vector<16xf32> to vector<16xf32>
    %swap3A_118 = vector.shape_cast %broadcast_in_dim3A_114 : vector<16xf32> to vector<16xf32>
    tpu.vector_store %arg6[%swap3A_115], %swap3A_118 {strides = array<i32>} : memref<640xf32, #tpu.memory_space<vmem>>, vector<16xf32>,
    %broadcast_in_dim3A_119 = arith.constant 0.000000e+00 : f32
    %broadcast_in_dim3A_120 = vector.broadcast %broadcast_in_dim3A_119 : f32 to vector<16xf32>
    %swap3A_121 = arith.constant 320 : index
    %swap3A_122 = tpu.vector_load %arg6[%swap3A_121] {strides = array<i32>} : memref<640xf32, #tpu.memory_space<vmem>>, vector<16xf32>,
    %swap3A_123 = vector.shape_cast %swap3A_122 : vector<16xf32> to vector<16xf32>
    %swap3A_124 = vector.shape_cast %broadcast_in_dim3A_120 : vector<16xf32> to vector<16xf32>
    tpu.vector_store %arg6[%swap3A_121], %swap3A_124 {strides = array<i32>} : memref<640xf32, #tpu.memory_space<vmem>>, vector<16xf32>,
    %broadcast_in_dim3A_125 = arith.constant 0.000000e+00 : f32
    %broadcast_in_dim3A_126 = vector.broadcast %broadcast_in_dim3A_125 : f32 to vector<16xf32>
    %swap3A_127 = arith.constant 336 : index
    %swap3A_128 = tpu.vector_load %arg6[%swap3A_127] {strides = array<i32>} : memref<640xf32, #tpu.memory_space<vmem>>, vector<16xf32>,
    %swap3A_129 = vector.shape_cast %swap3A_128 : vector<16xf32> to vector<16xf32>
    %swap3A_130 = vector.shape_cast %broadcast_in_dim3A_126 : vector<16xf32> to vector<16xf32>
    tpu.vector_store %arg6[%swap3A_127], %swap3A_130 {strides = array<i32>} : memref<640xf32, #tpu.memory_space<vmem>>, vector<16xf32>,
    %broadcast_in_dim3A_131 = arith.constant 0.000000e+00 : f32
    %broadcast_in_dim3A_132 = vector.broadcast %broadcast_in_dim3A_131 : f32 to vector<16xf32>
    %swap3A_133 = arith.constant 352 : index
    %swap3A_134 = tpu.vector_load %arg6[%swap3A_133] {strides = array<i32>} : memref<640xf32, #tpu.memory_space<vmem>>, vector<16xf32>,
    %swap3A_135 = vector.shape_cast %swap3A_134 : vector<16xf32> to vector<16xf32>
    %swap3A_136 = vector.shape_cast %broadcast_in_dim3A_132 : vector<16xf32> to vector<16xf32>
    tpu.vector_store %arg6[%swap3A_133], %swap3A_136 {strides = array<i32>} : memref<640xf32, #tpu.memory_space<vmem>>, vector<16xf32>,
    %broadcast_in_dim3A_137 = arith.constant 0.000000e+00 : f32
    %broadcast_in_dim3A_138 = vector.broadcast %broadcast_in_dim3A_137 : f32 to vector<16xf32>
    %swap3A_139 = arith.constant 368 : index
    %swap3A_140 = tpu.vector_load %arg6[%swap3A_139] {strides = array<i32>} : memref<640xf32, #tpu.memory_space<vmem>>, vector<16xf32>,
    %swap3A_141 = vector.shape_cast %swap3A_140 : vector<16xf32> to vector<16xf32>
    %swap3A_142 = vector.shape_cast %broadcast_in_dim3A_138 : vector<16xf32> to vector<16xf32>
    tpu.vector_store %arg6[%swap3A_139], %swap3A_142 {strides = array<i32>} : memref<640xf32, #tpu.memory_space<vmem>>, vector<16xf32>,
    %broadcast_in_dim3A_143 = arith.constant 0.000000e+00 : f32
    %broadcast_in_dim3A_144 = vector.broadcast %broadcast_in_dim3A_143 : f32 to vector<16xf32>
    %swap3A_145 = arith.constant 384 : index
    %swap3A_146 = tpu.vector_load %arg6[%swap3A_145] {strides = array<i32>} : memref<640xf32, #tpu.memory_space<vmem>>, vector<16xf32>,
    %swap3A_147 = vector.shape_cast %swap3A_146 : vector<16xf32> to vector<16xf32>
    %swap3A_148 = vector.shape_cast %broadcast_in_dim3A_144 : vector<16xf32> to vector<16xf32>
    tpu.vector_store %arg6[%swap3A_145], %swap3A_148 {strides = array<i32>} : memref<640xf32, #tpu.memory_space<vmem>>, vector<16xf32>,
    %broadcast_in_dim3A_149 = arith.constant 0.000000e+00 : f32
    %broadcast_in_dim3A_150 = vector.broadcast %broadcast_in_dim3A_149 : f32 to vector<16xf32>
    %swap3A_151 = arith.constant 400 : index
    %swap3A_152 = tpu.vector_load %arg6[%swap3A_151] {strides = array<i32>} : memref<640xf32, #tpu.memory_space<vmem>>, vector<16xf32>,
    %swap3A_153 = vector.shape_cast %swap3A_152 : vector<16xf32> to vector<16xf32>
    %swap3A_154 = vector.shape_cast %broadcast_in_dim3A_150 : vector<16xf32> to vector<16xf32>
    tpu.vector_store %arg6[%swap3A_151], %swap3A_154 {strides = array<i32>} : memref<640xf32, #tpu.memory_space<vmem>>, vector<16xf32>,
    %broadcast_in_dim3A_155 = arith.constant 0.000000e+00 : f32
    %broadcast_in_dim3A_156 = vector.broadcast %broadcast_in_dim3A_155 : f32 to vector<16xf32>
    %swap3A_157 = arith.constant 416 : index
    %swap3A_158 = tpu.vector_load %arg6[%swap3A_157] {strides = array<i32>} : memref<640xf32, #tpu.memory_space<vmem>>, vector<16xf32>,
    %swap3A_159 = vector.shape_cast %swap3A_158 : vector<16xf32> to vector<16xf32>
    %swap3A_160 = vector.shape_cast %broadcast_in_dim3A_156 : vector<16xf32> to vector<16xf32>
    tpu.vector_store %arg6[%swap3A_157], %swap3A_160 {strides = array<i32>} : memref<640xf32, #tpu.memory_space<vmem>>, vector<16xf32>,
    %broadcast_in_dim3A_161 = arith.constant 0.000000e+00 : f32
    %broadcast_in_dim3A_162 = vector.broadcast %broadcast_in_dim3A_161 : f32 to vector<16xf32>
    %swap3A_163 = arith.constant 432 : index
    %swap3A_164 = tpu.vector_load %arg6[%swap3A_163] {strides = array<i32>} : memref<640xf32, #tpu.memory_space<vmem>>, vector<16xf32>,
    %swap3A_165 = vector.shape_cast %swap3A_164 : vector<16xf32> to vector<16xf32>
    %swap3A_166 = vector.shape_cast %broadcast_in_dim3A_162 : vector<16xf32> to vector<16xf32>
    tpu.vector_store %arg6[%swap3A_163], %swap3A_166 {strides = array<i32>} : memref<640xf32, #tpu.memory_space<vmem>>, vector<16xf32>,
    %broadcast_in_dim3A_167 = arith.constant 0.000000e+00 : f32
    %broadcast_in_dim3A_168 = vector.broadcast %broadcast_in_dim3A_167 : f32 to vector<16xf32>
    %swap3A_169 = arith.constant 448 : index
    %swap3A_170 = tpu.vector_load %arg6[%swap3A_169] {strides = array<i32>} : memref<640xf32, #tpu.memory_space<vmem>>, vector<16xf32>,
    %swap3A_171 = vector.shape_cast %swap3A_170 : vector<16xf32> to vector<16xf32>
    %swap3A_172 = vector.shape_cast %broadcast_in_dim3A_168 : vector<16xf32> to vector<16xf32>
    tpu.vector_store %arg6[%swap3A_169], %swap3A_172 {strides = array<i32>} : memref<640xf32, #tpu.memory_space<vmem>>, vector<16xf32>,
    %broadcast_in_dim3A_173 = arith.constant 0.000000e+00 : f32
    %broadcast_in_dim3A_174 = vector.broadcast %broadcast_in_dim3A_173 : f32 to vector<16xf32>
    %swap3A_175 = arith.constant 464 : index
    %swap3A_176 = tpu.vector_load %arg6[%swap3A_175] {strides = array<i32>} : memref<640xf32, #tpu.memory_space<vmem>>, vector<16xf32>,
    %swap3A_177 = vector.shape_cast %swap3A_176 : vector<16xf32> to vector<16xf32>
    %swap3A_178 = vector.shape_cast %broadcast_in_dim3A_174 : vector<16xf32> to vector<16xf32>
    tpu.vector_store %arg6[%swap3A_175], %swap3A_178 {strides = array<i32>} : memref<640xf32, #tpu.memory_space<vmem>>, vector<16xf32>,
    %broadcast_in_dim3A_179 = arith.constant 0.000000e+00 : f32
    %broadcast_in_dim3A_180 = vector.broadcast %broadcast_in_dim3A_179 : f32 to vector<16xf32>
    %swap3A_181 = arith.constant 480 : index
    %swap3A_182 = tpu.vector_load %arg6[%swap3A_181] {strides = array<i32>} : memref<640xf32, #tpu.memory_space<vmem>>, vector<16xf32>,
    %swap3A_183 = vector.shape_cast %swap3A_182 : vector<16xf32> to vector<16xf32>
    %swap3A_184 = vector.shape_cast %broadcast_in_dim3A_180 : vector<16xf32> to vector<16xf32>
    tpu.vector_store %arg6[%swap3A_181], %swap3A_184 {strides = array<i32>} : memref<640xf32, #tpu.memory_space<vmem>>, vector<16xf32>,
    %broadcast_in_dim3A_185 = arith.constant 0.000000e+00 : f32
    %broadcast_in_dim3A_186 = vector.broadcast %broadcast_in_dim3A_185 : f32 to vector<16xf32>
    %swap3A_187 = arith.constant 496 : index
    %swap3A_188 = tpu.vector_load %arg6[%swap3A_187] {strides = array<i32>} : memref<640xf32, #tpu.memory_space<vmem>>, vector<16xf32>,
    %swap3A_189 = vector.shape_cast %swap3A_188 : vector<16xf32> to vector<16xf32>
    %swap3A_190 = vector.shape_cast %broadcast_in_dim3A_186 : vector<16xf32> to vector<16xf32>
    tpu.vector_store %arg6[%swap3A_187], %swap3A_190 {strides = array<i32>} : memref<640xf32, #tpu.memory_space<vmem>>, vector<16xf32>,
    %broadcast_in_dim3A_191 = arith.constant 0.000000e+00 : f32
    %broadcast_in_dim3A_192 = vector.broadcast %broadcast_in_dim3A_191 : f32 to vector<16xf32>
    %swap3A_193 = arith.constant 512 : index
    %swap3A_194 = tpu.vector_load %arg6[%swap3A_193] {strides = array<i32>} : memref<640xf32, #tpu.memory_space<vmem>>, vector<16xf32>,
    %swap3A_195 = vector.shape_cast %swap3A_194 : vector<16xf32> to vector<16xf32>
    %swap3A_196 = vector.shape_cast %broadcast_in_dim3A_192 : vector<16xf32> to vector<16xf32>
    tpu.vector_store %arg6[%swap3A_193], %swap3A_196 {strides = array<i32>} : memref<640xf32, #tpu.memory_space<vmem>>, vector<16xf32>,
    %broadcast_in_dim3A_197 = arith.constant 0.000000e+00 : f32
    %broadcast_in_dim3A_198 = vector.broadcast %broadcast_in_dim3A_197 : f32 to vector<16xf32>
    %swap3A_199 = arith.constant 528 : index
    %swap3A_200 = tpu.vector_load %arg6[%swap3A_199] {strides = array<i32>} : memref<640xf32, #tpu.memory_space<vmem>>, vector<16xf32>,
    %swap3A_201 = vector.shape_cast %swap3A_200 : vector<16xf32> to vector<16xf32>
    %swap3A_202 = vector.shape_cast %broadcast_in_dim3A_198 : vector<16xf32> to vector<16xf32>
    tpu.vector_store %arg6[%swap3A_199], %swap3A_202 {strides = array<i32>} : memref<640xf32, #tpu.memory_space<vmem>>, vector<16xf32>,
    %broadcast_in_dim3A_203 = arith.constant 0.000000e+00 : f32
    %broadcast_in_dim3A_204 = vector.broadcast %broadcast_in_dim3A_203 : f32 to vector<16xf32>
    %swap3A_205 = arith.constant 544 : index
    %swap3A_206 = tpu.vector_load %arg6[%swap3A_205] {strides = array<i32>} : memref<640xf32, #tpu.memory_space<vmem>>, vector<16xf32>,
    %swap3A_207 = vector.shape_cast %swap3A_206 : vector<16xf32> to vector<16xf32>
    %swap3A_208 = vector.shape_cast %broadcast_in_dim3A_204 : vector<16xf32> to vector<16xf32>
    tpu.vector_store %arg6[%swap3A_205], %swap3A_208 {strides = array<i32>} : memref<640xf32, #tpu.memory_space<vmem>>, vector<16xf32>,
    %broadcast_in_dim3A_209 = arith.constant 0.000000e+00 : f32
    %broadcast_in_dim3A_210 = vector.broadcast %broadcast_in_dim3A_209 : f32 to vector<16xf32>
    %swap3A_211 = arith.constant 560 : index
    %swap3A_212 = tpu.vector_load %arg6[%swap3A_211] {strides = array<i32>} : memref<640xf32, #tpu.memory_space<vmem>>, vector<16xf32>,
    %swap3A_213 = vector.shape_cast %swap3A_212 : vector<16xf32> to vector<16xf32>
    %swap3A_214 = vector.shape_cast %broadcast_in_dim3A_210 : vector<16xf32> to vector<16xf32>
    tpu.vector_store %arg6[%swap3A_211], %swap3A_214 {strides = array<i32>} : memref<640xf32, #tpu.memory_space<vmem>>, vector<16xf32>,
    %broadcast_in_dim3A_215 = arith.constant 0.000000e+00 : f32
    %broadcast_in_dim3A_216 = vector.broadcast %broadcast_in_dim3A_215 : f32 to vector<16xf32>
    %swap3A_217 = arith.constant 576 : index
    %swap3A_218 = tpu.vector_load %arg6[%swap3A_217] {strides = array<i32>} : memref<640xf32, #tpu.memory_space<vmem>>, vector<16xf32>,
    %swap3A_219 = vector.shape_cast %swap3A_218 : vector<16xf32> to vector<16xf32>
    %swap3A_220 = vector.shape_cast %broadcast_in_dim3A_216 : vector<16xf32> to vector<16xf32>
    tpu.vector_store %arg6[%swap3A_217], %swap3A_220 {strides = array<i32>} : memref<640xf32, #tpu.memory_space<vmem>>, vector<16xf32>,
    %broadcast_in_dim3A_221 = arith.constant 0.000000e+00 : f32
    %broadcast_in_dim3A_222 = vector.broadcast %broadcast_in_dim3A_221 : f32 to vector<16xf32>
    %swap3A_223 = arith.constant 592 : index
    %swap3A_224 = tpu.vector_load %arg6[%swap3A_223] {strides = array<i32>} : memref<640xf32, #tpu.memory_space<vmem>>, vector<16xf32>,
    %swap3A_225 = vector.shape_cast %swap3A_224 : vector<16xf32> to vector<16xf32>
    %swap3A_226 = vector.shape_cast %broadcast_in_dim3A_222 : vector<16xf32> to vector<16xf32>
    tpu.vector_store %arg6[%swap3A_223], %swap3A_226 {strides = array<i32>} : memref<640xf32, #tpu.memory_space<vmem>>, vector<16xf32>,
    %broadcast_in_dim3A_227 = arith.constant 0.000000e+00 : f32
    %broadcast_in_dim3A_228 = vector.broadcast %broadcast_in_dim3A_227 : f32 to vector<16xf32>
    %swap3A_229 = arith.constant 608 : index
    %swap3A_230 = tpu.vector_load %arg6[%swap3A_229] {strides = array<i32>} : memref<640xf32, #tpu.memory_space<vmem>>, vector<16xf32>,
    %swap3A_231 = vector.shape_cast %swap3A_230 : vector<16xf32> to vector<16xf32>
    %swap3A_232 = vector.shape_cast %broadcast_in_dim3A_228 : vector<16xf32> to vector<16xf32>
    tpu.vector_store %arg6[%swap3A_229], %swap3A_232 {strides = array<i32>} : memref<640xf32, #tpu.memory_space<vmem>>, vector<16xf32>,
    %broadcast_in_dim3A_233 = arith.constant 0.000000e+00 : f32
    %broadcast_in_dim3A_234 = vector.broadcast %broadcast_in_dim3A_233 : f32 to vector<16xf32>
    %swap3A_235 = arith.constant 624 : index
    %swap3A_236 = tpu.vector_load %arg6[%swap3A_235] {strides = array<i32>} : memref<640xf32, #tpu.memory_space<vmem>>, vector<16xf32>,
    %swap3A_237 = vector.shape_cast %swap3A_236 : vector<16xf32> to vector<16xf32>
    %swap3A_238 = vector.shape_cast %broadcast_in_dim3A_234 : vector<16xf32> to vector<16xf32>
    tpu.vector_store %arg6[%swap3A_235], %swap3A_238 {strides = array<i32>} : memref<640xf32, #tpu.memory_space<vmem>>, vector<16xf32>,
    %mul3A_239 = arith.constant 640 : i32
    %mul3A_240 = arith.muli %arg1, %mul3A_239 : i32
    "tpu.region"() ({
      %run_scoped3A = tpu.sem_alloc : memref<!tpu.dma_semaphore, #tpu.memory_space<semaphore_mem>>
      %dma_start3A = tpu.memref_slice %arg7[%mul3A_240] : memref<10240xf32, #tpu.memory_space<vmem_shared>> -> memref<640xf32, #tpu.memory_space<vmem_shared>>
      %dma_start3A_281 = tpu.memref_slice %arg7[%mul3A_240] : memref<10240xf32, #tpu.memory_space<vmem_shared>> -> memref<640xf32, #tpu.memory_space<vmem_shared>>
      tpu.enqueue_dma source(%arg6 : memref<640xf32, #tpu.memory_space<vmem>>) target(%dma_start3A_281 : memref<640xf32, #tpu.memory_space<vmem_shared>>) target_semaphore(%run_scoped3A : memref<!tpu.dma_semaphore, #tpu.memory_space<semaphore_mem>>)
      %dma_wait3A = tpu.memref_slice %arg7[%mul3A_240] : memref<10240xf32, #tpu.memory_space<vmem_shared>> -> memref<640xf32, #tpu.memory_space<vmem_shared>>
      %dma_wait3A_282 = tpu.memref_slice %arg7[%mul3A_240] : memref<10240xf32, #tpu.memory_space<vmem_shared>> -> memref<640xf32, #tpu.memory_space<vmem_shared>>
      tpu.wait_dma2 semaphore(%run_scoped3A : memref<!tpu.dma_semaphore, #tpu.memory_space<semaphore_mem>>) src(%arg6 : memref<640xf32, #tpu.memory_space<vmem>>) dst(%dma_wait3A_282 : memref<640xf32, #tpu.memory_space<vmem_shared>>)
      tpu.yield
    }) : () -> ()
    %broadcast_in_dim3A_241 = arith.constant 1.000000e+00 : f32
    %broadcast_in_dim3A_242 = vector.broadcast %broadcast_in_dim3A_241 : f32 to vector<16xf32>
    %swap3A_243 = arith.constant 0 : index
    %swap3A_244 = tpu.vector_load %arg5[%swap3A_243] {strides = array<i32>} : memref<80xf32, #tpu.memory_space<vmem>>, vector<16xf32>,
    %swap3A_245 = vector.shape_cast %swap3A_244 : vector<16xf32> to vector<16xf32>
    %swap3A_246 = vector.shape_cast %broadcast_in_dim3A_242 : vector<16xf32> to vector<16xf32>
    tpu.vector_store %arg5[%swap3A_243], %swap3A_246 {strides = array<i32>} : memref<80xf32, #tpu.memory_space<vmem>>, vector<16xf32>,
    %broadcast_in_dim3A_247 = arith.constant 1.000000e+00 : f32
    %broadcast_in_dim3A_248 = vector.broadcast %broadcast_in_dim3A_247 : f32 to vector<16xf32>
    %swap3A_249 = arith.constant 16 : index
    %swap3A_250 = tpu.vector_load %arg5[%swap3A_249] {strides = array<i32>} : memref<80xf32, #tpu.memory_space<vmem>>, vector<16xf32>,
    %swap3A_251 = vector.shape_cast %swap3A_250 : vector<16xf32> to vector<16xf32>
    %swap3A_252 = vector.shape_cast %broadcast_in_dim3A_248 : vector<16xf32> to vector<16xf32>
    tpu.vector_store %arg5[%swap3A_249], %swap3A_252 {strides = array<i32>} : memref<80xf32, #tpu.memory_space<vmem>>, vector<16xf32>,
    %broadcast_in_dim3A_253 = arith.constant 1.000000e+00 : f32
    %broadcast_in_dim3A_254 = vector.broadcast %broadcast_in_dim3A_253 : f32 to vector<16xf32>
    %swap3A_255 = arith.constant 32 : index
    %swap3A_256 = tpu.vector_load %arg5[%swap3A_255] {strides = array<i32>} : memref<80xf32, #tpu.memory_space<vmem>>, vector<16xf32>,
    %swap3A_257 = vector.shape_cast %swap3A_256 : vector<16xf32> to vector<16xf32>
    %swap3A_258 = vector.shape_cast %broadcast_in_dim3A_254 : vector<16xf32> to vector<16xf32>
    tpu.vector_store %arg5[%swap3A_255], %swap3A_258 {strides = array<i32>} : memref<80xf32, #tpu.memory_space<vmem>>, vector<16xf32>,
    %broadcast_in_dim3A_259 = arith.constant 1.000000e+00 : f32
    %broadcast_in_dim3A_260 = vector.broadcast %broadcast_in_dim3A_259 : f32 to vector<16xf32>
    %swap3A_261 = arith.constant 48 : index
    %swap3A_262 = tpu.vector_load %arg5[%swap3A_261] {strides = array<i32>} : memref<80xf32, #tpu.memory_space<vmem>>, vector<16xf32>,
    %swap3A_263 = vector.shape_cast %swap3A_262 : vector<16xf32> to vector<16xf32>
    %swap3A_264 = vector.shape_cast %broadcast_in_dim3A_260 : vector<16xf32> to vector<16xf32>
    tpu.vector_store %arg5[%swap3A_261], %swap3A_264 {strides = array<i32>} : memref<80xf32, #tpu.memory_space<vmem>>, vector<16xf32>,
    %broadcast_in_dim3A_265 = arith.constant 1.000000e+00 : f32
    %broadcast_in_dim3A_266 = vector.broadcast %broadcast_in_dim3A_265 : f32 to vector<16xf32>
    %swap3A_267 = arith.constant 64 : index
    %swap3A_268 = tpu.vector_load %arg5[%swap3A_267] {strides = array<i32>} : memref<80xf32, #tpu.memory_space<vmem>>, vector<16xf32>,
    %swap3A_269 = vector.shape_cast %swap3A_268 : vector<16xf32> to vector<16xf32>
    %swap3A_270 = vector.shape_cast %broadcast_in_dim3A_266 : vector<16xf32> to vector<16xf32>
    tpu.vector_store %arg5[%swap3A_267], %swap3A_270 {strides = array<i32>} : memref<80xf32, #tpu.memory_space<vmem>>, vector<16xf32>,
    "tpu.region"() ({
      %run_scoped3A = tpu.sem_alloc : memref<!tpu.dma_semaphore, #tpu.memory_space<semaphore_mem>>
      %dma_start3A = arith.constant 0 : i32
      %dma_start3A_281 = arith.constant 0 : i32
      %dma_start3A_282 = tpu.memref_slice %arg2[%add3A, %dma_start3A, %dma_start3A_281] : memref<32x125x80xi32, #tpu.memory_space<hbm>> -> memref<1x125x80xi32, #tpu.memory_space<hbm>>
      %dma_start3A_283 = tpu.memref_squeeze %dma_start3A_282 : memref<1x125x80xi32, #tpu.memory_space<hbm>> -> memref<125x80xi32, #tpu.memory_space<hbm>>
      %dma_start3A_284 = arith.constant 0 : i32
      %dma_start3A_285 = arith.constant 0 : i32
      %dma_start3A_286 = tpu.memref_slice %arg2[%add3A, %dma_start3A_284, %dma_start3A_285] : memref<32x125x80xi32, #tpu.memory_space<hbm>> -> memref<1x125x80xi32, #tpu.memory_space<hbm>>
      %dma_start3A_287 = tpu.memref_squeeze %dma_start3A_286 : memref<1x125x80xi32, #tpu.memory_space<hbm>> -> memref<125x80xi32, #tpu.memory_space<hbm>>
      tpu.enqueue_dma source(%dma_start3A_287 : memref<125x80xi32, #tpu.memory_space<hbm>>) target(%arg4 : memref<125x80xi32, #tpu.memory_space<vmem>>) target_semaphore(%run_scoped3A : memref<!tpu.dma_semaphore, #tpu.memory_space<semaphore_mem>>)
      %dma_wait3A = arith.constant 0 : i32
      %dma_wait3A_288 = arith.constant 0 : i32
      %dma_wait3A_289 = tpu.memref_slice %arg2[%add3A, %dma_wait3A, %dma_wait3A_288] : memref<32x125x80xi32, #tpu.memory_space<hbm>> -> memref<1x125x80xi32, #tpu.memory_space<hbm>>
      %dma_wait3A_290 = tpu.memref_squeeze %dma_wait3A_289 : memref<1x125x80xi32, #tpu.memory_space<hbm>> -> memref<125x80xi32, #tpu.memory_space<hbm>>
      %dma_wait3A_291 = arith.constant 0 : i32
      %dma_wait3A_292 = arith.constant 0 : i32
      %dma_wait3A_293 = tpu.memref_slice %arg2[%add3A, %dma_wait3A_291, %dma_wait3A_292] : memref<32x125x80xi32, #tpu.memory_space<hbm>> -> memref<1x125x80xi32, #tpu.memory_space<hbm>>
      %dma_wait3A_294 = tpu.memref_squeeze %dma_wait3A_293 : memref<1x125x80xi32, #tpu.memory_space<hbm>> -> memref<125x80xi32, #tpu.memory_space<hbm>>
      tpu.wait_dma2 semaphore(%run_scoped3A : memref<!tpu.dma_semaphore, #tpu.memory_space<semaphore_mem>>) src(%dma_wait3A_294 : memref<125x80xi32, #tpu.memory_space<hbm>>) dst(%arg4 : memref<125x80xi32, #tpu.memory_space<vmem>>)
      tpu.yield
    }) : () -> ()
    %barrier3A = arith.constant 0 : index
    tpu.barrier barrier_id(%barrier3A)
    %scan3A = arith.constant 0 : i32
    %scan3A_271 = arith.constant 0 : i32
    %scan3A_272 = arith.constant 125 : i32
    %scan3A_273 = arith.addi %scan3A_271, %scan3A_272 : i32
    %scan3A_274 = arith.constant 1 : i32
    scf.for %scan3A_281 = %scan3A_271 to %scan3A_273 step %scan3A_274  : i32 {
      "tpu.region"() ({
        %run_scoped3A = tpu.sem_alloc : memref<!tpu.dma_semaphore, #tpu.memory_space<semaphore_mem>>
        %dma_start3A = arith.constant 0 : i32
        %dma_start3A_282 = tpu.memref_slice %arg4[%scan3A_281, %dma_start3A] : memref<125x80xi32, #tpu.memory_space<vmem>> -> memref<1x80xi32, #tpu.memory_space<vmem>>
        %dma_start3A_283 = tpu.memref_squeeze %dma_start3A_282 : memref<1x80xi32, #tpu.memory_space<vmem>> -> memref<80xi32, #tpu.memory_space<vmem>>
        %dma_start3A_284 = arith.constant 0 : i32
        %dma_start3A_285 = tpu.memref_slice %arg7[%dma_start3A_284] : memref<10240xf32, #tpu.memory_space<vmem_shared>> -> memref<10240xf32, #tpu.memory_space<vmem_shared>>
        tpu.enqueue_indirect_dma source(%arg5 : memref<80xf32, #tpu.memory_space<vmem>>) target(%dma_start3A_285 : memref<10240xf32, #tpu.memory_space<vmem_shared>>) offsets(%dma_start3A_283 : memref<80xi32, #tpu.memory_space<vmem>>) semaphore(%run_scoped3A : memref<!tpu.dma_semaphore, #tpu.memory_space<semaphore_mem>>) {add = true}
        %dma_wait3A = arith.constant 0 : i32
        %dma_wait3A_286 = tpu.memref_slice %arg4[%scan3A_281, %dma_wait3A] : memref<125x80xi32, #tpu.memory_space<vmem>> -> memref<1x80xi32, #tpu.memory_space<vmem>>
        %dma_wait3A_287 = tpu.memref_squeeze %dma_wait3A_286 : memref<1x80xi32, #tpu.memory_space<vmem>> -> memref<80xi32, #tpu.memory_space<vmem>>
        %dma_wait3A_288 = arith.constant 0 : i32
        %dma_wait3A_289 = tpu.memref_slice %arg7[%dma_wait3A_288] : memref<10240xf32, #tpu.memory_space<vmem_shared>> -> memref<10240xf32, #tpu.memory_space<vmem_shared>>
        tpu.wait_indirect_dma semaphore(%run_scoped3A : memref<!tpu.dma_semaphore, #tpu.memory_space<semaphore_mem>>) src(%arg5 : memref<80xf32, #tpu.memory_space<vmem>>) dst(%dma_wait3A_289 : memref<10240xf32, #tpu.memory_space<vmem_shared>>)
        tpu.yield
      }) : () -> ()
    }
    %scan3A_275 = arith.constant 125 : i32
    %barrier3A_276 = arith.constant 0 : index
    tpu.barrier barrier_id(%barrier3A_276)
    %mul3A_277 = arith.constant 640 : i32
    %mul3A_278 = arith.muli %arg1, %mul3A_277 : i32
    %mul3A_279 = arith.constant 640 : i32
    %mul3A_280 = arith.muli %arg1, %mul3A_279 : i32
    "tpu.region"() ({
      %run_scoped3A = tpu.sem_alloc : memref<!tpu.dma_semaphore, #tpu.memory_space<semaphore_mem>>
      %dma_start3A = tpu.memref_slice %arg3[%arg0, %mul3A_280] : memref<2x10240xf32, #tpu.memory_space<hbm>> -> memref<1x640xf32, #tpu.memory_space<hbm>>
      %dma_start3A_281 = tpu.memref_squeeze %dma_start3A : memref<1x640xf32, #tpu.memory_space<hbm>> -> memref<640xf32, #tpu.memory_space<hbm>>
      %dma_start3A_282 = tpu.memref_slice %arg7[%mul3A_278] : memref<10240xf32, #tpu.memory_space<vmem_shared>> -> memref<640xf32, #tpu.memory_space<vmem_shared>>
      tpu.enqueue_dma source(%dma_start3A_282 : memref<640xf32, #tpu.memory_space<vmem_shared>>) target(%dma_start3A_281 : memref<640xf32, #tpu.memory_space<hbm>>) target_semaphore(%run_scoped3A : memref<!tpu.dma_semaphore, #tpu.memory_space<semaphore_mem>>)
      %dma_wait3A = tpu.memref_slice %arg3[%arg0, %mul3A_280] : memref<2x10240xf32, #tpu.memory_space<hbm>> -> memref<1x640xf32, #tpu.memory_space<hbm>>
      %dma_wait3A_283 = tpu.memref_squeeze %dma_wait3A : memref<1x640xf32, #tpu.memory_space<hbm>> -> memref<640xf32, #tpu.memory_space<hbm>>
      %dma_wait3A_284 = tpu.memref_slice %arg7[%mul3A_278] : memref<10240xf32, #tpu.memory_space<vmem_shared>> -> memref<640xf32, #tpu.memory_space<vmem_shared>>
      tpu.wait_dma2 semaphore(%run_scoped3A : memref<!tpu.dma_semaphore, #tpu.memory_space<semaphore_mem>>) src(%dma_wait3A_284 : memref<640xf32, #tpu.memory_space<vmem_shared>>) dst(%dma_wait3A_283 : memref<640xf32, #tpu.memory_space<hbm>>)
      tpu.yield
    }) : () -> ()
    return
  }
}

module attributes {stable_mosaic.version = 14 : i64} {
  func.func @_matmul_body(%arg0: i32, %arg1: memref<1000x128xf32, #tpu.memory_space<vmem>>, %arg2: memref<128x128xf32, #tpu.memory_space<vmem>>, %arg3: memref<1000x128xf32, #tpu.memory_space<vmem>>) attributes {dimension_semantics = [#tpu.dimension_semantics<arbitrary>], iteration_bounds = array<i64: 10>, scalar_prefetch = 0 : i64, scratch_operands = 0 : i64, tpu.core_type = #tpu.core_type<tc>, window_params = [{transform_indices = @transform_0, window_bounds = array<i64: 1000, 128>}, {pipeline_mode = #tpu.pipeline_mode<synchronous>, transform_indices = @transform_1, window_bounds = array<i64: 128, 128>}, {transform_indices = @transform_2, window_bounds = array<i64: 1000, 128>}]} {
    %get3A = arith.constant 0 : index
    %get3A_0 = arith.constant 0 : index
    %get3A_1 = vector.load %arg1[%get3A, %get3A_0] : memref<1000x128xf32, #tpu.memory_space<vmem>>, vector<1000x128xf32>
    %get3A_2 = arith.constant 0 : index
    %get3A_3 = arith.constant 0 : index
    %get3A_4 = vector.load %arg2[%get3A_2, %get3A_3] : memref<128x128xf32, #tpu.memory_space<vmem>>, vector<128x128xf32>
    %dot_general3A = arith.constant dense<0.000000e+00> : vector<1000x128xf32>
    %dot_general3A_5 = tpu.matmul %get3A_1, %get3A_4, %dot_general3A {dimension_numbers = #tpu.dot_dimension_numbers<[1], [0], [0], [1], [0, 0, 1, 1], [], []>, transpose_lhs_hint = false} : vector<1000x128xf32>, vector<128x128xf32>, vector<1000x128xf32> -> vector<1000x128xf32>
    %swap3A = arith.constant 0 : index
    %swap3A_6 = arith.constant 0 : index
    %swap3A_7 = vector.load %arg3[%swap3A, %swap3A_6] : memref<1000x128xf32, #tpu.memory_space<vmem>>, vector<1000x128xf32>
    tpu.vector_store %arg3[%swap3A, %swap3A_6], %dot_general3A_5 {strides = array<i32>} : memref<1000x128xf32, #tpu.memory_space<vmem>>, vector<1000x128xf32>,
    return
  }
  func.func @transform_0(%arg0: i32) -> (i32, i32) {
    %c0_i32 = arith.constant 0 : i32
    %c0_i32_0 = arith.constant 0 : i32
    return %arg0, %c0_i32 : i32, i32
  }
  func.func @transform_1(%arg0: i32) -> (i32, i32) {
    %c0_i32 = arith.constant 0 : i32
    %c0_i32_0 = arith.constant 0 : i32
    %c0_i32_1 = arith.constant 0 : i32
    return %c0_i32, %c0_i32_0 : i32, i32
  }
  func.func @transform_2(%arg0: i32) -> (i32, i32) {
    %c0_i32 = arith.constant 0 : i32
    %c0_i32_0 = arith.constant 0 : i32
    return %arg0, %c0_i32 : i32, i32
  }
}

module attributes {stable_mosaic.version = 14 : i64} {
  func.func @_scale_body(%arg0: i32, %arg1: memref<1000x128xf32, #tpu.memory_space<vmem>>, %arg2: memref<1000x2xf32, #tpu.memory_space<vmem>>, %arg3: memref<1000x128xf32, #tpu.memory_space<vmem>>, %arg4: memref<1000x1xf32, #tpu.memory_space<vmem>>) attributes {dimension_semantics = [#tpu.dimension_semantics<arbitrary>], iteration_bounds = array<i64: 10>, scalar_prefetch = 0 : i64, scratch_operands = 0 : i64, tpu.core_type = #tpu.core_type<tc>, window_params = [{transform_indices = @transform_0, window_bounds = array<i64: 1000, 128>}, {transform_indices = @transform_1, window_bounds = array<i64: 1000, 2>}, {transform_indices = @transform_2, window_bounds = array<i64: 1000, 128>}, {transform_indices = @transform_3, window_bounds = array<i64: 1000, 1>}]} {
    %get3A = arith.constant 0 : index
    %get3A_0 = arith.constant 0 : index
    %get3A_1 = vector.load %arg2[%get3A, %get3A_0] : memref<1000x2xf32, #tpu.memory_space<vmem>>, vector<1000x1xf32>
    %get3A_2 = arith.constant 0 : index
    %get3A_3 = arith.constant 1 : index
    %get3A_4 = vector.load %arg2[%get3A_2, %get3A_3] : memref<1000x2xf32, #tpu.memory_space<vmem>>, vector<1000x1xf32>
    %add3A = arith.addf %get3A_1, %get3A_4 : vector<1000x1xf32>
    %add3A_5 = arith.constant 1.000000e+00 : f32
    %add3A_6 = vector.broadcast %add3A_5 : f32 to vector<1000x1xf32>
    %add3A_7 = arith.addf %add3A, %add3A_6 : vector<1000x1xf32>
    %rsqrt3A = math.rsqrt %add3A_7 : vector<1000x1xf32>
    %get3A_8 = arith.constant 0 : index
    %get3A_9 = arith.constant 0 : index
    %get3A_10 = vector.load %arg1[%get3A_8, %get3A_9] : memref<1000x128xf32, #tpu.memory_space<vmem>>, vector<1000x128xf32>
    %mul3A = vector.broadcast %rsqrt3A : vector<1000x1xf32> to vector<1000x128xf32>
    %mul3A_11 = arith.mulf %get3A_10, %mul3A : vector<1000x128xf32>
    %swap3A = arith.constant 0 : index
    %swap3A_12 = arith.constant 0 : index
    %swap3A_13 = vector.load %arg3[%swap3A, %swap3A_12] : memref<1000x128xf32, #tpu.memory_space<vmem>>, vector<1000x128xf32>
    tpu.vector_store %arg3[%swap3A, %swap3A_12], %mul3A_11 {strides = array<i32>} : memref<1000x128xf32, #tpu.memory_space<vmem>>, vector<1000x128xf32>,
    %swap3A_14 = arith.constant 0 : index
    %swap3A_15 = arith.constant 0 : index
    %swap3A_16 = vector.load %arg4[%swap3A_14, %swap3A_15] : memref<1000x1xf32, #tpu.memory_space<vmem>>, vector<1000x1xf32>
    tpu.vector_store %arg4[%swap3A_14, %swap3A_15], %rsqrt3A {strides = array<i32>} : memref<1000x1xf32, #tpu.memory_space<vmem>>, vector<1000x1xf32>,
    return
  }
  func.func @transform_0(%arg0: i32) -> (i32, i32) {
    %c0_i32 = arith.constant 0 : i32
    %c0_i32_0 = arith.constant 0 : i32
    return %arg0, %c0_i32 : i32, i32
  }
  func.func @transform_1(%arg0: i32) -> (i32, i32) {
    %c0_i32 = arith.constant 0 : i32
    %c0_i32_0 = arith.constant 0 : i32
    return %arg0, %c0_i32 : i32, i32
  }
  func.func @transform_2(%arg0: i32) -> (i32, i32) {
    %c0_i32 = arith.constant 0 : i32
    %c0_i32_0 = arith.constant 0 : i32
    return %arg0, %c0_i32 : i32, i32
  }
  func.func @transform_3(%arg0: i32) -> (i32, i32) {
    %c0_i32 = arith.constant 0 : i32
    %c0_i32_0 = arith.constant 0 : i32
    return %arg0, %c0_i32 : i32, i32
  }
}

module attributes {stable_mosaic.version = 14 : i64} {
  func.func @_final_body(%arg0: i32, %arg1: memref<1x1000x128xf32, #tpu.memory_space<vmem>>, %arg2: memref<1x1000x128xf32, #tpu.memory_space<vmem>>, %arg3: memref<1000x128xf32, #tpu.memory_space<vmem>>, %arg4: memref<1000x1xf32, #tpu.memory_space<vmem>>, %arg5: memref<1000x1xf32, #tpu.memory_space<vmem>>, %arg6: memref<1x128xf32, #tpu.memory_space<vmem>>, %arg7: memref<1000x128xf32, #tpu.memory_space<vmem>>) attributes {dimension_semantics = [#tpu.dimension_semantics<arbitrary>], iteration_bounds = array<i64: 10>, scalar_prefetch = 0 : i64, scratch_operands = 0 : i64, tpu.core_type = #tpu.core_type<tc>, window_params = [{transform_indices = @transform_0, window_bounds = array<i64: 1, 1000, 128>}, {transform_indices = @transform_1, window_bounds = array<i64: 1, 1000, 128>}, {transform_indices = @transform_2, window_bounds = array<i64: 1000, 128>}, {transform_indices = @transform_3, window_bounds = array<i64: 1000, 1>}, {transform_indices = @transform_4, window_bounds = array<i64: 1000, 1>}, {pipeline_mode = #tpu.pipeline_mode<synchronous>, transform_indices = @transform_5, window_bounds = array<i64: 1, 128>}, {transform_indices = @transform_6, window_bounds = array<i64: 1000, 128>}]} {
    %get3A = arith.constant 0 : index
    %get3A_0 = arith.constant 0 : index
    %get3A_1 = arith.constant 0 : index
    %get3A_2 = vector.load %arg1[%get3A, %get3A_0, %get3A_1] : memref<1x1000x128xf32, #tpu.memory_space<vmem>>, vector<1x1000x128xf32>
    %get3A_3 = vector.shape_cast %get3A_2 : vector<1x1000x128xf32> to vector<1000x128xf32>
    %get3A_4 = arith.constant 0 : index
    %get3A_5 = arith.constant 0 : index
    %get3A_6 = arith.constant 0 : index
    %get3A_7 = vector.load %arg2[%get3A_4, %get3A_5, %get3A_6] : memref<1x1000x128xf32, #tpu.memory_space<vmem>>, vector<1x1000x128xf32>
    %get3A_8 = vector.shape_cast %get3A_7 : vector<1x1000x128xf32> to vector<1000x128xf32>
    %add3A = arith.addf %get3A_3, %get3A_8 : vector<1000x128xf32>
    %get3A_9 = arith.constant 0 : index
    %get3A_10 = arith.constant 0 : index
    %get3A_11 = vector.load %arg3[%get3A_9, %get3A_10] : memref<1000x128xf32, #tpu.memory_space<vmem>>, vector<1000x128xf32>
    %add3A_12 = arith.addf %add3A, %get3A_11 : vector<1000x128xf32>
    %get3A_13 = arith.constant 0 : index
    %get3A_14 = arith.constant 0 : index
    %get3A_15 = vector.load %arg5[%get3A_13, %get3A_14] : memref<1000x1xf32, #tpu.memory_space<vmem>>, vector<1000x1xf32>
    %get3A_16 = arith.constant 0 : index
    %get3A_17 = arith.constant 0 : index
    %get3A_18 = vector.load %arg4[%get3A_16, %get3A_17] : memref<1000x1xf32, #tpu.memory_space<vmem>>, vector<1000x1xf32>
    %mul3A = vector.broadcast %get3A_18 : vector<1000x1xf32> to vector<1000x128xf32>
    %mul3A_19 = arith.mulf %mul3A, %add3A_12 : vector<1000x128xf32>
    %get3A_20 = arith.constant 0 : index
    %get3A_21 = arith.constant 0 : index
    %get3A_22 = vector.load %arg6[%get3A_20, %get3A_21] : memref<1x128xf32, #tpu.memory_space<vmem>>, vector<1x128xf32>
    %add3A_23 = vector.broadcast %get3A_22 : vector<1x128xf32> to vector<1000x128xf32>
    %add3A_24 = arith.addf %mul3A_19, %add3A_23 : vector<1000x128xf32>
    %mul3A_25 = vector.broadcast %get3A_15 : vector<1000x1xf32> to vector<1000x128xf32>
    %mul3A_26 = arith.mulf %mul3A_25, %add3A_24 : vector<1000x128xf32>
    %swap3A = arith.constant 0 : index
    %swap3A_27 = arith.constant 0 : index
    %swap3A_28 = vector.load %arg7[%swap3A, %swap3A_27] : memref<1000x128xf32, #tpu.memory_space<vmem>>, vector<1000x128xf32>
    tpu.vector_store %arg7[%swap3A, %swap3A_27], %mul3A_26 {strides = array<i32>} : memref<1000x128xf32, #tpu.memory_space<vmem>>, vector<1000x128xf32>,
    return
  }
  func.func @transform_0(%arg0: i32) -> (i32, i32, i32) {
    %c0_i32 = arith.constant 0 : i32
    %c0_i32_0 = arith.constant 0 : i32
    %c0_i32_1 = arith.constant 0 : i32
    return %c0_i32, %arg0, %c0_i32_0 : i32, i32, i32
  }
  func.func @transform_1(%arg0: i32) -> (i32, i32, i32) {
    %c1_i32 = arith.constant 1 : i32
    %c0_i32 = arith.constant 0 : i32
    %c0_i32_0 = arith.constant 0 : i32
    return %c1_i32, %arg0, %c0_i32 : i32, i32, i32
  }
  func.func @transform_2(%arg0: i32) -> (i32, i32) {
    %c0_i32 = arith.constant 0 : i32
    %c0_i32_0 = arith.constant 0 : i32
    return %arg0, %c0_i32 : i32, i32
  }
  func.func @transform_3(%arg0: i32) -> (i32, i32) {
    %c0_i32 = arith.constant 0 : i32
    %c0_i32_0 = arith.constant 0 : i32
    return %arg0, %c0_i32 : i32, i32
  }
  func.func @transform_4(%arg0: i32) -> (i32, i32) {
    %c0_i32 = arith.constant 0 : i32
    %c0_i32_0 = arith.constant 0 : i32
    return %arg0, %c0_i32 : i32, i32
  }
  func.func @transform_5(%arg0: i32) -> (i32, i32) {
    %c0_i32 = arith.constant 0 : i32
    %c0_i32_0 = arith.constant 0 : i32
    %c0_i32_1 = arith.constant 0 : i32
    return %c0_i32, %c0_i32_0 : i32, i32
  }
  func.func @transform_6(%arg0: i32) -> (i32, i32) {
    %c0_i32 = arith.constant 0 : i32
    %c0_i32_0 = arith.constant 0 : i32
    return %arg0, %c0_i32 : i32, i32
  }
}

</mosaic_0001>

<sc_bundles>
// kernel: kernel.10.cloned.1.call-start
scs
__scs_entry_jumppad:
0x0: {  	(pc) =	sbr.rel $0x88, $3  }
0x1: {  	(tag) =	ssettag $0x0;
	lr =	simm.s32 $0x1  }
0x2: {  	[smem:$0x3F9C] =	sst lr;
	_ =	strace $0xD0000000  }
0x3: {  	_ = 	snop  }
0x4: {  	_ = 	snop  }
0x5: {  	_ = 	snop  }
0x6: {  	_ = 	snop  }
0x7: {  	_ = 	snop  }
__scs_overlays_trampoline_lowered:
0x8: {  	[smem:$0x3FAB] =	sst s0  }
0x9: {  	[smem:$0x3FAC] =	sst s1  }
0xa: {  	[smem:$0x3FAD] =	sst s2  }
0xb: {  	[smem:$0x3FAE] =	sst s3  }
0xc: {  	[smem:$0x3FAF] =	sst s4  }
0xd: {  	[smem:$0x3FB0] =	sst s5  }
0xe: {  	[smem:$0x3FB1] =	sst s6  }
0xf: {  	[smem:$0x3FB2] =	sst s7  }
0x10: {  	[smem:$0x3FB3] =	sst s8  }
0x11: {  	[smem:$0x3FB4] =	sst s9;
	s0 =	simm.s32 @!p0 $0x0  }
0x12: {  	s1 =	sld [smem:$0x3F9A];
	s0 =	simm.s32 @p0 $0x1  }
0x13: {  	[smem:$0x3FB5] =	sst s0;
	s0 =	simm.s32 @!p1 $0x0  }
0x14: {  	s2 =	sld [smem:$0x3F99];
	s0 =	simm.s32 @p1 $0x1  }
0x15: {  	[smem:$0x3FB6] =	sst s0;
	s0 =	simm.s32 @!p2 $0x0  }
0x16: {  	s3 =	sld [smem:$0x3FDB];
	s0 =	simm.s32 @p2 $0x1  }
0x17: {  	s4 =	simm.s32 $0x1BF5;
	[smem:$0x3FB8] =	sst s0  }
0x18: {  	s0 =	sld [smem:$0x3F9B];
	_ =	swait.ge [sflag:s4], $0x0  }
0x19: {  	s7 =	sld [smem:$0x3F9C]  }
0x1a: {  	s8 =	sadd.s32 $0xFFFFE003, lr  }
0x1b: {  	s9 =	sadd.s32 $0xFFFFFEF7, lr;
	s5 =	simm.s32 $0xFFFFFFFF;
	p2 =	slt.u32 s8, $0xFFFFF086  }
0x1c: {  	p1 =	slt.u32 s9, $0xF7A;
	s5 =	simm.s32 @!p2 $0x0  }
0x1d: {  	s5 =	simm.s32 @p1 $0x1;
	p0 =	seq.s32 s7, s2  }
0x1e: {  	s7 =	smul.u32 @!p0 $0xF7A, s2;
	p2 =	seq.s32 @!p0 s5, $0x0  }
0x1f: {  	s9 =	smul.u32 $0xF7A, s1;
	s8 =	simm.s32 @!p0 $0x1BF5;
	p2 =	por !p2, p0  }
0x20: {  	[sflag:s8] =	ssyncset.s32 @!p0 $0xFFFFF086;
	s6 =	sadd.s32 @!p0 s3, s7;
	s7 =	simm.s32 @!p0 $0x108  }
0x21: {  	s3 =	sadd.s32 s3, s9;
	s6 =	sadd.s32 @!p0 $0x88, s6;
	s7 =	simm.s32 @p2 $0x1082  }
0x22: {  	[simem:s7], [sflag:s8] =	dma.local @!p0 [hbm:s6], $0xF7A  }
0x23: {  	s9 =	sor.u32 $0xD0000000, s2;
	s6 =	simm.s32 $0x108;
	_ =	swait.ge @!p0 [sflag:s8], $0x0  }
0x24: {  	s3 =	sadd.s32 $0x88, s3;
	s6 =	simm.s32 @!p1 $0x1082;
	[sflag:s4] =	ssyncset.s32 $0xFFFFF086  }
0x25: {  	[simem:s6], [sflag:s4] =	dma.local [hbm:s3], $0xF7A  }
0x26: {  	[smem:$0x3F9C] =	sst s1;
	(tag) =	ssettag s2;
	_ =	strace s9  }
0x27: {  	s1 =	sld [smem:$0x3FAC]  }
0x28: {  	s2 =	sld [smem:$0x3FAD]  }
0x29: {  	s4 =	sld [smem:$0x3FAF]  }
0x2a: {  	p0 =	seq.s32 s5, $0x0;
	s5 =	sld [smem:$0x3FB0]  }
0x2b: {  	s6 =	sld [smem:$0x3FB1]  }
0x2c: {  	s7 =	sld [smem:$0x3FB2]  }
0x2d: {  	s3 =	simm.s32 $0x108;
	s8 =	sld [smem:$0x3FB3]  }
0x2e: {  	s3 =	simm.s32 @!p0 $0x1082;
	s9 =	sld [smem:$0x3FB4]  }
0x2f: {  	lr =	sadd.s32 s0, s3;
	s0 =	sld [smem:$0x3FAB]  }
0x30: {  	s3 =	sld [smem:$0x3FAE]  }
0x31: {  	[smem:$0x3FB7] =	sst s10  }
0x32: {  	s10 =	sld [smem:$0x3FB5];
	_ =	sdelay $0x3  }
0x33: {  	p0 =	seq.s32 s10, $0x1;
	s10 =	sld [smem:$0x3FB7];
	_ =	sdelay $0x3  }
0x34: {  	[smem:$0x3FB7] =	sst s10  }
0x35: {  	s10 =	sld [smem:$0x3FB6];
	_ =	sdelay $0x3  }
0x36: {  	p1 =	seq.s32 s10, $0x1;
	s10 =	sld [smem:$0x3FB7];
	_ =	sdelay $0x3  }
0x37: {  	[smem:$0x3FB7] =	sst s10  }
0x38: {  	s10 =	sld [smem:$0x3FB8]  }
0x39: {  	_ = 	snop;
	(pc) =	sbr.ind lr, $3  }
0x3a: {  	_ = 	snop  }
0x3b: {  	_ = 	snop  }
0x3c: {  	p2 =	seq.s32 s10, $0x1;
	s10 =	sld [smem:$0x3FB7]  }
0x3d: {  	_ =	shalt  }
0x3e: {  	_ =	shalt  }
0x3f: {  	_ =	shalt  }
0x40: {  	_ =	shalt  }
0x41: {  	_ =	shalt  }
0x42: {  	_ =	shalt  }
0x43: {  	_ =	shalt  }
0x44: {  	_ =	shalt  }
0x45: {  	_ =	shalt  }
0x46: {  	_ =	shalt  }
0x47: {  	_ =	shalt  }
0x48: {  	_ =	shalt  }
0x49: {  	_ =	shalt  }
0x4a: {  	_ =	shalt  }
0x4b: {  	_ =	shalt  }
0x4c: {  	_ =	shalt  }
0x4d: {  	_ =	shalt  }
0x4e: {  	_ =	shalt  }
0x4f: {  	_ =	shalt  }
0x50: {  	_ =	shalt  }
0x51: {  	_ =	shalt  }
0x52: {  	_ =	shalt  }
0x53: {  	_ =	shalt  }
0x54: {  	_ =	shalt  }
0x55: {  	_ =	shalt  }
0x56: {  	_ =	shalt  }
0x57: {  	_ =	shalt  }
0x58: {  	_ =	shalt  }
0x59: {  	_ =	shalt  }
0x5a: {  	_ =	shalt  }
0x5b: {  	_ =	shalt  }
0x5c: {  	_ =	shalt  }
0x5d: {  	_ =	shalt  }
0x5e: {  	_ =	shalt  }
0x5f: {  	_ =	shalt  }
0x60: {  	_ =	shalt  }
0x61: {  	_ =	shalt  }
0x62: {  	_ =	shalt  }
0x63: {  	_ =	shalt  }
0x64: {  	_ =	shalt  }
0x65: {  	_ =	shalt  }
0x66: {  	_ =	shalt  }
0x67: {  	_ =	shalt  }
0x68: {  	_ =	shalt  }
0x69: {  	_ =	shalt  }
0x6a: {  	_ =	shalt  }
0x6b: {  	_ =	shalt  }
0x6c: {  	_ =	shalt  }
0x6d: {  	_ =	shalt  }
0x6e: {  	_ =	shalt  }
0x6f: {  	_ =	shalt  }
0x70: {  	_ =	shalt  }
0x71: {  	_ =	shalt  }
0x72: {  	_ =	shalt  }
0x73: {  	_ =	shalt  }
0x74: {  	_ =	shalt  }
0x75: {  	_ =	shalt  }
0x76: {  	_ =	shalt  }
0x77: {  	_ =	shalt  }
0x78: {  	_ =	shalt  }
0x79: {  	_ =	shalt  }
0x7a: {  	_ =	shalt  }
0x7b: {  	_ =	shalt  }
0x7c: {  	_ =	shalt  }
0x7d: {  	_ =	shalt  }
0x7e: {  	_ =	shalt  }
0x7f: {  	_ =	shalt  }
0x80: {  	_ =	shalt  }
0x81: {  	_ =	shalt  }
0x82: {  	_ =	shalt  }
0x83: {  	_ =	shalt  }
0x84: {  	_ =	shalt  }
0x85: {  	_ =	shalt  }
0x86: {  	_ =	shalt  }
0x87: {  	_ =	shalt  }
.Lfunc_end0:
.L_simem_size_0:
called_computation.1_lowered:
.L_overlay_start_0:
0x88: {  	s2 =	sld [smem:$0x3FD9]  }
0x89: {  	s3 =	sld [smem:$0x3FFE];
	_ =	sdelay $0x1  }
0x8a: {  	s1 =	srdreg.scid  }
0x8b: {  	s0 =	sand.u32 $0x1, s1  }
0x8c: {  	s17 =	sshll.u32 s0, $0xA;
	s2 =	sadd.s32 s3, s2  }
0x8d: {  	s2 =	sadd.s32 s2, s17  }
0x8e: {  	[smem:$0x3FC3] =	sst s2  }
0x8f: {  	_ = 	snop  }
0x90: {  	s2 =	sld [smem:$0x3FD0];
	(tm) =	ssettm $0x1  }
0x91: {  	s18 =	sld [smem:$0x3FFB];
	_ =	sdelay $0x3  }
0x92: {  	_ =	strace s18  }
0x93: {  	s3 =	sld [smem:$0x3FFC];
	_ =	sdelay $0x3  }
0x94: {  	_ =	strace s3  }
0x95: {  	s3 =	sld [smem:$0x3FFD];
	_ =	sdelay $0x3  }
0x96: {  	_ =	strace s3  }
0x97: {  	_ =	strace $0x8FFFFFFF  }
0x98: {  	s19 =	sld [smem:$0x3FDB];
	_ =	sdelay $0x1  }
0x99: {  	s4 =	simm.s32 $_scs_section_size  }
0x9a: {  	s5 =	simm.s32 $_size__tile_overlayer_lowered;
	s6 =	simm.s32 $_tile_overlayer_lowered  }
0x9b: {  	s22 =	simm.s32 $0x1BFF;
	s21 =	sshll.u32 s6, $0x1;
	s3 =	sadd.s32 s4, s19  }
0x9c: {  	s7 =	simm.s32 $0x0;
	s20 =	sshll.u32 s5, $0x1;
	s5 =	sadd.s32 s21, s3  }
0x9d: {  	[timem:s7], [sflag:s22] =	dma.local [hbm:s5], s20  }
0x9e: {  	_ =	swait.ge [sflag:s22], s20  }
0x9f: {  	s4 =	ssub.s32 $0x0, s20;
	[sflag:s22] =	ssyncset.done $0x0  }
0xa0: {  	[sflag:s22] =	ssyncadd.s32 s4;
	_ =	sdelay $0x1  }
0xa1: {  	s23 =	simm.s32 $0x1B8B  }
0xa2: {  	_ =	swait.ge [sflag:s23], $0x1  }
0xa3: {  	[sflag:s23] =	ssyncset.done $0x0  }
0xa4: {  	s25 =	simm.s32 $0x1B8E;
	s24 =	sld [smem:$0x3FFE];
	[sflag:s23] =	ssyncadd.s32 $0xFFFFFFFF  }
0xa5: {  	s26 =	simm.s32 $execute0_lowered;
	[smem:$0x3FD2] =	sst s25  }
0xa6: {  	s5 =	sshll.u32 s26, $0x1;
	_ =	strace $0x80000049;
	[dreg:$0x1] =	wrdreg $0xFFFFFFFF  }
0xa7: {  	s28 =	simm.s32 $_size_execute0_lowered;
	s3 =	sadd.s32 s3, s5;
	[dreg:$0x0] =	wrdreg $0x0  }
0xa8: {  	s5 =	sshll.u32 s28, $0x1;
	[dreg:$0x2] =	wrdreg s3  }
0xa9: {  	[dreg:$0x3] =	wrdreg s5  }
0xaa: {  	[dreg:$0x4] =	wrdreg $0xC0  }
0xab: {  	_ =	task [dreg:s7], $0x5FFFF  }
0xac: {  	[dreg:$0x1] =	wrdreg $0xFFFFFFFF  }
0xad: {  	[dreg:$0x0] =	wrdreg $0x60  }
0xae: {  	[dreg:$0x2] =	wrdreg s2  }
0xaf: {  	[dreg:$0x3] =	wrdreg s24  }
0xb0: {  	[dreg:$0x4] =	wrdreg $0x76800  }
0xb1: {  	[dreg:$0x5] =	wrdreg $0x9  }
0xb2: {  	_ =	task.clear_ibuf [dreg:s7], $0x6FFFF;
	_ =	strace $0x90000049  }
0xb3: {  	s29 =	simm.s32 $0x9;
	_ =	strace $0x8000004B  }
0xb4: {  	_ =	swait.ge [sflag:s29], $0x1  }
0xb5: {  	[sflag:s29] =	ssyncadd.s32 $0xFFFFFFFF  }
0xb6: {  	_ =	strace $0x9000004B  }
0xb7: {  	_ =	sfence  }
0xb8: {  	s30 =	sld [smem:$0x0];
	_ =	sdelay $0x2  }
0xb9: {  	s31 =	sshll.u32 s1, $0xD;
	s1 =	sshrl.u32 s1, $0x2  }
0xba: {  	s3 =	sand.u32 $0x4000, s31;
	s1 =	sadd.s32 s1, s30  }
0xbb: {  	s0 =	sor.u32 s3, s0;
	s1 =	sshll.u32 s1, $0x11  }
0xbc: {  	s0 =	sor.u32 s1, s0  }
0xbd: {  	s0 =	sadd.s32 $0x8F2B, s0  }
0xbe: {  	[sflag:s0] =	ssyncadd.remote.s32 $0x1  }
0xbf: {  	_ =	sfence.sel $0xFFFF  }
0xc0: {  	[dreg:$0x0] =	wrdreg $0xFFFFFFFF;
	(pc) =	sbr.abs _section_cstart, $3  }
0xc1: {  	[dreg:$0x1] =	wrdreg $0xFFFFFFFF  }
0xc2: {  	_ =	task.clear_ibuf [dreg:s7], $0x2FFFF;
	_ =	strace $0x9FFFFFFF  }
0xc3: {  	(tm) =	ssettm $0x7FFFFFFF  }
tec
execute0_lowered:
.L_overlay_start_1:
0x0: {  	(tag) =	ssettag $0x1  }
0x1: {  	s1 =	rddreg [dreg:$0x0]  }
0x2: {  	s0 =	rddreg [dreg:$0x1]  }
0x3: {  	s2 =	rddreg [dreg:$0x2]  }
0x4: {  	s4 =	simm.s32 $0x0;
	s3 =	srdreg.scid;
	s10 =	stileid.u32  }
0x5: {  	s28 =	simm.s32 $0x2;
	s29 =	simm.s32 $0x2080;
	s30 =	simm.s32 $0xBE0  }
0x6: {  	s31 =	simm.s32 $0x2100;
	[smem:$0x7FF] =	sst s4;
	s3 =	sand.u32 $0x1, s3  }
0x7: {  	s19 =	smul.u32 $0x14000, s10;
	s8 =	sadd.s32 $0x1400, s0;
	s5 =	sshll.u32 s3, $0x4  }
0x8: {  	s6 =	smul.u32 $0x140000, s3;
	_ =	strace $0x8000004A;
	s3 =	ssub.s32 $0x2, s3  }
0x9: {  	s7 =	sor.u32 s10, s5;
	s10 =	smul.u32 $0x50000, s10;
	s20 =	sshrl.u32 s3, $0x1  }
0xa: {  	s9 =	sshll.u32 s7, $0xB;
	s5 =	sadd.s32 s19, s6;
	s23 =	smul.u32 $0x2710, s7  }
0xb: {  	s3 =	ssub.s32 s3, s20;
	s7 =	smul.u32 $0x4E2, s7;
	s9 =	sadd.s32 s9, s0  }
0xc: {  	s5 =	sshrl.u32 s5, $0x3;
	s10 =	sshrl.u32 s10, $0x2;
	s20 =	smax.u32 s3, $0x1  }
0xd: {  	s3 =	simm.s32 $0x2180;
	s0 =	sadd.s32 s5, s0;
	s5 =	sadd.s32 s10, s2  }
0xe: {  	s6 =	sshrl.u32 s23, $0x3;
	s13 =	sadd.s32 s8, s7;
	s14 =	sadd.s32 $0xB200, s9  }
0xf: {  	s16 =	sadd.s32 $0xB480, s9;
	s18 =	sadd.s32 $0xB700, s9;
	s21 =	sadd.s32 $0x2800, s5  }
0x10: {  	s23 =	simm.s32 $0xE80;
	s22 =	sadd.s32 $0x5000, s5;
	[dreg:$0x4] =	wrdreg s21  }
0x11: {  	s10 =	sadd.s32 $0x7800, s5;
	s24 =	sadd.s32 $0xA000, s5;
	[dreg:$0x5] =	wrdreg s22  }
0x12: {  	s25 =	sadd.s32 $0xC800, s5;
	s26 =	sadd.s32 $0xF000, s5;
	[dreg:$0x6] =	wrdreg s10  }
0x13: {  	s12 =	sadd.s32 $0x11800, s5;
	s6 =	sadd.s32 s8, s6;
	[dreg:$0x7] =	wrdreg s24  }
0x14: {  	s19 =	sadd.s32 $0x1B200, s0;
	s0 =	simm.s32 $0xC30;
	[dreg:$0x8] =	wrdreg s25  }
0x15: {  	[dreg:$0x9] =	wrdreg s26;
	s15 =	sadd.s32 $0x190, s6;
	s17 =	sadd.s32 $0x320, s6  }
0x16: {  	s21 =	simm.s32 $0x2680;
	s22 =	simm.s32 $0x3;
	s24 =	simm.s32 $0x50  }
0x17: {  	v0 =	vimm.f32 $0.0e+00;
	s25 =	simm.s32 $0x4E80;
	s26 =	simm.s32 $0x1;
	s6 =	simm.s32 $0x2200  }
.LBB2_1:
0x18: {  	s7 =	simm.s32 $0x0;
	s8 =	simm.s32 $0x200  }
.LBB2_2:
0x19: {  	p0 =	sne.s32 s8, $0x9E00;
	[tilespmem:s7+$0x26F0] =	vst v0  }
0x1a: {  	[tilespmem:s7+$0x2680] =	vst v0  }
0x1b: {  	[tilespmem:s7+$0x2690] =	vst v0  }
.Ltmp0:
0x1c: {  	[tilespmem:s7+$0x26A0] =	vst v0;
	(pc) =	sbr.rel @p0 .LBB2_2-.Ltmp0, $4  }
0x1d: {  	[tilespmem:s7+$0x26B0] =	vst v0  }
0x1e: {  	[tilespmem:s7+$0x26C0] =	vst v0  }
0x1f: {  	[tilespmem:s7+$0x26D0] =	vst v0  }
0x20: {  	[tilespmem:s7+$0x26E0] =	vst v0;
	s7 =	sshra.s32 s8, $0x2;
	s8 =	sadd.s32 $0x200, s8  }
0x21: {  	[tilespmem:s7+$0x26F0] =	vst v0  }
0x22: {  	[tilespmem:s7+$0x2680] =	vst v0  }
0x23: {  	[tilespmem:s7+$0x2690] =	vst v0  }
0x24: {  	[tilespmem:s7+$0x26A0] =	vst v0  }
0x25: {  	[tilespmem:s7+$0x26B0] =	vst v0  }
0x26: {  	[tilespmem:s7+$0x26C0] =	vst v0  }
0x27: {  	[tilespmem:s7+$0x26D0] =	vst v0  }
0x28: {  	[tilespmem:s7+$0x26E0] =	vst v0  }
0x29: {  	[spmem:s5] =	stream.linear.scatter [tilespmem:s21], [sflag:$0x3], $0x2800, $0x38;
	[tilespmem:$0x1B680] =	vst v63  }
0x2a: {  	_ =	swait.ge [sflag:s22], $0x2800  }
0x2b: {  	[sflag:s22] =	ssyncset.done $0x0  }
0x2c: {  	s10 =	rddreg [dreg:$0x4];
	[sflag:s22] =	ssyncadd.s32 $0xFFFFD800  }
0x2d: {  	[spmem:s10] =	stream.linear.scatter [tilespmem:s21], [sflag:$0x3], $0x2800, $0x38;
	[tilespmem:$0x1B680] =	vst v63  }
0x2e: {  	_ =	swait.ge [sflag:s22], $0x2800  }
0x2f: {  	[sflag:s22] =	ssyncset.done $0x0  }
0x30: {  	s11 =	rddreg [dreg:$0x5];
	[sflag:s22] =	ssyncadd.s32 $0xFFFFD800  }
0x31: {  	[spmem:s11] =	stream.linear.scatter [tilespmem:s21], [sflag:$0x3], $0x2800, $0x38;
	[tilespmem:$0x1B680] =	vst v63  }
0x32: {  	_ =	swait.ge [sflag:s22], $0x2800  }
0x33: {  	[sflag:s22] =	ssyncset.done $0x0  }
0x34: {  	s8 =	rddreg [dreg:$0x6];
	[sflag:s22] =	ssyncadd.s32 $0xFFFFD800  }
0x35: {  	[spmem:s8] =	stream.linear.scatter [tilespmem:s21], [sflag:$0x3], $0x2800, $0x38;
	[tilespmem:$0x1B680] =	vst v63  }
0x36: {  	_ =	swait.ge [sflag:s22], $0x2800  }
0x37: {  	[sflag:s22] =	ssyncset.done $0x0  }
0x38: {  	s9 =	rddreg [dreg:$0x7];
	[sflag:s22] =	ssyncadd.s32 $0xFFFFD800  }
0x39: {  	[spmem:s9] =	stream.linear.scatter [tilespmem:s21], [sflag:$0x3], $0x2800, $0x38;
	[tilespmem:$0x1B680] =	vst v63  }
0x3a: {  	_ =	swait.ge [sflag:s22], $0x2800  }
0x3b: {  	[sflag:s22] =	ssyncset.done $0x0  }
0x3c: {  	s10 =	rddreg [dreg:$0x8];
	[sflag:s22] =	ssyncadd.s32 $0xFFFFD800  }
0x3d: {  	[spmem:s10] =	stream.linear.scatter [tilespmem:s21], [sflag:$0x3], $0x2800, $0x38;
	[tilespmem:$0x1B680] =	vst v63  }
0x3e: {  	_ =	swait.ge [sflag:s22], $0x2800  }
0x3f: {  	[sflag:s22] =	ssyncset.done $0x0  }
0x40: {  	s11 =	rddreg [dreg:$0x9];
	[sflag:s22] =	ssyncadd.s32 $0xFFFFD800  }
0x41: {  	[spmem:s11] =	stream.linear.scatter [tilespmem:s21], [sflag:$0x3], $0x2800, $0x38;
	[tilespmem:$0x1B680] =	vst v63  }
0x42: {  	_ =	swait.ge [sflag:s22], $0x2800  }
0x43: {  	[sflag:s22] =	ssyncset.done $0x0  }
0x44: {  	[sflag:s22] =	ssyncadd.s32 $0xFFFFD800  }
0x45: {  	[spmem:s12] =	stream.linear.scatter [tilespmem:s21], [sflag:$0x3], $0x2800, $0x38;
	[tilespmem:$0x1B680] =	vst v63  }
0x46: {  	_ =	swait.ge [sflag:s22], $0x2800  }
0x47: {  	[sflag:s22] =	ssyncset.done $0x0  }
0x48: {  	[sflag:s22] =	ssyncadd.s32 $0xFFFFD800  }
0x49: {  	s8 =	simm.s32 $0x0;
	[bflag:$0x0] =	sbarrier.arrive $0xFFFF  }
0x4a: {  	[tilespmem:s8], [sflag:$0x3] =	stream.linear.gather [hbm4b:s13+s8], $0xC80, $0x38;
	[tilespmem:$0x1B680] =	vst v63  }
0x4b: {  	_ =	swait.ge [sflag:s22], $0xC80  }
0x4c: {  	[sflag:s22] =	ssyncset.done $0x0  }
0x4d: {  	[sflag:s22] =	ssyncadd.s32 $0xFFFFF380  }
0x4e: {  	[tilespmem:s23], [sflag:$0x3] =	stream.linear.gather [hbm4b:s14+s8], $0x1400, $0x38;
	[tilespmem:$0x1B680] =	vst v63  }
0x4f: {  	_ =	swait.ge [sflag:s22], $0x1400  }
0x50: {  	[sflag:s22] =	ssyncset.done $0x0  }
0x51: {  	[sflag:s22] =	ssyncadd.s32 $0xFFFFEC00  }
0x52: {  	[tilespmem:s21], [sflag:$0x1] =	stream.indirect.gather [hbm4b:s1+s24], $0x80, s8, s24, $0xb8;
	[tilespmem:$0x1B680] =	vst v63  }
0x53: {  	_ = 	snop  }
0x54: {  	[tilespmem:s25], [sflag:$0x2] =	stream.indirect.gather [hbm4b:s1+s24], $0x80, s24, s24, $0xb8;
	[tilespmem:$0x1B680] =	vst v63  }
0x55: {  	_ =	swait.ge [sflag:s26], $0x2800  }
0x56: {  	[sflag:s26] =	ssyncset.done $0x0  }
0x57: {  	s9 =	simm.s32 $0xE80;
	[sflag:s26] =	ssyncadd.s32 $0xFFFFD800  }
0x58: {  	[spmem:s2] =	stream.indirect.scatter.add.f32 [tilespmem:s21], [sflag:$0x3], $0x80, s9, s24, $0xb8;
	[tilespmem:$0x1B680] =	vst v63  }
0x59: {  	_ =	swait.ge [sflag:s22], $0x2800  }
0x5a: {  	[sflag:s22] =	ssyncset.done $0x0  }
0x5b: {  	s10 =	simm.s32 $0xA0;
	[sflag:s22] =	ssyncadd.s32 $0xFFFFD800  }
0x5c: {  	[tilespmem:s21], [sflag:$0x1] =	stream.indirect.gather [hbm4b:s1+s24], $0x80, s10, s24, $0xb8;
	[tilespmem:$0x1B680] =	vst v63  }
0x5d: {  	_ =	swait.ge [sflag:s28], $0x2800  }
0x5e: {  	[sflag:s28] =	ssyncset.done $0x0  }
0x5f: {  	s11 =	simm.s32 $0xF00;
	[sflag:s28] =	ssyncadd.s32 $0xFFFFD800  }
0x60: {  	[spmem:s2] =	stream.indirect.scatter.add.f32 [tilespmem:s25], [sflag:$0x3], $0x80, s11, s24, $0xb8;
	[tilespmem:$0x1B680] =	vst v63  }
0x61: {  	_ =	swait.ge [sflag:s22], $0x2800  }
0x62: {  	s7 =	simm.s32 $0xF0;
	[sflag:s22] =	ssyncset.done $0x0  }
0x63: {  	s8 =	simm.s32 $0x400;
	s9 =	simm.s32 $0x190;
	[sflag:s22] =	ssyncadd.s32 $0xFFFFD800  }
.LBB2_4:
0x64: {  	[tilespmem:s25], [sflag:$0x2] =	stream.indirect.gather [hbm4b:s1+s24], $0x80, s7, s24, $0xb8;
	[tilespmem:$0x1B680] =	vst v63  }
0x65: {  	s10 =	smov.u32 s8;
	s7 =	smov.u32 s9  }
0x66: {  	p0 =	sne.s32 s8, $0x4400;
	s8 =	sadd.s32 $0x400, s8;
	_ =	swait.ge [sflag:s26], $0x2800  }
0x67: {  	s10 =	sshra.s32 s10, $0x2;
	[sflag:s26] =	ssyncset.done $0x0  }
0x68: {  	s11 =	sadd.s32 $0xE80, s10;
	[sflag:s26] =	ssyncadd.s32 $0xFFFFD800  }
0x69: {  	[spmem:s2] =	stream.indirect.scatter.add.f32 [tilespmem:s21], [sflag:$0x3], $0x80, s11, s24, $0xb8;
	[tilespmem:$0x1B680] =	vst v63  }
0x6a: {  	_ =	swait.ge [sflag:s22], $0x2800  }
0x6b: {  	[sflag:s22] =	ssyncset.done $0x0  }
0x6c: {  	s11 =	sadd.s32 $0xFFFFFFB0, s9;
	[sflag:s22] =	ssyncadd.s32 $0xFFFFD800  }
0x6d: {  	[tilespmem:s21], [sflag:$0x1] =	stream.indirect.gather [hbm4b:s1+s24], $0x80, s11, s24, $0xb8;
	[tilespmem:$0x1B680] =	vst v63  }
0x6e: {  	_ =	swait.ge [sflag:s28], $0x2800  }
0x6f: {  	[sflag:s28] =	ssyncset.done $0x0  }
.Ltmp1:
0x70: {  	s10 =	sadd.s32 $0xF00, s10;
	[sflag:s28] =	ssyncadd.s32 $0xFFFFD800;
	(pc) =	sbr.rel @p0 .LBB2_4-.Ltmp1, $4  }
0x71: {  	[spmem:s2] =	stream.indirect.scatter.add.f32 [tilespmem:s25], [sflag:$0x3], $0x80, s10, s24, $0xb8;
	[tilespmem:$0x1B680] =	vst v63  }
0x72: {  	_ =	swait.ge [sflag:s22], $0x2800  }
0x73: {  	[sflag:s22] =	ssyncset.done $0x0  }
0x74: {  	s9 =	sadd.s32 $0xA0, s9;
	[sflag:s22] =	ssyncadd.s32 $0xFFFFD800  }
0x75: {  	[tilespmem:s25], [sflag:$0x2] =	stream.indirect.gather [hbm4b:s1+s24], $0x80, s7, s24, $0xb8;
	[tilespmem:$0x1B680] =	vst v63  }
0x76: {  	_ =	swait.ge [sflag:s26], $0x2800  }
0x77: {  	[sflag:s26] =	ssyncset.done $0x0  }
0x78: {  	[sflag:s26] =	ssyncadd.s32 $0xFFFFD800  }
0x79: {  	[spmem:s2] =	stream.indirect.scatter.add.f32 [tilespmem:s21], [sflag:$0x3], $0x80, s29, s24, $0xb8;
	[tilespmem:$0x1B680] =	vst v63  }
0x7a: {  	_ =	swait.ge [sflag:s22], $0x2800  }
0x7b: {  	[sflag:s22] =	ssyncset.done $0x0  }
0x7c: {  	[sflag:s22] =	ssyncadd.s32 $0xFFFFD800  }
0x7d: {  	[tilespmem:s21], [sflag:$0x1] =	stream.indirect.gather [hbm4b:s1+s24], $0x80, s30, s24, $0xb8;
	[tilespmem:$0x1B680] =	vst v63  }
0x7e: {  	_ =	swait.ge [sflag:s28], $0x2800  }
0x7f: {  	[sflag:s28] =	ssyncset.done $0x0  }
0x80: {  	[sflag:s28] =	ssyncadd.s32 $0xFFFFD800  }
0x81: {  	[spmem:s2] =	stream.indirect.scatter.add.f32 [tilespmem:s25], [sflag:$0x3], $0x80, s31, s24, $0xb8;
	[tilespmem:$0x1B680] =	vst v63  }
0x82: {  	_ =	swait.ge [sflag:s22], $0x2800  }
0x83: {  	[sflag:s22] =	ssyncset.done $0x0  }
0x84: {  	[sflag:s22] =	ssyncadd.s32 $0xFFFFD800  }
0x85: {  	[tilespmem:s25], [sflag:$0x2] =	stream.indirect.gather [hbm4b:s1+s24], $0x80, s0, s24, $0xb8;
	[tilespmem:$0x1B680] =	vst v63  }
0x86: {  	_ =	swait.ge [sflag:s26], $0x2800  }
0x87: {  	[sflag:s26] =	ssyncset.done $0x0  }
0x88: {  	[sflag:s26] =	ssyncadd.s32 $0xFFFFD800  }
0x89: {  	[spmem:s2] =	stream.indirect.scatter.add.f32 [tilespmem:s21], [sflag:$0x3], $0x80, s3, s24, $0xb8;
	[tilespmem:$0x1B680] =	vst v63  }
0x8a: {  	_ =	swait.ge [sflag:s22], $0x2800  }
0x8b: {  	[sflag:s22] =	ssyncset.done $0x0  }
0x8c: {  	[sflag:s22] =	ssyncadd.s32 $0xFFFFD800  }
0x8d: {  	_ =	swait.ge [sflag:s28], $0x2800  }
0x8e: {  	[sflag:s28] =	ssyncset.done $0x0  }
0x8f: {  	[sflag:s28] =	ssyncadd.s32 $0xFFFFD800  }
0x90: {  	[spmem:s2] =	stream.indirect.scatter.add.f32 [tilespmem:s25], [sflag:$0x3], $0x80, s6, s24, $0xb8;
	[tilespmem:$0x1B680] =	vst v63  }
0x91: {  	_ =	swait.ge [sflag:s22], $0x2800  }
0x92: {  	[sflag:s22] =	ssyncset.done $0x0  }
0x93: {  	s8 =	simm.s32 $0x0;
	[sflag:s22] =	ssyncadd.s32 $0xFFFFD800  }
0x94: {  	[tilespmem:s8], [sflag:$0x3] =	stream.linear.gather [hbm4b:s15+s8], $0xC80, $0x38;
	[tilespmem:$0x1B680] =	vst v63  }
0x95: {  	_ =	swait.ge [sflag:s22], $0xC80  }
0x96: {  	[sflag:s22] =	ssyncset.done $0x0  }
0x97: {  	[sflag:s22] =	ssyncadd.s32 $0xFFFFF380  }
0x98: {  	[tilespmem:s23], [sflag:$0x3] =	stream.linear.gather [hbm4b:s16+s8], $0x1400, $0x38;
	[tilespmem:$0x1B680] =	vst v63  }
0x99: {  	_ =	swait.ge [sflag:s22], $0x1400  }
0x9a: {  	[sflag:s22] =	ssyncset.done $0x0  }
0x9b: {  	[sflag:s22] =	ssyncadd.s32 $0xFFFFEC00  }
0x9c: {  	[tilespmem:s21], [sflag:$0x1] =	stream.indirect.gather [hbm4b:s1+s24], $0x80, s8, s24, $0xb8;
	[tilespmem:$0x1B680] =	vst v63  }
0x9d: {  	_ = 	snop  }
0x9e: {  	[tilespmem:s25], [sflag:$0x2] =	stream.indirect.gather [hbm4b:s1+s24], $0x80, s24, s24, $0xb8;
	[tilespmem:$0x1B680] =	vst v63  }
0x9f: {  	_ =	swait.ge [sflag:s26], $0x2800  }
0xa0: {  	[sflag:s26] =	ssyncset.done $0x0  }
0xa1: {  	s9 =	simm.s32 $0xE80;
	[sflag:s26] =	ssyncadd.s32 $0xFFFFD800  }
0xa2: {  	[spmem:s2] =	stream.indirect.scatter.add.f32 [tilespmem:s21], [sflag:$0x3], $0x80, s9, s24, $0xb8;
	[tilespmem:$0x1B680] =	vst v63  }
0xa3: {  	_ =	swait.ge [sflag:s22], $0x2800  }
0xa4: {  	[sflag:s22] =	ssyncset.done $0x0  }
0xa5: {  	s10 =	simm.s32 $0xA0;
	[sflag:s22] =	ssyncadd.s32 $0xFFFFD800  }
0xa6: {  	[tilespmem:s21], [sflag:$0x1] =	stream.indirect.gather [hbm4b:s1+s24], $0x80, s10, s24, $0xb8;
	[tilespmem:$0x1B680] =	vst v63  }
0xa7: {  	_ =	swait.ge [sflag:s28], $0x2800  }
0xa8: {  	[sflag:s28] =	ssyncset.done $0x0  }
0xa9: {  	s11 =	simm.s32 $0xF00;
	[sflag:s28] =	ssyncadd.s32 $0xFFFFD800  }
0xaa: {  	[spmem:s2] =	stream.indirect.scatter.add.f32 [tilespmem:s25], [sflag:$0x3], $0x80, s11, s24, $0xb8;
	[tilespmem:$0x1B680] =	vst v63  }
0xab: {  	_ =	swait.ge [sflag:s22], $0x2800  }
0xac: {  	s7 =	simm.s32 $0xF0;
	[sflag:s22] =	ssyncset.done $0x0  }
0xad: {  	s8 =	simm.s32 $0x400;
	s9 =	simm.s32 $0x190;
	[sflag:s22] =	ssyncadd.s32 $0xFFFFD800  }
.LBB2_6:
0xae: {  	[tilespmem:s25], [sflag:$0x2] =	stream.indirect.gather [hbm4b:s1+s24], $0x80, s7, s24, $0xb8;
	[tilespmem:$0x1B680] =	vst v63  }
0xaf: {  	s10 =	smov.u32 s8;
	s7 =	smov.u32 s9  }
0xb0: {  	p0 =	sne.s32 s8, $0x4400;
	s8 =	sadd.s32 $0x400, s8;
	_ =	swait.ge [sflag:s26], $0x2800  }
0xb1: {  	s10 =	sshra.s32 s10, $0x2;
	[sflag:s26] =	ssyncset.done $0x0  }
0xb2: {  	s11 =	sadd.s32 $0xE80, s10;
	[sflag:s26] =	ssyncadd.s32 $0xFFFFD800  }
0xb3: {  	[spmem:s2] =	stream.indirect.scatter.add.f32 [tilespmem:s21], [sflag:$0x3], $0x80, s11, s24, $0xb8;
	[tilespmem:$0x1B680] =	vst v63  }
0xb4: {  	_ =	swait.ge [sflag:s22], $0x2800  }
0xb5: {  	[sflag:s22] =	ssyncset.done $0x0  }
0xb6: {  	s11 =	sadd.s32 $0xFFFFFFB0, s9;
	[sflag:s22] =	ssyncadd.s32 $0xFFFFD800  }
0xb7: {  	[tilespmem:s21], [sflag:$0x1] =	stream.indirect.gather [hbm4b:s1+s24], $0x80, s11, s24, $0xb8;
	[tilespmem:$0x1B680] =	vst v63  }
0xb8: {  	_ =	swait.ge [sflag:s28], $0x2800  }
0xb9: {  	[sflag:s28] =	ssyncset.done $0x0  }
.Ltmp2:
0xba: {  	s10 =	sadd.s32 $0xF00, s10;
	[sflag:s28] =	ssyncadd.s32 $0xFFFFD800;
	(pc) =	sbr.rel @p0 .LBB2_6-.Ltmp2, $4  }
0xbb: {  	[spmem:s2] =	stream.indirect.scatter.add.f32 [tilespmem:s25], [sflag:$0x3], $0x80, s10, s24, $0xb8;
	[tilespmem:$0x1B680] =	vst v63  }
0xbc: {  	_ =	swait.ge [sflag:s22], $0x2800  }
0xbd: {  	[sflag:s22] =	ssyncset.done $0x0  }
0xbe: {  	s9 =	sadd.s32 $0xA0, s9;
	[sflag:s22] =	ssyncadd.s32 $0xFFFFD800  }
0xbf: {  	[tilespmem:s25], [sflag:$0x2] =	stream.indirect.gather [hbm4b:s1+s24], $0x80, s7, s24, $0xb8;
	[tilespmem:$0x1B680] =	vst v63  }
0xc0: {  	_ =	swait.ge [sflag:s26], $0x2800  }
0xc1: {  	[sflag:s26] =	ssyncset.done $0x0  }
0xc2: {  	[sflag:s26] =	ssyncadd.s32 $0xFFFFD800  }
0xc3: {  	[spmem:s2] =	stream.indirect.scatter.add.f32 [tilespmem:s21], [sflag:$0x3], $0x80, s29, s24, $0xb8;
	[tilespmem:$0x1B680] =	vst v63  }
0xc4: {  	_ =	swait.ge [sflag:s22], $0x2800  }
0xc5: {  	[sflag:s22] =	ssyncset.done $0x0  }
0xc6: {  	[sflag:s22] =	ssyncadd.s32 $0xFFFFD800  }
0xc7: {  	[tilespmem:s21], [sflag:$0x1] =	stream.indirect.gather [hbm4b:s1+s24], $0x80, s30, s24, $0xb8;
	[tilespmem:$0x1B680] =	vst v63  }
0xc8: {  	_ =	swait.ge [sflag:s28], $0x2800  }
0xc9: {  	[sflag:s28] =	ssyncset.done $0x0  }
0xca: {  	[sflag:s28] =	ssyncadd.s32 $0xFFFFD800  }
0xcb: {  	[spmem:s2] =	stream.indirect.scatter.add.f32 [tilespmem:s25], [sflag:$0x3], $0x80, s31, s24, $0xb8;
	[tilespmem:$0x1B680] =	vst v63  }
0xcc: {  	_ =	swait.ge [sflag:s22], $0x2800  }
0xcd: {  	[sflag:s22] =	ssyncset.done $0x0  }
0xce: {  	[sflag:s22] =	ssyncadd.s32 $0xFFFFD800  }
0xcf: {  	[tilespmem:s25], [sflag:$0x2] =	stream.indirect.gather [hbm4b:s1+s24], $0x80, s0, s24, $0xb8;
	[tilespmem:$0x1B680] =	vst v63  }
0xd0: {  	_ =	swait.ge [sflag:s26], $0x2800  }
0xd1: {  	[sflag:s26] =	ssyncset.done $0x0  }
0xd2: {  	[sflag:s26] =	ssyncadd.s32 $0xFFFFD800  }
0xd3: {  	[spmem:s2] =	stream.indirect.scatter.add.f32 [tilespmem:s21], [sflag:$0x3], $0x80, s3, s24, $0xb8;
	[tilespmem:$0x1B680] =	vst v63  }
0xd4: {  	_ =	swait.ge [sflag:s22], $0x2800  }
0xd5: {  	[sflag:s22] =	ssyncset.done $0x0  }
0xd6: {  	[sflag:s22] =	ssyncadd.s32 $0xFFFFD800  }
0xd7: {  	_ =	swait.ge [sflag:s28], $0x2800  }
0xd8: {  	[sflag:s28] =	ssyncset.done $0x0  }
0xd9: {  	[sflag:s28] =	ssyncadd.s32 $0xFFFFD800  }
0xda: {  	[spmem:s2] =	stream.indirect.scatter.add.f32 [tilespmem:s25], [sflag:$0x3], $0x80, s6, s24, $0xb8;
	[tilespmem:$0x1B680] =	vst v63  }
0xdb: {  	_ =	swait.ge [sflag:s22], $0x2800  }
0xdc: {  	[sflag:s22] =	ssyncset.done $0x0  }
0xdd: {  	s8 =	simm.s32 $0x0;
	[sflag:s22] =	ssyncadd.s32 $0xFFFFD800  }
0xde: {  	[tilespmem:s8], [sflag:$0x3] =	stream.linear.gather [hbm4b:s17+s8], $0xE10, $0x38;
	[tilespmem:$0x1B680] =	vst v63  }
0xdf: {  	_ =	swait.ge [sflag:s22], $0xE10  }
0xe0: {  	[sflag:s22] =	ssyncset.done $0x0  }
0xe1: {  	[sflag:s22] =	ssyncadd.s32 $0xFFFFF1F0  }
0xe2: {  	[tilespmem:s23], [sflag:$0x3] =	stream.linear.gather [hbm4b:s18+s8], $0x1680, $0x38;
	[tilespmem:$0x1B680] =	vst v63  }
0xe3: {  	_ =	swait.ge [sflag:s22], $0x1680  }
0xe4: {  	[sflag:s22] =	ssyncset.done $0x0  }
0xe5: {  	[sflag:s22] =	ssyncadd.s32 $0xFFFFE980  }
0xe6: {  	[tilespmem:s21], [sflag:$0x1] =	stream.indirect.gather [hbm4b:s1+s24], $0x80, s8, s24, $0xb8;
	[tilespmem:$0x1B680] =	vst v63  }
0xe7: {  	_ = 	snop  }
0xe8: {  	[tilespmem:s25], [sflag:$0x2] =	stream.indirect.gather [hbm4b:s1+s24], $0x80, s24, s24, $0xb8;
	[tilespmem:$0x1B680] =	vst v63  }
0xe9: {  	_ =	swait.ge [sflag:s26], $0x2800  }
0xea: {  	[sflag:s26] =	ssyncset.done $0x0  }
0xeb: {  	s9 =	simm.s32 $0xE80;
	[sflag:s26] =	ssyncadd.s32 $0xFFFFD800  }
0xec: {  	[spmem:s2] =	stream.indirect.scatter.add.f32 [tilespmem:s21], [sflag:$0x3], $0x80, s9, s24, $0xb8;
	[tilespmem:$0x1B680] =	vst v63  }
0xed: {  	_ =	swait.ge [sflag:s22], $0x2800  }
0xee: {  	[sflag:s22] =	ssyncset.done $0x0  }
0xef: {  	s10 =	simm.s32 $0xA0;
	[sflag:s22] =	ssyncadd.s32 $0xFFFFD800  }
0xf0: {  	[tilespmem:s21], [sflag:$0x1] =	stream.indirect.gather [hbm4b:s1+s24], $0x80, s10, s24, $0xb8;
	[tilespmem:$0x1B680] =	vst v63  }
0xf1: {  	_ =	swait.ge [sflag:s28], $0x2800  }
0xf2: {  	[sflag:s28] =	ssyncset.done $0x0  }
0xf3: {  	s11 =	simm.s32 $0xF00;
	[sflag:s28] =	ssyncadd.s32 $0xFFFFD800  }
0xf4: {  	[spmem:s2] =	stream.indirect.scatter.add.f32 [tilespmem:s25], [sflag:$0x3], $0x80, s11, s24, $0xb8;
	[tilespmem:$0x1B680] =	vst v63  }
0xf5: {  	_ =	swait.ge [sflag:s22], $0x2800  }
0xf6: {  	s7 =	simm.s32 $0xF0;
	[sflag:s22] =	ssyncset.done $0x0  }
0xf7: {  	s8 =	simm.s32 $0x400;
	s9 =	simm.s32 $0x190;
	[sflag:s22] =	ssyncadd.s32 $0xFFFFD800  }
.LBB2_8:
0xf8: {  	[tilespmem:s25], [sflag:$0x2] =	stream.indirect.gather [hbm4b:s1+s24], $0x80, s7, s24, $0xb8;
	[tilespmem:$0x1B680] =	vst v63  }
0xf9: {  	s10 =	smov.u32 s8;
	s7 =	smov.u32 s9  }
0xfa: {  	p0 =	sne.s32 s8, $0x5000;
	s8 =	sadd.s32 $0x400, s8;
	_ =	swait.ge [sflag:s26], $0x2800  }
0xfb: {  	s10 =	sshra.s32 s10, $0x2;
	[sflag:s26] =	ssyncset.done $0x0  }
0xfc: {  	s11 =	sadd.s32 $0xE80, s10;
	[sflag:s26] =	ssyncadd.s32 $0xFFFFD800  }
0xfd: {  	[spmem:s2] =	stream.indirect.scatter.add.f32 [tilespmem:s21], [sflag:$0x3], $0x80, s11, s24, $0xb8;
	[tilespmem:$0x1B680] =	vst v63  }
0xfe: {  	_ =	swait.ge [sflag:s22], $0x2800  }
0xff: {  	[sflag:s22] =	ssyncset.done $0x0  }
0x100: {  	s11 =	sadd.s32 $0xFFFFFFB0, s9;
	[sflag:s22] =	ssyncadd.s32 $0xFFFFD800  }
0x101: {  	[tilespmem:s21], [sflag:$0x1] =	stream.indirect.gather [hbm4b:s1+s24], $0x80, s11, s24, $0xb8;
	[tilespmem:$0x1B680] =	vst v63  }
0x102: {  	_ =	swait.ge [sflag:s28], $0x2800  }
0x103: {  	[sflag:s28] =	ssyncset.done $0x0  }
.Ltmp3:
0x104: {  	s10 =	sadd.s32 $0xF00, s10;
	[sflag:s28] =	ssyncadd.s32 $0xFFFFD800;
	(pc) =	sbr.rel @p0 .LBB2_8-.Ltmp3, $4  }
0x105: {  	[spmem:s2] =	stream.indirect.scatter.add.f32 [tilespmem:s25], [sflag:$0x3], $0x80, s10, s24, $0xb8;
	[tilespmem:$0x1B680] =	vst v63  }
0x106: {  	_ =	swait.ge [sflag:s22], $0x2800  }
0x107: {  	[sflag:s22] =	ssyncset.done $0x0  }
0x108: {  	s9 =	sadd.s32 $0xA0, s9;
	[sflag:s22] =	ssyncadd.s32 $0xFFFFD800  }
0x109: {  	[tilespmem:s25], [sflag:$0x2] =	stream.indirect.gather [hbm4b:s1+s24], $0x80, s7, s24, $0xb8;
	[tilespmem:$0x1B680] =	vst v63  }
0x10a: {  	_ =	swait.ge [sflag:s26], $0x2800  }
0x10b: {  	[sflag:s26] =	ssyncset.done $0x0  }
0x10c: {  	s11 =	simm.s32 $0x2380;
	[sflag:s26] =	ssyncadd.s32 $0xFFFFD800  }
0x10d: {  	[spmem:s2] =	stream.indirect.scatter.add.f32 [tilespmem:s21], [sflag:$0x3], $0x80, s11, s24, $0xb8;
	[tilespmem:$0x1B680] =	vst v63  }
0x10e: {  	_ =	swait.ge [sflag:s22], $0x2800  }
0x10f: {  	[sflag:s22] =	ssyncset.done $0x0  }
0x110: {  	s8 =	simm.s32 $0xDC0;
	[sflag:s22] =	ssyncadd.s32 $0xFFFFD800  }
0x111: {  	[tilespmem:s21], [sflag:$0x1] =	stream.indirect.gather [hbm4b:s1+s24], $0x80, s8, s24, $0xb8;
	[tilespmem:$0x1B680] =	vst v63  }
0x112: {  	_ =	swait.ge [sflag:s28], $0x2800  }
0x113: {  	[sflag:s28] =	ssyncset.done $0x0  }
0x114: {  	s9 =	simm.s32 $0x2400;
	[sflag:s28] =	ssyncadd.s32 $0xFFFFD800  }
0x115: {  	[spmem:s2] =	stream.indirect.scatter.add.f32 [tilespmem:s25], [sflag:$0x3], $0x80, s9, s24, $0xb8;
	[tilespmem:$0x1B680] =	vst v63  }
0x116: {  	_ =	swait.ge [sflag:s22], $0x2800  }
0x117: {  	[sflag:s22] =	ssyncset.done $0x0  }
0x118: {  	[sflag:s22] =	ssyncadd.s32 $0xFFFFD800  }
0x119: {  	_ =	swait.ge [sflag:s26], $0x2800  }
0x11a: {  	[sflag:s26] =	ssyncset.done $0x0  }
0x11b: {  	s10 =	simm.s32 $0x2480;
	[sflag:s26] =	ssyncadd.s32 $0xFFFFD800  }
0x11c: {  	[spmem:s2] =	stream.indirect.scatter.add.f32 [tilespmem:s21], [sflag:$0x3], $0x80, s10, s24, $0xb8;
	[tilespmem:$0x1B680] =	vst v63  }
0x11d: {  	s11 =	stileid.u32;
	_ =	swait.ge [sflag:s22], $0x2800  }
0x11e: {  	s4 =	sadd.s32 $0x1, s4;
	s7 =	sshll.u32 s11, $0x6;
	[sflag:s22] =	ssyncset.done $0x0  }
0x11f: {  	p0 =	sne.s32 s4, s20;
	s7 =	sor.u32 $0x1C03, s7;
	[sflag:s22] =	ssyncadd.s32 $0xFFFFD800  }
.Ltmp4:
0x120: {  	s8 =	sshrl.u32 s5, $0x3;
	[bflag:$0x0] =	sbarrier.arrive $0xFFFF;
	(pc) =	sbr.rel @p0 .LBB2_1-.Ltmp4, $4  }
0x121: {  	[hbm:s19], [sflag:s7] =	dma.local [spmem:s8], $0x2800  }
0x122: {  	_ =	swait.ge [sflag:s22], $0x2800  }
0x123: {  	[sflag:s22] =	ssyncset.done $0x0  }
0x124: {  	[sflag:s22] =	ssyncadd.s32 $0xFFFFD800  }
0x125: {  	_ =	sfence.sel $0x180000  }
0x126: {  	[bflag:$0x0] =	sbarrier.arrive $0xFFFF  }
0x127: {  	_ =	strace $0x9000004A  }
0x128: {  	s0 =	stileid.u32;
	[bflag:$0x2] =	sbarrier.arrive $0xFFFF  }
0x129: {  	p0 =	sne.s32 s0, $0x0;
	s0 =	rddreg [dreg:$0x3]  }
0x12a: {  	s0 =	sadd.s32 @!p0 $0x100000, s0  }
0x12b: {  	[sflag:s0] =	ssyncadd.tile.s32 @!p0 $0x1;
	_ =	shalt  }
.Lfunc_end2:
_tile_overlayer_lowered:
.L_overlay_start_2:
0x12c: {  	(tag) =	ssettag $0x2  }
0x12d: {  	s0 =	rddreg [dreg:$0x0];
	s2 =	stileid.u32  }
0x12e: {  	s1 =	rddreg [dreg:$0x1];
	p0 =	sne.s32 s2, $0x0  }
0x12f: {  	s3 =	rddreg [dreg:$0x2];
	[bflag:$0x3] =	sbarrier.arrive $0xFFFF;
	s2 =	simm.s32 @!p0 $0x1C03  }
0x130: {  	[timem:s3], [sflag:s2] =	dma.local @!p0 [hbm:s0], s1  }
0x131: {  	s0 =	simm.s32 @!p0 $0x3  }
0x132: {  	_ =	swait.ge @!p0 [sflag:s0], s1  }
0x133: {  	s1 =	ssub.s32 @!p0 $0x0, s1;
	[sflag:s0] =	ssyncset.done @!p0 $0x0  }
0x134: {  	[sflag:s0] =	ssyncadd.s32 @!p0 s1  }
0x135: {  	[bflag:$0x3] =	sbarrier.arrive $0xFFFF  }
0x136: {  	_ =	shalt  }

// kernel: kernel.7.cloned.1.call-start
scs
__scs_entry_jumppad:
0x0: {  	(pc) =	sbr.rel $0x88, $3  }
0x1: {  	(tag) =	ssettag $0x0;
	lr =	simm.s32 $0x1  }
0x2: {  	[smem:$0x3F9C] =	sst lr;
	_ =	strace $0xD0000000  }
0x3: {  	_ = 	snop  }
0x4: {  	_ = 	snop  }
0x5: {  	_ = 	snop  }
0x6: {  	_ = 	snop  }
0x7: {  	_ = 	snop  }
__scs_overlays_trampoline_lowered:
0x8: {  	[smem:$0x3FAB] =	sst s0  }
0x9: {  	[smem:$0x3FAC] =	sst s1  }
0xa: {  	[smem:$0x3FAD] =	sst s2  }
0xb: {  	[smem:$0x3FAE] =	sst s3  }
0xc: {  	[smem:$0x3FAF] =	sst s4  }
0xd: {  	[smem:$0x3FB0] =	sst s5  }
0xe: {  	[smem:$0x3FB1] =	sst s6  }
0xf: {  	[smem:$0x3FB2] =	sst s7  }
0x10: {  	[smem:$0x3FB3] =	sst s8  }
0x11: {  	[smem:$0x3FB4] =	sst s9;
	s0 =	simm.s32 @!p0 $0x0  }
0x12: {  	s1 =	sld [smem:$0x3F9A];
	s0 =	simm.s32 @p0 $0x1  }
0x13: {  	[smem:$0x3FB5] =	sst s0;
	s0 =	simm.s32 @!p1 $0x0  }
0x14: {  	s2 =	sld [smem:$0x3F99];
	s0 =	simm.s32 @p1 $0x1  }
0x15: {  	[smem:$0x3FB6] =	sst s0;
	s0 =	simm.s32 @!p2 $0x0  }
0x16: {  	s3 =	sld [smem:$0x3FDB];
	s0 =	simm.s32 @p2 $0x1  }
0x17: {  	s4 =	simm.s32 $0x1BF5;
	[smem:$0x3FB8] =	sst s0  }
0x18: {  	s0 =	sld [smem:$0x3F9B];
	_ =	swait.ge [sflag:s4], $0x0  }
0x19: {  	s7 =	sld [smem:$0x3F9C]  }
0x1a: {  	s8 =	sadd.s32 $0xFFFFE003, lr  }
0x1b: {  	s9 =	sadd.s32 $0xFFFFFEF7, lr;
	s5 =	simm.s32 $0xFFFFFFFF;
	p2 =	slt.u32 s8, $0xFFFFF086  }
0x1c: {  	p1 =	slt.u32 s9, $0xF7A;
	s5 =	simm.s32 @!p2 $0x0  }
0x1d: {  	s5 =	simm.s32 @p1 $0x1;
	p0 =	seq.s32 s7, s2  }
0x1e: {  	s7 =	smul.u32 @!p0 $0xF7A, s2;
	p2 =	seq.s32 @!p0 s5, $0x0  }
0x1f: {  	s9 =	smul.u32 $0xF7A, s1;
	s8 =	simm.s32 @!p0 $0x1BF5;
	p2 =	por !p2, p0  }
0x20: {  	[sflag:s8] =	ssyncset.s32 @!p0 $0xFFFFF086;
	s6 =	sadd.s32 @!p0 s3, s7;
	s7 =	simm.s32 @!p0 $0x108  }
0x21: {  	s3 =	sadd.s32 s3, s9;
	s6 =	sadd.s32 @!p0 $0x88, s6;
	s7 =	simm.s32 @p2 $0x1082  }
0x22: {  	[simem:s7], [sflag:s8] =	dma.local @!p0 [hbm:s6], $0xF7A  }
0x23: {  	s9 =	sor.u32 $0xD0000000, s2;
	s6 =	simm.s32 $0x108;
	_ =	swait.ge @!p0 [sflag:s8], $0x0  }
0x24: {  	s3 =	sadd.s32 $0x88, s3;
	s6 =	simm.s32 @!p1 $0x1082;
	[sflag:s4] =	ssyncset.s32 $0xFFFFF086  }
0x25: {  	[simem:s6], [sflag:s4] =	dma.local [hbm:s3], $0xF7A  }
0x26: {  	[smem:$0x3F9C] =	sst s1;
	(tag) =	ssettag s2;
	_ =	strace s9  }
0x27: {  	s1 =	sld [smem:$0x3FAC]  }
0x28: {  	s2 =	sld [smem:$0x3FAD]  }
0x29: {  	s4 =	sld [smem:$0x3FAF]  }
0x2a: {  	p0 =	seq.s32 s5, $0x0;
	s5 =	sld [smem:$0x3FB0]  }
0x2b: {  	s6 =	sld [smem:$0x3FB1]  }
0x2c: {  	s7 =	sld [smem:$0x3FB2]  }
0x2d: {  	s3 =	simm.s32 $0x108;
	s8 =	sld [smem:$0x3FB3]  }
0x2e: {  	s3 =	simm.s32 @!p0 $0x1082;
	s9 =	sld [smem:$0x3FB4]  }
0x2f: {  	lr =	sadd.s32 s0, s3;
	s0 =	sld [smem:$0x3FAB]  }
0x30: {  	s3 =	sld [smem:$0x3FAE]  }
0x31: {  	[smem:$0x3FB7] =	sst s10  }
0x32: {  	s10 =	sld [smem:$0x3FB5];
	_ =	sdelay $0x3  }
0x33: {  	p0 =	seq.s32 s10, $0x1;
	s10 =	sld [smem:$0x3FB7];
	_ =	sdelay $0x3  }
0x34: {  	[smem:$0x3FB7] =	sst s10  }
0x35: {  	s10 =	sld [smem:$0x3FB6];
	_ =	sdelay $0x3  }
0x36: {  	p1 =	seq.s32 s10, $0x1;
	s10 =	sld [smem:$0x3FB7];
	_ =	sdelay $0x3  }
0x37: {  	[smem:$0x3FB7] =	sst s10  }
0x38: {  	s10 =	sld [smem:$0x3FB8]  }
0x39: {  	_ = 	snop;
	(pc) =	sbr.ind lr, $3  }
0x3a: {  	_ = 	snop  }
0x3b: {  	_ = 	snop  }
0x3c: {  	p2 =	seq.s32 s10, $0x1;
	s10 =	sld [smem:$0x3FB7]  }
0x3d: {  	_ =	shalt  }
0x3e: {  	_ =	shalt  }
0x3f: {  	_ =	shalt  }
0x40: {  	_ =	shalt  }
0x41: {  	_ =	shalt  }
0x42: {  	_ =	shalt  }
0x43: {  	_ =	shalt  }
0x44: {  	_ =	shalt  }
0x45: {  	_ =	shalt  }
0x46: {  	_ =	shalt  }
0x47: {  	_ =	shalt  }
0x48: {  	_ =	shalt  }
0x49: {  	_ =	shalt  }
0x4a: {  	_ =	shalt  }
0x4b: {  	_ =	shalt  }
0x4c: {  	_ =	shalt  }
0x4d: {  	_ =	shalt  }
0x4e: {  	_ =	shalt  }
0x4f: {  	_ =	shalt  }
0x50: {  	_ =	shalt  }
0x51: {  	_ =	shalt  }
0x52: {  	_ =	shalt  }
0x53: {  	_ =	shalt  }
0x54: {  	_ =	shalt  }
0x55: {  	_ =	shalt  }
0x56: {  	_ =	shalt  }
0x57: {  	_ =	shalt  }
0x58: {  	_ =	shalt  }
0x59: {  	_ =	shalt  }
0x5a: {  	_ =	shalt  }
0x5b: {  	_ =	shalt  }
0x5c: {  	_ =	shalt  }
0x5d: {  	_ =	shalt  }
0x5e: {  	_ =	shalt  }
0x5f: {  	_ =	shalt  }
0x60: {  	_ =	shalt  }
0x61: {  	_ =	shalt  }
0x62: {  	_ =	shalt  }
0x63: {  	_ =	shalt  }
0x64: {  	_ =	shalt  }
0x65: {  	_ =	shalt  }
0x66: {  	_ =	shalt  }
0x67: {  	_ =	shalt  }
0x68: {  	_ =	shalt  }
0x69: {  	_ =	shalt  }
0x6a: {  	_ =	shalt  }
0x6b: {  	_ =	shalt  }
0x6c: {  	_ =	shalt  }
0x6d: {  	_ =	shalt  }
0x6e: {  	_ =	shalt  }
0x6f: {  	_ =	shalt  }
0x70: {  	_ =	shalt  }
0x71: {  	_ =	shalt  }
0x72: {  	_ =	shalt  }
0x73: {  	_ =	shalt  }
0x74: {  	_ =	shalt  }
0x75: {  	_ =	shalt  }
0x76: {  	_ =	shalt  }
0x77: {  	_ =	shalt  }
0x78: {  	_ =	shalt  }
0x79: {  	_ =	shalt  }
0x7a: {  	_ =	shalt  }
0x7b: {  	_ =	shalt  }
0x7c: {  	_ =	shalt  }
0x7d: {  	_ =	shalt  }
0x7e: {  	_ =	shalt  }
0x7f: {  	_ =	shalt  }
0x80: {  	_ =	shalt  }
0x81: {  	_ =	shalt  }
0x82: {  	_ =	shalt  }
0x83: {  	_ =	shalt  }
0x84: {  	_ =	shalt  }
0x85: {  	_ =	shalt  }
0x86: {  	_ =	shalt  }
0x87: {  	_ =	shalt  }
.Lfunc_end0:
.L_simem_size_0:
called_computation_lowered:
.L_overlay_start_0:
0x88: {  	s2 =	sld [smem:$0x3FD9]  }
0x89: {  	s3 =	sld [smem:$0x3FFE];
	_ =	sdelay $0x1  }
0x8a: {  	s1 =	srdreg.scid  }
0x8b: {  	s0 =	sand.u32 $0x1, s1  }
0x8c: {  	s17 =	sshll.u32 s0, $0xA;
	s2 =	sadd.s32 s3, s2  }
0x8d: {  	s2 =	sadd.s32 s2, s17  }
0x8e: {  	[smem:$0x3FC3] =	sst s2  }
0x8f: {  	_ = 	snop  }
0x90: {  	s2 =	sld [smem:$0x3FD0];
	(tm) =	ssettm $0x1  }
0x91: {  	s18 =	sld [smem:$0x3FFB];
	_ =	sdelay $0x3  }
0x92: {  	_ =	strace s18  }
0x93: {  	s3 =	sld [smem:$0x3FFC];
	_ =	sdelay $0x3  }
0x94: {  	_ =	strace s3  }
0x95: {  	s3 =	sld [smem:$0x3FFD];
	_ =	sdelay $0x3  }
0x96: {  	_ =	strace s3  }
0x97: {  	_ =	strace $0x8FFFFFFF  }
0x98: {  	s19 =	sld [smem:$0x3FDB];
	_ =	sdelay $0x1  }
0x99: {  	s4 =	simm.s32 $_scs_section_size  }
0x9a: {  	s5 =	simm.s32 $_size__tile_overlayer_lowered;
	s6 =	simm.s32 $_tile_overlayer_lowered  }
0x9b: {  	s22 =	simm.s32 $0x1BFF;
	s21 =	sshll.u32 s6, $0x1;
	s3 =	sadd.s32 s4, s19  }
0x9c: {  	s7 =	simm.s32 $0x0;
	s20 =	sshll.u32 s5, $0x1;
	s5 =	sadd.s32 s21, s3  }
0x9d: {  	[timem:s7], [sflag:s22] =	dma.local [hbm:s5], s20  }
0x9e: {  	_ =	swait.ge [sflag:s22], s20  }
0x9f: {  	s4 =	ssub.s32 $0x0, s20;
	[sflag:s22] =	ssyncset.done $0x0  }
0xa0: {  	[sflag:s22] =	ssyncadd.s32 s4;
	_ =	sdelay $0x1  }
0xa1: {  	s23 =	simm.s32 $0x1B8B  }
0xa2: {  	_ =	swait.ge [sflag:s23], $0x1  }
0xa3: {  	[sflag:s23] =	ssyncset.done $0x0  }
0xa4: {  	s25 =	simm.s32 $0x1B8E;
	s24 =	sld [smem:$0x3FFE];
	[sflag:s23] =	ssyncadd.s32 $0xFFFFFFFF  }
0xa5: {  	s26 =	simm.s32 $execute0_lowered;
	[smem:$0x3FD2] =	sst s25  }
0xa6: {  	s5 =	sshll.u32 s26, $0x1;
	_ =	strace $0x80000046;
	[dreg:$0x1] =	wrdreg $0xFFFFFFFF  }
0xa7: {  	s28 =	simm.s32 $_size_execute0_lowered;
	s3 =	sadd.s32 s3, s5;
	[dreg:$0x0] =	wrdreg $0x0  }
0xa8: {  	s5 =	sshll.u32 s28, $0x1;
	[dreg:$0x2] =	wrdreg s3  }
0xa9: {  	[dreg:$0x3] =	wrdreg s5  }
0xaa: {  	[dreg:$0x4] =	wrdreg $0xC0  }
0xab: {  	_ =	task [dreg:s7], $0x5FFFF  }
0xac: {  	[dreg:$0x1] =	wrdreg $0xFFFFFFFF  }
0xad: {  	[dreg:$0x0] =	wrdreg $0x60  }
0xae: {  	[dreg:$0x2] =	wrdreg s24  }
0xaf: {  	[dreg:$0x3] =	wrdreg s2  }
0xb0: {  	[dreg:$0x4] =	wrdreg $0x43000  }
0xb1: {  	[dreg:$0x5] =	wrdreg $0x9  }
0xb2: {  	_ =	task.clear_ibuf [dreg:s7], $0x6FFFF;
	_ =	strace $0x90000046  }
0xb3: {  	s29 =	simm.s32 $0x9;
	_ =	strace $0x80000048  }
0xb4: {  	_ =	swait.ge [sflag:s29], $0x1  }
0xb5: {  	[sflag:s29] =	ssyncadd.s32 $0xFFFFFFFF  }
0xb6: {  	_ =	strace $0x90000048  }
0xb7: {  	_ =	sfence  }
0xb8: {  	s30 =	sld [smem:$0x0];
	_ =	sdelay $0x2  }
0xb9: {  	s31 =	sshll.u32 s1, $0xD;
	s1 =	sshrl.u32 s1, $0x2  }
0xba: {  	s3 =	sand.u32 $0x4000, s31;
	s1 =	sadd.s32 s1, s30  }
0xbb: {  	s0 =	sor.u32 s3, s0;
	s1 =	sshll.u32 s1, $0x11  }
0xbc: {  	s0 =	sor.u32 s1, s0  }
0xbd: {  	s0 =	sadd.s32 $0x8F2B, s0  }
0xbe: {  	[sflag:s0] =	ssyncadd.remote.s32 $0x1  }
0xbf: {  	_ =	sfence.sel $0xFFFF  }
0xc0: {  	[dreg:$0x0] =	wrdreg $0xFFFFFFFF;
	(pc) =	sbr.abs _section_cstart, $3  }
0xc1: {  	[dreg:$0x1] =	wrdreg $0xFFFFFFFF  }
0xc2: {  	_ =	task.clear_ibuf [dreg:s7], $0x2FFFF;
	_ =	strace $0x9FFFFFFF  }
0xc3: {  	(tm) =	ssettm $0x7FFFFFFF  }
tec
execute0_lowered:
.L_overlay_start_1:
0x0: {  	(tag) =	ssettag $0x1  }
0x1: {  	s4 =	rddreg [dreg:$0x0]  }
0x2: {  	s6 =	rddreg [dreg:$0x1]  }
0x3: {  	s1 =	rddreg [dreg:$0x2]  }
0x4: {  	s0 =	rddreg [dreg:$0x3]  }
0x5: {  	s3 =	simm.s32 $0x0;
	s5 =	srdreg.scid;
	s2 =	stileid.u32  }
0x6: {  	s11 =	simm.s32 $0x4000;
	s14 =	simm.s32 $0x20;
	s15 =	simm.s32 $0x10  }
0x7: {  	s16 =	simm.s32 $0x0;
	[smem:$0x7FF] =	sst s3;
	s9 =	smul.u32 $0xA00, s2  }
0x8: {  	s5 =	sand.u32 $0x1, s5;
	s7 =	sshll.u32 s2, $0xB;
	s10 =	smul.u32 $0x500, s2  }
0x9: {  	s12 =	sshll.u32 s2, $0x6;
	_ =	strace $0x80000047;
	s8 =	ssub.s32 $0x2, s5  }
0xa: {  	s4 =	sadd.s32 s7, s4;
	s30 =	sshll.u32 s5, $0xF;
	s5 =	sshll.u32 s5, $0x7  }
0xb: {  	s12 =	sor.u32 $0x1C01, s12;
	s29 =	sshrl.u32 s8, $0x1;
	s9 =	sshrl.u32 s9, $0x2  }
0xc: {  	s10 =	sor.u32 s5, s10;
	s7 =	ssub.s32 s8, s29;
	s8 =	sadd.s32 s30, s4  }
0xd: {  	s4 =	sadd.s32 s9, s1;
	s31 =	sshrl.u32 s10, $0x3;
	s9 =	simm.s32 $0x1  }
0xe: {  	s10 =	simm.s32 $0x50;
	s5 =	sadd.s32 $0xB200, s8;
	s6 =	sadd.s32 s6, s31  }
0xf: {  	v0 =	vimm.f32 $0.0e+00;
	v1 =	vimm.f32 $1.000000000e+00;
	s7 =	smax.u32 s7, $0x1;
	s8 =	simm.s32 $0x4080;
	s13 =	sshrl.u32 s4, $0x3  }
.LBB2_1:
0x10: {  	[tilespmem:$0x4080] =	vst v0  }
0x11: {  	[tilespmem:$0x4090] =	vst v0  }
0x12: {  	[tilespmem:$0x40A0] =	vst v0  }
0x13: {  	[tilespmem:$0x40B0] =	vst v0  }
0x14: {  	[tilespmem:$0x40C0] =	vst v0  }
0x15: {  	[tilespmem:$0x40D0] =	vst v0  }
0x16: {  	[tilespmem:$0x40E0] =	vst v0  }
0x17: {  	[tilespmem:$0x40F0] =	vst v0  }
0x18: {  	[tilespmem:$0x4100] =	vst v0  }
0x19: {  	[tilespmem:$0x4110] =	vst v0  }
0x1a: {  	[tilespmem:$0x4120] =	vst v0  }
0x1b: {  	[tilespmem:$0x4130] =	vst v0  }
0x1c: {  	[tilespmem:$0x4140] =	vst v0  }
0x1d: {  	[tilespmem:$0x4150] =	vst v0  }
0x1e: {  	[tilespmem:$0x4160] =	vst v0  }
0x1f: {  	[tilespmem:$0x4170] =	vst v0  }
0x20: {  	[tilespmem:$0x4180] =	vst v0  }
0x21: {  	[tilespmem:$0x4190] =	vst v0  }
0x22: {  	[tilespmem:$0x41A0] =	vst v0  }
0x23: {  	[tilespmem:$0x41B0] =	vst v0  }
0x24: {  	[tilespmem:$0x41C0] =	vst v0  }
0x25: {  	[tilespmem:$0x41D0] =	vst v0  }
0x26: {  	[tilespmem:$0x41E0] =	vst v0  }
0x27: {  	[tilespmem:$0x41F0] =	vst v0  }
0x28: {  	[tilespmem:$0x4200] =	vst v0  }
0x29: {  	[tilespmem:$0x4210] =	vst v0  }
0x2a: {  	[tilespmem:$0x4220] =	vst v0  }
0x2b: {  	[tilespmem:$0x4230] =	vst v0  }
0x2c: {  	[tilespmem:$0x4240] =	vst v0  }
0x2d: {  	[tilespmem:$0x4250] =	vst v0  }
0x2e: {  	[tilespmem:$0x4260] =	vst v0  }
0x2f: {  	[tilespmem:$0x4270] =	vst v0  }
0x30: {  	[tilespmem:$0x4280] =	vst v0  }
0x31: {  	[tilespmem:$0x4290] =	vst v0  }
0x32: {  	[tilespmem:$0x42A0] =	vst v0  }
0x33: {  	[tilespmem:$0x42B0] =	vst v0  }
0x34: {  	[tilespmem:$0x42C0] =	vst v0  }
0x35: {  	[tilespmem:$0x42D0] =	vst v0  }
0x36: {  	[tilespmem:$0x42E0] =	vst v0  }
0x37: {  	[tilespmem:$0x42F0] =	vst v0  }
0x38: {  	[spmem:s4] =	stream.linear.scatter [tilespmem:s8], [sflag:$0x1], $0x280, $0x38;
	[tilespmem:$0x4580] =	vst v63  }
0x39: {  	_ =	swait.ge [sflag:s9], $0x280  }
0x3a: {  	[sflag:s9] =	ssyncset.done $0x0  }
0x3b: {  	[sflag:s9] =	ssyncadd.s32 $0xFFFFFD80  }
0x3c: {  	[tilespmem:$0x4000] =	vst v1  }
0x3d: {  	[tilespmem:$0x4010] =	vst v1  }
0x3e: {  	[tilespmem:$0x4020] =	vst v1  }
0x3f: {  	[tilespmem:$0x4030] =	vst v1  }
0x40: {  	[tilespmem:$0x4040] =	vst v1  }
0x41: {  	[tilespmem:s3], [sflag:$0x1] =	stream.linear.gather [hbm4b:s5+s3], $0x3E80, $0x38;
	[tilespmem:$0x4580] =	vst v63  }
0x42: {  	_ =	swait.ge [sflag:s9], $0x3E80  }
0x43: {  	[sflag:s9] =	ssyncset.done $0x0  }
0x44: {  	[sflag:s9] =	ssyncadd.s32 $0xFFFFC180  }
0x45: {  	s17 =	simm.s32 $0x0;
	[bflag:$0x0] =	sbarrier.arrive $0xFFFF  }
0x46: {  	[spmem:s1] =	stream.indirect.scatter.add.f32 [tilespmem:s11], [sflag:$0x1], $0x1, s17, s10, $0xb8;
	[tilespmem:$0x4580] =	vst v63  }
0x47: {  	_ =	swait.ge [sflag:s9], $0x50  }
0x48: {  	s17 =	simm.s32 $0x200;
	[sflag:s9] =	ssyncset.done $0x0  }
.LBB2_2:
0x49: {  	s18 =	sshra.s32 s17, $0x2;
	[sflag:s9] =	ssyncadd.s32 $0xFFFFFFB0;
	p0 =	sne.s32 s17, $0xF800  }
0x4a: {  	[spmem:s1] =	stream.indirect.scatter.add.f32 [tilespmem:s11], [sflag:$0x1], $0x1, s18, s10, $0xb8;
	[tilespmem:$0x4580] =	vst v63  }
.Ltmp0:
0x4b: {  	_ = 	snop;
	(pc) =	sbr.rel @p0 .LBB2_2-.Ltmp0, $4  }
0x4c: {  	_ = 	snop  }
0x4d: {  	s17 =	sadd.s32 $0x200, s17  }
0x4e: {  	_ =	swait.ge [sflag:s9], $0x50  }
0x4f: {  	[sflag:s9] =	ssyncset.done $0x0  }
0x50: {  	s16 =	sadd.s32 $0x1, s16  }
0x51: {  	[sflag:s9] =	ssyncadd.s32 $0xFFFFFFB0;
	p0 =	sne.s32 s16, s7  }
.Ltmp1:
0x52: {  	[bflag:$0x0] =	sbarrier.arrive $0xFFFF;
	(pc) =	sbr.rel @p0 .LBB2_1-.Ltmp1, $4  }
0x53: {  	[hbm:s6@s14], [sflag:s12] =	dma.strided [spmem:s13@s15], $0x50, s9, $0x10   }
0x54: {  	_ =	swait.ge [sflag:s9], $0x50  }
0x55: {  	[sflag:s9] =	ssyncset.done $0x0  }
0x56: {  	[sflag:s9] =	ssyncadd.s32 $0xFFFFFFB0  }
0x57: {  	_ =	sfence.sel $0x180000  }
0x58: {  	[bflag:$0x0] =	sbarrier.arrive $0xFFFF  }
0x59: {  	p0 =	sne.s32 s2, $0x0;
	_ =	strace $0x90000047  }
0x5a: {  	s0 =	sadd.s32 @!p0 $0x100000, s0;
	[bflag:$0x2] =	sbarrier.arrive $0xFFFF  }
0x5b: {  	[sflag:s0] =	ssyncadd.tile.s32 @!p0 $0x1;
	_ =	shalt  }
.Lfunc_end2:
_tile_overlayer_lowered:
.L_overlay_start_2:
0x5c: {  	(tag) =	ssettag $0x2  }
0x5d: {  	s0 =	rddreg [dreg:$0x0];
	s2 =	stileid.u32  }
0x5e: {  	s1 =	rddreg [dreg:$0x1];
	p0 =	sne.s32 s2, $0x0  }
0x5f: {  	s3 =	rddreg [dreg:$0x2];
	[bflag:$0x3] =	sbarrier.arrive $0xFFFF;
	s2 =	simm.s32 @!p0 $0x1C01  }
0x60: {  	[timem:s3], [sflag:s2] =	dma.local @!p0 [hbm:s0], s1  }
0x61: {  	s0 =	simm.s32 @!p0 $0x1  }
0x62: {  	_ =	swait.ge @!p0 [sflag:s0], s1  }
0x63: {  	s1 =	ssub.s32 @!p0 $0x0, s1;
	[sflag:s0] =	ssyncset.done @!p0 $0x0  }
0x64: {  	[sflag:s0] =	ssyncadd.s32 @!p0 s1  }
0x65: {  	[bflag:$0x3] =	sbarrier.arrive $0xFFFF  }
0x66: {  	_ =	shalt  }

</sc_bundles>
